<compile_context>
chip_gen: v7x
topology: tpu7x:2x2x1
jax: 0.10.2.dev20260603
libtpu: 0.0.44.dev20260713+nightly
codegen_flags: <defaults>
</compile_context>

<pallas_src>
import jax
import jax.numpy as jnp
from jax import lax
from jax.experimental import pallas as pl
from jax.experimental.pallas import tpu as pltpu
from jax.experimental.pallas import tpu_sc as plsc

N_NODES = 10000
D = 128
E = 320000

NC = 2
NS = 16
NW = NC * NS

CH = 128
E_PER_W = E // NW
NCH = 80
E_PAD_W = NCH * CH
N_PAD = 10240
RPT = N_PAD // NS
ZC = RPT // CH
G = 16
NG = NCH // G

_mesh = plsc.VectorSubcoreMesh(core_axis_name="c", subcore_axis_name="s")


def _agg_body(y_hbm, srcs_hbm, dsts_hbm, agg_out, src_v, dst_v, rows_v,
              agg_sh, sem):
  c = lax.axis_index("c")
  s = lax.axis_index("s")
  wid = s * NC + c

  zero16 = jnp.zeros((16,), jnp.float32)

  def zrow(i, carry):
    for j in range(D // 16):
      rows_v[i, pl.ds(j * 16, 16)] = zero16
    return carry
  lax.fori_loop(0, CH, zrow, 0)
  for z in range(ZC):
    pltpu.sync_copy(rows_v, agg_sh.at[pl.ds(s * RPT + z * CH, CH)])

  plsc.subcore_barrier()

  def chunk(j, carry):
    pltpu.async_copy(y_hbm.at[src_v.at[j]], rows_v, sem).wait()
    pltpu.sync_copy(rows_v, agg_sh.at[dst_v.at[j]], add=True)
    return carry
  for g in range(NG):
    pltpu.sync_copy(srcs_hbm.at[wid, pl.ds(g * G, G)], src_v)
    pltpu.sync_copy(dsts_hbm.at[wid, pl.ds(g * G, G)], dst_v)
    lax.fori_loop(0, G, chunk, 0)

  plsc.subcore_barrier()

  sl = pl.ds(s * RPT, RPT)
  pltpu.sync_copy(agg_sh.at[sl], agg_out.at[c, sl])


_sc_agg = pl.kernel(
    _agg_body,
    out_type=jax.ShapeDtypeStruct((NC, N_PAD, D), jnp.float32),
    mesh=_mesh,
    scratch_types=[
        pltpu.VMEM((G, CH), jnp.int32),
        pltpu.VMEM((G, CH), jnp.int32),
        pltpu.VMEM((CH, D), jnp.float32),
        pltpu.VMEM_SHARED((N_PAD, D), jnp.float32),
        pltpu.SemaphoreType.DMA,
    ])


def _deg_body(dsts_hbm, deg_out, dst_v, ones_v, deg_sh):
  c = lax.axis_index("c")
  s = lax.axis_index("s")
  wid = s * NC + c

  zero16 = jnp.zeros((16,), jnp.float32)
  one16 = jnp.ones((16,), jnp.float32)

  def zrow(i, carry):
    for j in range(D // 16):
      ones_v[i, pl.ds(j * 16, 16)] = zero16
    return carry
  lax.fori_loop(0, CH, zrow, 0)
  for z in range(ZC):
    pltpu.sync_copy(ones_v, deg_sh.at[pl.ds(s * RPT + z * CH, CH)])

  def orow(i, carry):
    for j in range(D // 16):
      ones_v[i, pl.ds(j * 16, 16)] = one16
    return carry
  lax.fori_loop(0, CH, orow, 0)

  plsc.subcore_barrier()

  def chunk(j, carry):
    pltpu.sync_copy(ones_v, deg_sh.at[dst_v.at[j]], add=True)
    return carry
  for g in range(NG):
    pltpu.sync_copy(dsts_hbm.at[wid, pl.ds(g * G, G)], dst_v)
    lax.fori_loop(0, G, chunk, 0)

  plsc.subcore_barrier()

  sl = pl.ds(s * RPT, RPT)
  pltpu.sync_copy(deg_sh.at[sl], deg_out.at[c, sl])


_sc_degree = pl.kernel(
    _deg_body,
    out_type=jax.ShapeDtypeStruct((NC, N_PAD, D), jnp.float32),
    mesh=_mesh,
    scratch_types=[
        pltpu.VMEM((G, CH), jnp.int32),
        pltpu.VMEM((CH, D), jnp.float32),
        pltpu.VMEM_SHARED((N_PAD, D), jnp.float32),
    ])


_DOT_T = (((1,), (1,)), ((), ()))


def _proj_body(x_ref, wl_ref, wr_ref, b_ref, y_ref, r_ref):
  xx = x_ref[...]
  y_ref[...] = lax.dot_general(xx, wl_ref[...], _DOT_T,
                               preferred_element_type=jnp.float32)
  r_ref[...] = lax.dot_general(xx, wr_ref[...], _DOT_T,
                               preferred_element_type=jnp.float32) + b_ref[...]


def _mid_body(agg_ref, degp_ref, r0_ref, wl_ref, wr_ref, b_ref, y_ref, r_ref):
  deg = jnp.maximum(degp_ref[0] + degp_ref[1], 1.0)
  mean = (agg_ref[0] + agg_ref[1]) / deg
  h = jnp.maximum(mean + r0_ref[...], 0.0)
  y_ref[...] = lax.dot_general(h, wl_ref[...], _DOT_T,
                               preferred_element_type=jnp.float32)
  r_ref[...] = lax.dot_general(h, wr_ref[...], _DOT_T,
                               preferred_element_type=jnp.float32) + b_ref[...]


def _final_body(agg_ref, degp_ref, r1_ref, out_ref):
  deg = jnp.maximum(degp_ref[0] + degp_ref[1], 1.0)
  out_ref[...] = (agg_ref[0] + agg_ref[1]) / deg + r1_ref[...]


M_BLK = 1000
_GRID = N_NODES // M_BLK

_row_spec = pl.BlockSpec((M_BLK, D), lambda i: (i, 0))
_w_spec = pl.BlockSpec((D, D), lambda i: (0, 0))
_b_spec = pl.BlockSpec((1, D), lambda i: (0, 0))
_agg_spec = pl.BlockSpec((NC, M_BLK, D), lambda i: (0, i, 0))
_row_out = jax.ShapeDtypeStruct((N_NODES, D), jnp.float32)

_proj = pl.pallas_call(
    _proj_body, grid=(_GRID,),
    in_specs=[_row_spec, _w_spec, _w_spec, _b_spec],
    out_specs=[_row_spec, _row_spec],
    out_shape=[_row_out, _row_out])

_mid = pl.pallas_call(
    _mid_body, grid=(_GRID,),
    in_specs=[_agg_spec, _agg_spec, _row_spec, _w_spec, _w_spec, _b_spec],
    out_specs=[_row_spec, _row_spec],
    out_shape=[_row_out, _row_out])

_final = pl.pallas_call(
    _final_body, grid=(_GRID,),
    in_specs=[_agg_spec, _agg_spec, _row_spec],
    out_specs=_row_spec,
    out_shape=_row_out)


def kernel(x, edge_index, W_l0, b_l0, W_r0, W_l1, b_l1, W_r1):
  ei = edge_index.astype(jnp.int32).reshape(2, NW, E_PER_W)
  pad = ((0, 0), (0, E_PAD_W - E_PER_W))
  srcs = jnp.pad(ei[0], pad).reshape(NW, NCH, CH)
  dsts = jnp.pad(ei[1], pad, constant_values=N_NODES).reshape(NW, NCH, CH)

  degp = _sc_degree(dsts)
  y0, r0 = _proj(x, W_l0, W_r0, b_l0.reshape(1, D))
  agg0 = _sc_agg(y0, srcs, dsts)
  y1, r1 = _mid(agg0, degp, r0, W_l1, W_r1, b_l1.reshape(1, D))
  agg1 = _sc_agg(y1, srcs, dsts)
  return _final(agg1, degp, r1)

# --- scband reference (transcript-rebuilt; emitter-appended) ---
"""Pipeline reference for scband-sage-8246337208554 (READ-ONLY COPY).

The authoritative reference and input builder live on the scoring server;
editing this copy changes nothing except your own understanding.
"""

import jax, jax.numpy as jnp
import numpy as np

N_NODES = 10000
N_EDGES = 320000
D = 128

def setup_inputs(seed: int = 0) -> dict:
    key = jax.random.key(seed)
    ks = jax.random.split(key, 8)
    x = jax.random.normal(ks[0], (N_NODES, D), dtype=jnp.float32)
    edge_index = jax.random.randint(ks[1], (2, N_EDGES), 0, N_NODES, dtype=jnp.int64)
    s = 1.0 / np.sqrt(D)
    W_l0 = jax.random.uniform(ks[2], (D, D), dtype=jnp.float32, minval=-s, maxval=s)
    b_l0 = jnp.zeros((D,), dtype=jnp.float32)
    W_r0 = jax.random.uniform(ks[3], (D, D), dtype=jnp.float32, minval=-s, maxval=s)
    W_l1 = jax.random.uniform(ks[4], (D, D), dtype=jnp.float32, minval=-s, maxval=s)
    b_l1 = jnp.zeros((D,), dtype=jnp.float32)
    W_r1 = jax.random.uniform(ks[5], (D, D), dtype=jnp.float32, minval=-s, maxval=s)
    return {"x": x, "edge_index": edge_index, "W_l0": W_l0, "b_l0": b_l0, "W_r0": W_r0, "W_l1": W_l1, "b_l1": b_l1, "W_r1": W_r1}

def _sage_conv(x, src, dst, W_l, b_l, W_r, num_nodes):
    # message: gather features of source nodes
    msgs = jnp.take(x, src, axis=0)
    # mean aggregation at destination nodes (scatter-add + degree normalization)
    agg = jax.ops.segment_sum(msgs, dst, num_segments=num_nodes)
    deg = jax.ops.segment_sum(jnp.ones((src.shape[0],), dtype=x.dtype), dst, num_segments=num_nodes)
    mean = agg / jnp.maximum(deg, 1.0)[:, None]
    # SAGEConv: lin_l(aggregated) + lin_r(root)
    return mean @ W_l.T + b_l + x @ W_r.T

def reference(x, edge_index, W_l0, b_l0, W_r0, W_l1, b_l1, W_r1):
    src = edge_index[0]
    dst = edge_index[1]
    n = x.shape[0]
    h = _sage_conv(x, src, dst, W_l0, b_l0, W_r0, n)
    h = jax.nn.relu(h)  # activation; dropout p=0.0 is identity
    out = _sage_conv(h, src, dst, W_l1, b_l1, W_r1, n)
    return out

if __name__ == "__main__":
    import jax
    _d = setup_inputs()
    print(jax.jit(kernel)(*tuple(_d.values())))

</pallas_src>

<mosaic_0001>
#map = affine_map<(d0, d1) -> (0, 0)>
#map1 = affine_map<(d0, d1) -> (0, 0, 0)>
module attributes {stable_mosaic.version = 14 : i64} {
  func.func @_agg_body(%arg0: i32, %arg1: i32, %arg2: memref<10000x128xf32, #tpu.memory_space<hbm>>, %arg3: memref<32x80x128xi32, #tpu.memory_space<hbm>>, %arg4: memref<32x80x128xi32, #tpu.memory_space<hbm>>, %arg5: memref<2x10240x128xf32, #tpu.memory_space<hbm>>, %arg6: memref<16x128xi32, #tpu.memory_space<vmem>>, %arg7: memref<16x128xi32, #tpu.memory_space<vmem>>, %arg8: memref<128x128xf32, #tpu.memory_space<vmem>>, %arg9: memref<10240x128xf32, #tpu.memory_space<vmem_shared>>, %arg10: memref<!tpu.dma_semaphore, #tpu.memory_space<semaphore_mem>>) attributes {dimension_semantics = [#tpu.dimension_semantics<core_parallel>, #tpu.dimension_semantics<subcore_parallel>], iteration_bounds = array<i64: 2, 16>, scalar_prefetch = 0 : i64, scratch_operands = 5 : i64, tpu.core_type = #tpu.core_type<sc_vector_subcore>, window_params = [{transform_indices = #map}, {transform_indices = #map1}, {transform_indices = #map1}, {transform_indices = #map1}]} {
    %mul3A = arith.constant 2 : i32
    %mul3A_0 = arith.muli %arg1, %mul3A : i32
    %add3A = arith.addi %mul3A_0, %arg0 : i32
    %broadcast_in_dim3A = arith.constant 0.000000e+00 : f32
    %broadcast_in_dim3A_1 = vector.broadcast %broadcast_in_dim3A : f32 to vector<16xf32>
    %scan3A = arith.constant 0 : i32
    %scan3A_2 = arith.constant 0 : i32
    %scan3A_3 = arith.constant 128 : i32
    %scan3A_4 = arith.addi %scan3A_2, %scan3A_3 : i32
    %scan3A_5 = arith.constant 1 : i32
    scf.for %scan3A_60 = %scan3A_2 to %scan3A_4 step %scan3A_5  : i32 {
      %swap3A = arith.index_cast %scan3A_60 : i32 to index
      %swap3A_61 = arith.constant 0 : index
      %swap3A_62 = tpu.vector_load %arg8[%swap3A, %swap3A_61] {strides = array<i32>} : memref<128x128xf32, #tpu.memory_space<vmem>>, vector<1x16xf32>,
      %swap3A_63 = vector.shape_cast %swap3A_62 : vector<1x16xf32> to vector<16xf32>
      %swap3A_64 = vector.shape_cast %broadcast_in_dim3A_1 : vector<16xf32> to vector<1x16xf32>
      tpu.vector_store %arg8[%swap3A, %swap3A_61], %swap3A_64 {strides = array<i32>} : memref<128x128xf32, #tpu.memory_space<vmem>>, vector<1x16xf32>,
      %swap3A_65 = arith.index_cast %scan3A_60 : i32 to index
      %swap3A_66 = arith.constant 16 : index
      %swap3A_67 = tpu.vector_load %arg8[%swap3A_65, %swap3A_66] {strides = array<i32>} : memref<128x128xf32, #tpu.memory_space<vmem>>, vector<1x16xf32>,
      %swap3A_68 = vector.shape_cast %swap3A_67 : vector<1x16xf32> to vector<16xf32>
      %swap3A_69 = vector.shape_cast %broadcast_in_dim3A_1 : vector<16xf32> to vector<1x16xf32>
      tpu.vector_store %arg8[%swap3A_65, %swap3A_66], %swap3A_69 {strides = array<i32>} : memref<128x128xf32, #tpu.memory_space<vmem>>, vector<1x16xf32>,
      %swap3A_70 = arith.index_cast %scan3A_60 : i32 to index
      %swap3A_71 = arith.constant 32 : index
      %swap3A_72 = tpu.vector_load %arg8[%swap3A_70, %swap3A_71] {strides = array<i32>} : memref<128x128xf32, #tpu.memory_space<vmem>>, vector<1x16xf32>,
      %swap3A_73 = vector.shape_cast %swap3A_72 : vector<1x16xf32> to vector<16xf32>
      %swap3A_74 = vector.shape_cast %broadcast_in_dim3A_1 : vector<16xf32> to vector<1x16xf32>
      tpu.vector_store %arg8[%swap3A_70, %swap3A_71], %swap3A_74 {strides = array<i32>} : memref<128x128xf32, #tpu.memory_space<vmem>>, vector<1x16xf32>,
      %swap3A_75 = arith.index_cast %scan3A_60 : i32 to index
      %swap3A_76 = arith.constant 48 : index
      %swap3A_77 = tpu.vector_load %arg8[%swap3A_75, %swap3A_76] {strides = array<i32>} : memref<128x128xf32, #tpu.memory_space<vmem>>, vector<1x16xf32>,
      %swap3A_78 = vector.shape_cast %swap3A_77 : vector<1x16xf32> to vector<16xf32>
      %swap3A_79 = vector.shape_cast %broadcast_in_dim3A_1 : vector<16xf32> to vector<1x16xf32>
      tpu.vector_store %arg8[%swap3A_75, %swap3A_76], %swap3A_79 {strides = array<i32>} : memref<128x128xf32, #tpu.memory_space<vmem>>, vector<1x16xf32>,
      %swap3A_80 = arith.index_cast %scan3A_60 : i32 to index
      %swap3A_81 = arith.constant 64 : index
      %swap3A_82 = tpu.vector_load %arg8[%swap3A_80, %swap3A_81] {strides = array<i32>} : memref<128x128xf32, #tpu.memory_space<vmem>>, vector<1x16xf32>,
      %swap3A_83 = vector.shape_cast %swap3A_82 : vector<1x16xf32> to vector<16xf32>
      %swap3A_84 = vector.shape_cast %broadcast_in_dim3A_1 : vector<16xf32> to vector<1x16xf32>
      tpu.vector_store %arg8[%swap3A_80, %swap3A_81], %swap3A_84 {strides = array<i32>} : memref<128x128xf32, #tpu.memory_space<vmem>>, vector<1x16xf32>,
      %swap3A_85 = arith.index_cast %scan3A_60 : i32 to index
      %swap3A_86 = arith.constant 80 : index
      %swap3A_87 = tpu.vector_load %arg8[%swap3A_85, %swap3A_86] {strides = array<i32>} : memref<128x128xf32, #tpu.memory_space<vmem>>, vector<1x16xf32>,
      %swap3A_88 = vector.shape_cast %swap3A_87 : vector<1x16xf32> to vector<16xf32>
      %swap3A_89 = vector.shape_cast %broadcast_in_dim3A_1 : vector<16xf32> to vector<1x16xf32>
      tpu.vector_store %arg8[%swap3A_85, %swap3A_86], %swap3A_89 {strides = array<i32>} : memref<128x128xf32, #tpu.memory_space<vmem>>, vector<1x16xf32>,
      %swap3A_90 = arith.index_cast %scan3A_60 : i32 to index
      %swap3A_91 = arith.constant 96 : index
      %swap3A_92 = tpu.vector_load %arg8[%swap3A_90, %swap3A_91] {strides = array<i32>} : memref<128x128xf32, #tpu.memory_space<vmem>>, vector<1x16xf32>,
      %swap3A_93 = vector.shape_cast %swap3A_92 : vector<1x16xf32> to vector<16xf32>
      %swap3A_94 = vector.shape_cast %broadcast_in_dim3A_1 : vector<16xf32> to vector<1x16xf32>
      tpu.vector_store %arg8[%swap3A_90, %swap3A_91], %swap3A_94 {strides = array<i32>} : memref<128x128xf32, #tpu.memory_space<vmem>>, vector<1x16xf32>,
      %swap3A_95 = arith.index_cast %scan3A_60 : i32 to index
      %swap3A_96 = arith.constant 112 : index
      %swap3A_97 = tpu.vector_load %arg8[%swap3A_95, %swap3A_96] {strides = array<i32>} : memref<128x128xf32, #tpu.memory_space<vmem>>, vector<1x16xf32>,
      %swap3A_98 = vector.shape_cast %swap3A_97 : vector<1x16xf32> to vector<16xf32>
      %swap3A_99 = vector.shape_cast %broadcast_in_dim3A_1 : vector<16xf32> to vector<1x16xf32>
      tpu.vector_store %arg8[%swap3A_95, %swap3A_96], %swap3A_99 {strides = array<i32>} : memref<128x128xf32, #tpu.memory_space<vmem>>, vector<1x16xf32>,
    }
    %scan3A_6 = arith.constant 128 : i32
    %mul3A_7 = arith.constant 640 : i32
    %mul3A_8 = arith.muli %arg1, %mul3A_7 : i32
    %add3A_9 = arith.constant 0 : i32
    %add3A_10 = arith.addi %mul3A_8, %add3A_9 : i32
    "tpu.region"() ({
      %run_scoped3A = tpu.sem_alloc : memref<!tpu.dma_semaphore, #tpu.memory_space<semaphore_mem>>
      %dma_start3A = arith.constant 0 : i32
      %dma_start3A_60 = tpu.memref_slice %arg9[%add3A_10, %dma_start3A] : memref<10240x128xf32, #tpu.memory_space<vmem_shared>> -> memref<128x128xf32, #tpu.memory_space<vmem_shared>>
      %dma_start3A_61 = arith.constant 0 : i32
      %dma_start3A_62 = tpu.memref_slice %arg9[%add3A_10, %dma_start3A_61] : memref<10240x128xf32, #tpu.memory_space<vmem_shared>> -> memref<128x128xf32, #tpu.memory_space<vmem_shared>>
      tpu.enqueue_dma source(%arg8 : memref<128x128xf32, #tpu.memory_space<vmem>>) target(%dma_start3A_62 : memref<128x128xf32, #tpu.memory_space<vmem_shared>>) target_semaphore(%run_scoped3A : memref<!tpu.dma_semaphore, #tpu.memory_space<semaphore_mem>>)
      %dma_wait3A = arith.constant 0 : i32
      %dma_wait3A_63 = tpu.memref_slice %arg9[%add3A_10, %dma_wait3A] : memref<10240x128xf32, #tpu.memory_space<vmem_shared>> -> memref<128x128xf32, #tpu.memory_space<vmem_shared>>
      %dma_wait3A_64 = arith.constant 0 : i32
      %dma_wait3A_65 = tpu.memref_slice %arg9[%add3A_10, %dma_wait3A_64] : memref<10240x128xf32, #tpu.memory_space<vmem_shared>> -> memref<128x128xf32, #tpu.memory_space<vmem_shared>>
      tpu.wait_dma2 semaphore(%run_scoped3A : memref<!tpu.dma_semaphore, #tpu.memory_space<semaphore_mem>>) src(%arg8 : memref<128x128xf32, #tpu.memory_space<vmem>>) dst(%dma_wait3A_65 : memref<128x128xf32, #tpu.memory_space<vmem_shared>>)
      tpu.yield
    }) : () -> ()
    %mul3A_11 = arith.constant 640 : i32
    %mul3A_12 = arith.muli %arg1, %mul3A_11 : i32
    %add3A_13 = arith.constant 128 : i32
    %add3A_14 = arith.addi %mul3A_12, %add3A_13 : i32
    "tpu.region"() ({
      %run_scoped3A = tpu.sem_alloc : memref<!tpu.dma_semaphore, #tpu.memory_space<semaphore_mem>>
      %dma_start3A = arith.constant 0 : i32
      %dma_start3A_60 = tpu.memref_slice %arg9[%add3A_14, %dma_start3A] : memref<10240x128xf32, #tpu.memory_space<vmem_shared>> -> memref<128x128xf32, #tpu.memory_space<vmem_shared>>
      %dma_start3A_61 = arith.constant 0 : i32
      %dma_start3A_62 = tpu.memref_slice %arg9[%add3A_14, %dma_start3A_61] : memref<10240x128xf32, #tpu.memory_space<vmem_shared>> -> memref<128x128xf32, #tpu.memory_space<vmem_shared>>
      tpu.enqueue_dma source(%arg8 : memref<128x128xf32, #tpu.memory_space<vmem>>) target(%dma_start3A_62 : memref<128x128xf32, #tpu.memory_space<vmem_shared>>) target_semaphore(%run_scoped3A : memref<!tpu.dma_semaphore, #tpu.memory_space<semaphore_mem>>)
      %dma_wait3A = arith.constant 0 : i32
      %dma_wait3A_63 = tpu.memref_slice %arg9[%add3A_14, %dma_wait3A] : memref<10240x128xf32, #tpu.memory_space<vmem_shared>> -> memref<128x128xf32, #tpu.memory_space<vmem_shared>>
      %dma_wait3A_64 = arith.constant 0 : i32
      %dma_wait3A_65 = tpu.memref_slice %arg9[%add3A_14, %dma_wait3A_64] : memref<10240x128xf32, #tpu.memory_space<vmem_shared>> -> memref<128x128xf32, #tpu.memory_space<vmem_shared>>
      tpu.wait_dma2 semaphore(%run_scoped3A : memref<!tpu.dma_semaphore, #tpu.memory_space<semaphore_mem>>) src(%arg8 : memref<128x128xf32, #tpu.memory_space<vmem>>) dst(%dma_wait3A_65 : memref<128x128xf32, #tpu.memory_space<vmem_shared>>)
      tpu.yield
    }) : () -> ()
    %mul3A_15 = arith.constant 640 : i32
    %mul3A_16 = arith.muli %arg1, %mul3A_15 : i32
    %add3A_17 = arith.constant 256 : i32
    %add3A_18 = arith.addi %mul3A_16, %add3A_17 : i32
    "tpu.region"() ({
      %run_scoped3A = tpu.sem_alloc : memref<!tpu.dma_semaphore, #tpu.memory_space<semaphore_mem>>
      %dma_start3A = arith.constant 0 : i32
      %dma_start3A_60 = tpu.memref_slice %arg9[%add3A_18, %dma_start3A] : memref<10240x128xf32, #tpu.memory_space<vmem_shared>> -> memref<128x128xf32, #tpu.memory_space<vmem_shared>>
      %dma_start3A_61 = arith.constant 0 : i32
      %dma_start3A_62 = tpu.memref_slice %arg9[%add3A_18, %dma_start3A_61] : memref<10240x128xf32, #tpu.memory_space<vmem_shared>> -> memref<128x128xf32, #tpu.memory_space<vmem_shared>>
      tpu.enqueue_dma source(%arg8 : memref<128x128xf32, #tpu.memory_space<vmem>>) target(%dma_start3A_62 : memref<128x128xf32, #tpu.memory_space<vmem_shared>>) target_semaphore(%run_scoped3A : memref<!tpu.dma_semaphore, #tpu.memory_space<semaphore_mem>>)
      %dma_wait3A = arith.constant 0 : i32
      %dma_wait3A_63 = tpu.memref_slice %arg9[%add3A_18, %dma_wait3A] : memref<10240x128xf32, #tpu.memory_space<vmem_shared>> -> memref<128x128xf32, #tpu.memory_space<vmem_shared>>
      %dma_wait3A_64 = arith.constant 0 : i32
      %dma_wait3A_65 = tpu.memref_slice %arg9[%add3A_18, %dma_wait3A_64] : memref<10240x128xf32, #tpu.memory_space<vmem_shared>> -> memref<128x128xf32, #tpu.memory_space<vmem_shared>>
      tpu.wait_dma2 semaphore(%run_scoped3A : memref<!tpu.dma_semaphore, #tpu.memory_space<semaphore_mem>>) src(%arg8 : memref<128x128xf32, #tpu.memory_space<vmem>>) dst(%dma_wait3A_65 : memref<128x128xf32, #tpu.memory_space<vmem_shared>>)
      tpu.yield
    }) : () -> ()
    %mul3A_19 = arith.constant 640 : i32
    %mul3A_20 = arith.muli %arg1, %mul3A_19 : i32
    %add3A_21 = arith.constant 384 : i32
    %add3A_22 = arith.addi %mul3A_20, %add3A_21 : i32
    "tpu.region"() ({
      %run_scoped3A = tpu.sem_alloc : memref<!tpu.dma_semaphore, #tpu.memory_space<semaphore_mem>>
      %dma_start3A = arith.constant 0 : i32
      %dma_start3A_60 = tpu.memref_slice %arg9[%add3A_22, %dma_start3A] : memref<10240x128xf32, #tpu.memory_space<vmem_shared>> -> memref<128x128xf32, #tpu.memory_space<vmem_shared>>
      %dma_start3A_61 = arith.constant 0 : i32
      %dma_start3A_62 = tpu.memref_slice %arg9[%add3A_22, %dma_start3A_61] : memref<10240x128xf32, #tpu.memory_space<vmem_shared>> -> memref<128x128xf32, #tpu.memory_space<vmem_shared>>
      tpu.enqueue_dma source(%arg8 : memref<128x128xf32, #tpu.memory_space<vmem>>) target(%dma_start3A_62 : memref<128x128xf32, #tpu.memory_space<vmem_shared>>) target_semaphore(%run_scoped3A : memref<!tpu.dma_semaphore, #tpu.memory_space<semaphore_mem>>)
      %dma_wait3A = arith.constant 0 : i32
      %dma_wait3A_63 = tpu.memref_slice %arg9[%add3A_22, %dma_wait3A] : memref<10240x128xf32, #tpu.memory_space<vmem_shared>> -> memref<128x128xf32, #tpu.memory_space<vmem_shared>>
      %dma_wait3A_64 = arith.constant 0 : i32
      %dma_wait3A_65 = tpu.memref_slice %arg9[%add3A_22, %dma_wait3A_64] : memref<10240x128xf32, #tpu.memory_space<vmem_shared>> -> memref<128x128xf32, #tpu.memory_space<vmem_shared>>
      tpu.wait_dma2 semaphore(%run_scoped3A : memref<!tpu.dma_semaphore, #tpu.memory_space<semaphore_mem>>) src(%arg8 : memref<128x128xf32, #tpu.memory_space<vmem>>) dst(%dma_wait3A_65 : memref<128x128xf32, #tpu.memory_space<vmem_shared>>)
      tpu.yield
    }) : () -> ()
    %mul3A_23 = arith.constant 640 : i32
    %mul3A_24 = arith.muli %arg1, %mul3A_23 : i32
    %add3A_25 = arith.constant 512 : i32
    %add3A_26 = arith.addi %mul3A_24, %add3A_25 : i32
    "tpu.region"() ({
      %run_scoped3A = tpu.sem_alloc : memref<!tpu.dma_semaphore, #tpu.memory_space<semaphore_mem>>
      %dma_start3A = arith.constant 0 : i32
      %dma_start3A_60 = tpu.memref_slice %arg9[%add3A_26, %dma_start3A] : memref<10240x128xf32, #tpu.memory_space<vmem_shared>> -> memref<128x128xf32, #tpu.memory_space<vmem_shared>>
      %dma_start3A_61 = arith.constant 0 : i32
      %dma_start3A_62 = tpu.memref_slice %arg9[%add3A_26, %dma_start3A_61] : memref<10240x128xf32, #tpu.memory_space<vmem_shared>> -> memref<128x128xf32, #tpu.memory_space<vmem_shared>>
      tpu.enqueue_dma source(%arg8 : memref<128x128xf32, #tpu.memory_space<vmem>>) target(%dma_start3A_62 : memref<128x128xf32, #tpu.memory_space<vmem_shared>>) target_semaphore(%run_scoped3A : memref<!tpu.dma_semaphore, #tpu.memory_space<semaphore_mem>>)
      %dma_wait3A = arith.constant 0 : i32
      %dma_wait3A_63 = tpu.memref_slice %arg9[%add3A_26, %dma_wait3A] : memref<10240x128xf32, #tpu.memory_space<vmem_shared>> -> memref<128x128xf32, #tpu.memory_space<vmem_shared>>
      %dma_wait3A_64 = arith.constant 0 : i32
      %dma_wait3A_65 = tpu.memref_slice %arg9[%add3A_26, %dma_wait3A_64] : memref<10240x128xf32, #tpu.memory_space<vmem_shared>> -> memref<128x128xf32, #tpu.memory_space<vmem_shared>>
      tpu.wait_dma2 semaphore(%run_scoped3A : memref<!tpu.dma_semaphore, #tpu.memory_space<semaphore_mem>>) src(%arg8 : memref<128x128xf32, #tpu.memory_space<vmem>>) dst(%dma_wait3A_65 : memref<128x128xf32, #tpu.memory_space<vmem_shared>>)
      tpu.yield
    }) : () -> ()
    %barrier3A = arith.constant 0 : index
    tpu.barrier barrier_id(%barrier3A)
    "tpu.region"() ({
      %run_scoped3A = tpu.sem_alloc : memref<!tpu.dma_semaphore, #tpu.memory_space<semaphore_mem>>
      %dma_start3A = arith.constant 0 : i32
      %dma_start3A_60 = arith.constant 0 : i32
      %dma_start3A_61 = tpu.memref_slice %arg3[%add3A, %dma_start3A, %dma_start3A_60] : memref<32x80x128xi32, #tpu.memory_space<hbm>> -> memref<1x16x128xi32, #tpu.memory_space<hbm>>
      %dma_start3A_62 = tpu.memref_squeeze %dma_start3A_61 : memref<1x16x128xi32, #tpu.memory_space<hbm>> -> memref<16x128xi32, #tpu.memory_space<hbm>>
      %dma_start3A_63 = arith.constant 0 : i32
      %dma_start3A_64 = arith.constant 0 : i32
      %dma_start3A_65 = tpu.memref_slice %arg3[%add3A, %dma_start3A_63, %dma_start3A_64] : memref<32x80x128xi32, #tpu.memory_space<hbm>> -> memref<1x16x128xi32, #tpu.memory_space<hbm>>
      %dma_start3A_66 = tpu.memref_squeeze %dma_start3A_65 : memref<1x16x128xi32, #tpu.memory_space<hbm>> -> memref<16x128xi32, #tpu.memory_space<hbm>>
      tpu.enqueue_dma source(%dma_start3A_66 : memref<16x128xi32, #tpu.memory_space<hbm>>) target(%arg6 : memref<16x128xi32, #tpu.memory_space<vmem>>) target_semaphore(%run_scoped3A : memref<!tpu.dma_semaphore, #tpu.memory_space<semaphore_mem>>)
      %dma_wait3A = arith.constant 0 : i32
      %dma_wait3A_67 = arith.constant 0 : i32
      %dma_wait3A_68 = tpu.memref_slice %arg3[%add3A, %dma_wait3A, %dma_wait3A_67] : memref<32x80x128xi32, #tpu.memory_space<hbm>> -> memref<1x16x128xi32, #tpu.memory_space<hbm>>
      %dma_wait3A_69 = tpu.memref_squeeze %dma_wait3A_68 : memref<1x16x128xi32, #tpu.memory_space<hbm>> -> memref<16x128xi32, #tpu.memory_space<hbm>>
      %dma_wait3A_70 = arith.constant 0 : i32
      %dma_wait3A_71 = arith.constant 0 : i32
      %dma_wait3A_72 = tpu.memref_slice %arg3[%add3A, %dma_wait3A_70, %dma_wait3A_71] : memref<32x80x128xi32, #tpu.memory_space<hbm>> -> memref<1x16x128xi32, #tpu.memory_space<hbm>>
      %dma_wait3A_73 = tpu.memref_squeeze %dma_wait3A_72 : memref<1x16x128xi32, #tpu.memory_space<hbm>> -> memref<16x128xi32, #tpu.memory_space<hbm>>
      tpu.wait_dma2 semaphore(%run_scoped3A : memref<!tpu.dma_semaphore, #tpu.memory_space<semaphore_mem>>) src(%dma_wait3A_73 : memref<16x128xi32, #tpu.memory_space<hbm>>) dst(%arg6 : memref<16x128xi32, #tpu.memory_space<vmem>>)
      tpu.yield
    }) : () -> ()
    "tpu.region"() ({
      %run_scoped3A = tpu.sem_alloc : memref<!tpu.dma_semaphore, #tpu.memory_space<semaphore_mem>>
      %dma_start3A = arith.constant 0 : i32
      %dma_start3A_60 = arith.constant 0 : i32
      %dma_start3A_61 = tpu.memref_slice %arg4[%add3A, %dma_start3A, %dma_start3A_60] : memref<32x80x128xi32, #tpu.memory_space<hbm>> -> memref<1x16x128xi32, #tpu.memory_space<hbm>>
      %dma_start3A_62 = tpu.memref_squeeze %dma_start3A_61 : memref<1x16x128xi32, #tpu.memory_space<hbm>> -> memref<16x128xi32, #tpu.memory_space<hbm>>
      %dma_start3A_63 = arith.constant 0 : i32
      %dma_start3A_64 = arith.constant 0 : i32
      %dma_start3A_65 = tpu.memref_slice %arg4[%add3A, %dma_start3A_63, %dma_start3A_64] : memref<32x80x128xi32, #tpu.memory_space<hbm>> -> memref<1x16x128xi32, #tpu.memory_space<hbm>>
      %dma_start3A_66 = tpu.memref_squeeze %dma_start3A_65 : memref<1x16x128xi32, #tpu.memory_space<hbm>> -> memref<16x128xi32, #tpu.memory_space<hbm>>
      tpu.enqueue_dma source(%dma_start3A_66 : memref<16x128xi32, #tpu.memory_space<hbm>>) target(%arg7 : memref<16x128xi32, #tpu.memory_space<vmem>>) target_semaphore(%run_scoped3A : memref<!tpu.dma_semaphore, #tpu.memory_space<semaphore_mem>>)
      %dma_wait3A = arith.constant 0 : i32
      %dma_wait3A_67 = arith.constant 0 : i32
      %dma_wait3A_68 = tpu.memref_slice %arg4[%add3A, %dma_wait3A, %dma_wait3A_67] : memref<32x80x128xi32, #tpu.memory_space<hbm>> -> memref<1x16x128xi32, #tpu.memory_space<hbm>>
      %dma_wait3A_69 = tpu.memref_squeeze %dma_wait3A_68 : memref<1x16x128xi32, #tpu.memory_space<hbm>> -> memref<16x128xi32, #tpu.memory_space<hbm>>
      %dma_wait3A_70 = arith.constant 0 : i32
      %dma_wait3A_71 = arith.constant 0 : i32
      %dma_wait3A_72 = tpu.memref_slice %arg4[%add3A, %dma_wait3A_70, %dma_wait3A_71] : memref<32x80x128xi32, #tpu.memory_space<hbm>> -> memref<1x16x128xi32, #tpu.memory_space<hbm>>
      %dma_wait3A_73 = tpu.memref_squeeze %dma_wait3A_72 : memref<1x16x128xi32, #tpu.memory_space<hbm>> -> memref<16x128xi32, #tpu.memory_space<hbm>>
      tpu.wait_dma2 semaphore(%run_scoped3A : memref<!tpu.dma_semaphore, #tpu.memory_space<semaphore_mem>>) src(%dma_wait3A_73 : memref<16x128xi32, #tpu.memory_space<hbm>>) dst(%arg7 : memref<16x128xi32, #tpu.memory_space<vmem>>)
      tpu.yield
    }) : () -> ()
    %scan3A_27 = arith.constant 0 : i32
    %scan3A_28 = arith.constant 0 : i32
    %scan3A_29 = arith.constant 16 : i32
    %scan3A_30 = arith.addi %scan3A_28, %scan3A_29 : i32
    %scan3A_31 = arith.constant 1 : i32
    scf.for %scan3A_60 = %scan3A_28 to %scan3A_30 step %scan3A_31  : i32 {
      %dma_start3A = arith.constant 0 : i32
      %dma_start3A_61 = tpu.memref_slice %arg6[%scan3A_60, %dma_start3A] : memref<16x128xi32, #tpu.memory_space<vmem>> -> memref<1x128xi32, #tpu.memory_space<vmem>>
      %dma_start3A_62 = tpu.memref_squeeze %dma_start3A_61 : memref<1x128xi32, #tpu.memory_space<vmem>> -> memref<128xi32, #tpu.memory_space<vmem>>
      %dma_start3A_63 = arith.constant 0 : i32
      %dma_start3A_64 = arith.constant 0 : i32
      %dma_start3A_65 = tpu.memref_slice %arg2[%dma_start3A_63, %dma_start3A_64] : memref<10000x128xf32, #tpu.memory_space<hbm>> -> memref<10000x128xf32, #tpu.memory_space<hbm>>
      tpu.enqueue_indirect_dma source(%dma_start3A_65 : memref<10000x128xf32, #tpu.memory_space<hbm>>) target(%arg8 : memref<128x128xf32, #tpu.memory_space<vmem>>) offsets(%dma_start3A_62 : memref<128xi32, #tpu.memory_space<vmem>>) semaphore(%arg10 : memref<!tpu.dma_semaphore, #tpu.memory_space<semaphore_mem>>)
      %dma_wait3A = arith.constant 0 : i32
      %dma_wait3A_66 = tpu.memref_slice %arg6[%scan3A_60, %dma_wait3A] : memref<16x128xi32, #tpu.memory_space<vmem>> -> memref<1x128xi32, #tpu.memory_space<vmem>>
      %dma_wait3A_67 = tpu.memref_squeeze %dma_wait3A_66 : memref<1x128xi32, #tpu.memory_space<vmem>> -> memref<128xi32, #tpu.memory_space<vmem>>
      %dma_wait3A_68 = arith.constant 0 : i32
      %dma_wait3A_69 = arith.constant 0 : i32
      %dma_wait3A_70 = tpu.memref_slice %arg2[%dma_wait3A_68, %dma_wait3A_69] : memref<10000x128xf32, #tpu.memory_space<hbm>> -> memref<10000x128xf32, #tpu.memory_space<hbm>>
      tpu.wait_indirect_dma semaphore(%arg10 : memref<!tpu.dma_semaphore, #tpu.memory_space<semaphore_mem>>) src(%dma_wait3A_70 : memref<10000x128xf32, #tpu.memory_space<hbm>>) dst(%arg8 : memref<128x128xf32, #tpu.memory_space<vmem>>)
      "tpu.region"() ({
        %run_scoped3A = tpu.sem_alloc : memref<!tpu.dma_semaphore, #tpu.memory_space<semaphore_mem>>
        %dma_start3A_71 = arith.constant 0 : i32
        %dma_start3A_72 = tpu.memref_slice %arg7[%scan3A_60, %dma_start3A_71] : memref<16x128xi32, #tpu.memory_space<vmem>> -> memref<1x128xi32, #tpu.memory_space<vmem>>
        %dma_start3A_73 = tpu.memref_squeeze %dma_start3A_72 : memref<1x128xi32, #tpu.memory_space<vmem>> -> memref<128xi32, #tpu.memory_space<vmem>>
        %dma_start3A_74 = arith.constant 0 : i32
        %dma_start3A_75 = arith.constant 0 : i32
        %dma_start3A_76 = tpu.memref_slice %arg9[%dma_start3A_74, %dma_start3A_75] : memref<10240x128xf32, #tpu.memory_space<vmem_shared>> -> memref<10240x128xf32, #tpu.memory_space<vmem_shared>>
        tpu.enqueue_indirect_dma source(%arg8 : memref<128x128xf32, #tpu.memory_space<vmem>>) target(%dma_start3A_76 : memref<10240x128xf32, #tpu.memory_space<vmem_shared>>) offsets(%dma_start3A_73 : memref<128xi32, #tpu.memory_space<vmem>>) semaphore(%run_scoped3A : memref<!tpu.dma_semaphore, #tpu.memory_space<semaphore_mem>>) {add = true}
        %dma_wait3A_77 = arith.constant 0 : i32
        %dma_wait3A_78 = tpu.memref_slice %arg7[%scan3A_60, %dma_wait3A_77] : memref<16x128xi32, #tpu.memory_space<vmem>> -> memref<1x128xi32, #tpu.memory_space<vmem>>
        %dma_wait3A_79 = tpu.memref_squeeze %dma_wait3A_78 : memref<1x128xi32, #tpu.memory_space<vmem>> -> memref<128xi32, #tpu.memory_space<vmem>>
        %dma_wait3A_80 = arith.constant 0 : i32
        %dma_wait3A_81 = arith.constant 0 : i32
        %dma_wait3A_82 = tpu.memref_slice %arg9[%dma_wait3A_80, %dma_wait3A_81] : memref<10240x128xf32, #tpu.memory_space<vmem_shared>> -> memref<10240x128xf32, #tpu.memory_space<vmem_shared>>
        tpu.wait_indirect_dma semaphore(%run_scoped3A : memref<!tpu.dma_semaphore, #tpu.memory_space<semaphore_mem>>) src(%arg8 : memref<128x128xf32, #tpu.memory_space<vmem>>) dst(%dma_wait3A_82 : memref<10240x128xf32, #tpu.memory_space<vmem_shared>>)
        tpu.yield
      }) : () -> ()
    }
    %scan3A_32 = arith.constant 16 : i32
    "tpu.region"() ({
      %run_scoped3A = tpu.sem_alloc : memref<!tpu.dma_semaphore, #tpu.memory_space<semaphore_mem>>
      %dma_start3A = arith.constant 16 : i32
      %dma_start3A_60 = arith.constant 0 : i32
      %dma_start3A_61 = tpu.memref_slice %arg3[%add3A, %dma_start3A, %dma_start3A_60] : memref<32x80x128xi32, #tpu.memory_space<hbm>> -> memref<1x16x128xi32, #tpu.memory_space<hbm>>
      %dma_start3A_62 = tpu.memref_squeeze %dma_start3A_61 : memref<1x16x128xi32, #tpu.memory_space<hbm>> -> memref<16x128xi32, #tpu.memory_space<hbm>>
      %dma_start3A_63 = arith.constant 16 : i32
      %dma_start3A_64 = arith.constant 0 : i32
      %dma_start3A_65 = tpu.memref_slice %arg3[%add3A, %dma_start3A_63, %dma_start3A_64] : memref<32x80x128xi32, #tpu.memory_space<hbm>> -> memref<1x16x128xi32, #tpu.memory_space<hbm>>
      %dma_start3A_66 = tpu.memref_squeeze %dma_start3A_65 : memref<1x16x128xi32, #tpu.memory_space<hbm>> -> memref<16x128xi32, #tpu.memory_space<hbm>>
      tpu.enqueue_dma source(%dma_start3A_66 : memref<16x128xi32, #tpu.memory_space<hbm>>) target(%arg6 : memref<16x128xi32, #tpu.memory_space<vmem>>) target_semaphore(%run_scoped3A : memref<!tpu.dma_semaphore, #tpu.memory_space<semaphore_mem>>)
      %dma_wait3A = arith.constant 16 : i32
      %dma_wait3A_67 = arith.constant 0 : i32
      %dma_wait3A_68 = tpu.memref_slice %arg3[%add3A, %dma_wait3A, %dma_wait3A_67] : memref<32x80x128xi32, #tpu.memory_space<hbm>> -> memref<1x16x128xi32, #tpu.memory_space<hbm>>
      %dma_wait3A_69 = tpu.memref_squeeze %dma_wait3A_68 : memref<1x16x128xi32, #tpu.memory_space<hbm>> -> memref<16x128xi32, #tpu.memory_space<hbm>>
      %dma_wait3A_70 = arith.constant 16 : i32
      %dma_wait3A_71 = arith.constant 0 : i32
      %dma_wait3A_72 = tpu.memref_slice %arg3[%add3A, %dma_wait3A_70, %dma_wait3A_71] : memref<32x80x128xi32, #tpu.memory_space<hbm>> -> memref<1x16x128xi32, #tpu.memory_space<hbm>>
      %dma_wait3A_73 = tpu.memref_squeeze %dma_wait3A_72 : memref<1x16x128xi32, #tpu.memory_space<hbm>> -> memref<16x128xi32, #tpu.memory_space<hbm>>
      tpu.wait_dma2 semaphore(%run_scoped3A : memref<!tpu.dma_semaphore, #tpu.memory_space<semaphore_mem>>) src(%dma_wait3A_73 : memref<16x128xi32, #tpu.memory_space<hbm>>) dst(%arg6 : memref<16x128xi32, #tpu.memory_space<vmem>>)
      tpu.yield
    }) : () -> ()
    "tpu.region"() ({
      %run_scoped3A = tpu.sem_alloc : memref<!tpu.dma_semaphore, #tpu.memory_space<semaphore_mem>>
      %dma_start3A = arith.constant 16 : i32
      %dma_start3A_60 = arith.constant 0 : i32
      %dma_start3A_61 = tpu.memref_slice %arg4[%add3A, %dma_start3A, %dma_start3A_60] : memref<32x80x128xi32, #tpu.memory_space<hbm>> -> memref<1x16x128xi32, #tpu.memory_space<hbm>>
      %dma_start3A_62 = tpu.memref_squeeze %dma_start3A_61 : memref<1x16x128xi32, #tpu.memory_space<hbm>> -> memref<16x128xi32, #tpu.memory_space<hbm>>
      %dma_start3A_63 = arith.constant 16 : i32
      %dma_start3A_64 = arith.constant 0 : i32
      %dma_start3A_65 = tpu.memref_slice %arg4[%add3A, %dma_start3A_63, %dma_start3A_64] : memref<32x80x128xi32, #tpu.memory_space<hbm>> -> memref<1x16x128xi32, #tpu.memory_space<hbm>>
      %dma_start3A_66 = tpu.memref_squeeze %dma_start3A_65 : memref<1x16x128xi32, #tpu.memory_space<hbm>> -> memref<16x128xi32, #tpu.memory_space<hbm>>
      tpu.enqueue_dma source(%dma_start3A_66 : memref<16x128xi32, #tpu.memory_space<hbm>>) target(%arg7 : memref<16x128xi32, #tpu.memory_space<vmem>>) target_semaphore(%run_scoped3A : memref<!tpu.dma_semaphore, #tpu.memory_space<semaphore_mem>>)
      %dma_wait3A = arith.constant 16 : i32
      %dma_wait3A_67 = arith.constant 0 : i32
      %dma_wait3A_68 = tpu.memref_slice %arg4[%add3A, %dma_wait3A, %dma_wait3A_67] : memref<32x80x128xi32, #tpu.memory_space<hbm>> -> memref<1x16x128xi32, #tpu.memory_space<hbm>>
      %dma_wait3A_69 = tpu.memref_squeeze %dma_wait3A_68 : memref<1x16x128xi32, #tpu.memory_space<hbm>> -> memref<16x128xi32, #tpu.memory_space<hbm>>
      %dma_wait3A_70 = arith.constant 16 : i32
      %dma_wait3A_71 = arith.constant 0 : i32
      %dma_wait3A_72 = tpu.memref_slice %arg4[%add3A, %dma_wait3A_70, %dma_wait3A_71] : memref<32x80x128xi32, #tpu.memory_space<hbm>> -> memref<1x16x128xi32, #tpu.memory_space<hbm>>
      %dma_wait3A_73 = tpu.memref_squeeze %dma_wait3A_72 : memref<1x16x128xi32, #tpu.memory_space<hbm>> -> memref<16x128xi32, #tpu.memory_space<hbm>>
      tpu.wait_dma2 semaphore(%run_scoped3A : memref<!tpu.dma_semaphore, #tpu.memory_space<semaphore_mem>>) src(%dma_wait3A_73 : memref<16x128xi32, #tpu.memory_space<hbm>>) dst(%arg7 : memref<16x128xi32, #tpu.memory_space<vmem>>)
      tpu.yield
    }) : () -> ()
    %scan3A_33 = arith.constant 0 : i32
    %scan3A_34 = arith.constant 0 : i32
    %scan3A_35 = arith.constant 16 : i32
    %scan3A_36 = arith.addi %scan3A_34, %scan3A_35 : i32
    %scan3A_37 = arith.constant 1 : i32
    scf.for %scan3A_60 = %scan3A_34 to %scan3A_36 step %scan3A_37  : i32 {
      %dma_start3A = arith.constant 0 : i32
      %dma_start3A_61 = tpu.memref_slice %arg6[%scan3A_60, %dma_start3A] : memref<16x128xi32, #tpu.memory_space<vmem>> -> memref<1x128xi32, #tpu.memory_space<vmem>>
      %dma_start3A_62 = tpu.memref_squeeze %dma_start3A_61 : memref<1x128xi32, #tpu.memory_space<vmem>> -> memref<128xi32, #tpu.memory_space<vmem>>
      %dma_start3A_63 = arith.constant 0 : i32
      %dma_start3A_64 = arith.constant 0 : i32
      %dma_start3A_65 = tpu.memref_slice %arg2[%dma_start3A_63, %dma_start3A_64] : memref<10000x128xf32, #tpu.memory_space<hbm>> -> memref<10000x128xf32, #tpu.memory_space<hbm>>
      tpu.enqueue_indirect_dma source(%dma_start3A_65 : memref<10000x128xf32, #tpu.memory_space<hbm>>) target(%arg8 : memref<128x128xf32, #tpu.memory_space<vmem>>) offsets(%dma_start3A_62 : memref<128xi32, #tpu.memory_space<vmem>>) semaphore(%arg10 : memref<!tpu.dma_semaphore, #tpu.memory_space<semaphore_mem>>)
      %dma_wait3A = arith.constant 0 : i32
      %dma_wait3A_66 = tpu.memref_slice %arg6[%scan3A_60, %dma_wait3A] : memref<16x128xi32, #tpu.memory_space<vmem>> -> memref<1x128xi32, #tpu.memory_space<vmem>>
      %dma_wait3A_67 = tpu.memref_squeeze %dma_wait3A_66 : memref<1x128xi32, #tpu.memory_space<vmem>> -> memref<128xi32, #tpu.memory_space<vmem>>
      %dma_wait3A_68 = arith.constant 0 : i32
      %dma_wait3A_69 = arith.constant 0 : i32
      %dma_wait3A_70 = tpu.memref_slice %arg2[%dma_wait3A_68, %dma_wait3A_69] : memref<10000x128xf32, #tpu.memory_space<hbm>> -> memref<10000x128xf32, #tpu.memory_space<hbm>>
      tpu.wait_indirect_dma semaphore(%arg10 : memref<!tpu.dma_semaphore, #tpu.memory_space<semaphore_mem>>) src(%dma_wait3A_70 : memref<10000x128xf32, #tpu.memory_space<hbm>>) dst(%arg8 : memref<128x128xf32, #tpu.memory_space<vmem>>)
      "tpu.region"() ({
        %run_scoped3A = tpu.sem_alloc : memref<!tpu.dma_semaphore, #tpu.memory_space<semaphore_mem>>
        %dma_start3A_71 = arith.constant 0 : i32
        %dma_start3A_72 = tpu.memref_slice %arg7[%scan3A_60, %dma_start3A_71] : memref<16x128xi32, #tpu.memory_space<vmem>> -> memref<1x128xi32, #tpu.memory_space<vmem>>
        %dma_start3A_73 = tpu.memref_squeeze %dma_start3A_72 : memref<1x128xi32, #tpu.memory_space<vmem>> -> memref<128xi32, #tpu.memory_space<vmem>>
        %dma_start3A_74 = arith.constant 0 : i32
        %dma_start3A_75 = arith.constant 0 : i32
        %dma_start3A_76 = tpu.memref_slice %arg9[%dma_start3A_74, %dma_start3A_75] : memref<10240x128xf32, #tpu.memory_space<vmem_shared>> -> memref<10240x128xf32, #tpu.memory_space<vmem_shared>>
        tpu.enqueue_indirect_dma source(%arg8 : memref<128x128xf32, #tpu.memory_space<vmem>>) target(%dma_start3A_76 : memref<10240x128xf32, #tpu.memory_space<vmem_shared>>) offsets(%dma_start3A_73 : memref<128xi32, #tpu.memory_space<vmem>>) semaphore(%run_scoped3A : memref<!tpu.dma_semaphore, #tpu.memory_space<semaphore_mem>>) {add = true}
        %dma_wait3A_77 = arith.constant 0 : i32
        %dma_wait3A_78 = tpu.memref_slice %arg7[%scan3A_60, %dma_wait3A_77] : memref<16x128xi32, #tpu.memory_space<vmem>> -> memref<1x128xi32, #tpu.memory_space<vmem>>
        %dma_wait3A_79 = tpu.memref_squeeze %dma_wait3A_78 : memref<1x128xi32, #tpu.memory_space<vmem>> -> memref<128xi32, #tpu.memory_space<vmem>>
        %dma_wait3A_80 = arith.constant 0 : i32
        %dma_wait3A_81 = arith.constant 0 : i32
        %dma_wait3A_82 = tpu.memref_slice %arg9[%dma_wait3A_80, %dma_wait3A_81] : memref<10240x128xf32, #tpu.memory_space<vmem_shared>> -> memref<10240x128xf32, #tpu.memory_space<vmem_shared>>
        tpu.wait_indirect_dma semaphore(%run_scoped3A : memref<!tpu.dma_semaphore, #tpu.memory_space<semaphore_mem>>) src(%arg8 : memref<128x128xf32, #tpu.memory_space<vmem>>) dst(%dma_wait3A_82 : memref<10240x128xf32, #tpu.memory_space<vmem_shared>>)
        tpu.yield
      }) : () -> ()
    }
    %scan3A_38 = arith.constant 16 : i32
    "tpu.region"() ({
      %run_scoped3A = tpu.sem_alloc : memref<!tpu.dma_semaphore, #tpu.memory_space<semaphore_mem>>
      %dma_start3A = arith.constant 32 : i32
      %dma_start3A_60 = arith.constant 0 : i32
      %dma_start3A_61 = tpu.memref_slice %arg3[%add3A, %dma_start3A, %dma_start3A_60] : memref<32x80x128xi32, #tpu.memory_space<hbm>> -> memref<1x16x128xi32, #tpu.memory_space<hbm>>
      %dma_start3A_62 = tpu.memref_squeeze %dma_start3A_61 : memref<1x16x128xi32, #tpu.memory_space<hbm>> -> memref<16x128xi32, #tpu.memory_space<hbm>>
      %dma_start3A_63 = arith.constant 32 : i32
      %dma_start3A_64 = arith.constant 0 : i32
      %dma_start3A_65 = tpu.memref_slice %arg3[%add3A, %dma_start3A_63, %dma_start3A_64] : memref<32x80x128xi32, #tpu.memory_space<hbm>> -> memref<1x16x128xi32, #tpu.memory_space<hbm>>
      %dma_start3A_66 = tpu.memref_squeeze %dma_start3A_65 : memref<1x16x128xi32, #tpu.memory_space<hbm>> -> memref<16x128xi32, #tpu.memory_space<hbm>>
      tpu.enqueue_dma source(%dma_start3A_66 : memref<16x128xi32, #tpu.memory_space<hbm>>) target(%arg6 : memref<16x128xi32, #tpu.memory_space<vmem>>) target_semaphore(%run_scoped3A : memref<!tpu.dma_semaphore, #tpu.memory_space<semaphore_mem>>)
      %dma_wait3A = arith.constant 32 : i32
      %dma_wait3A_67 = arith.constant 0 : i32
      %dma_wait3A_68 = tpu.memref_slice %arg3[%add3A, %dma_wait3A, %dma_wait3A_67] : memref<32x80x128xi32, #tpu.memory_space<hbm>> -> memref<1x16x128xi32, #tpu.memory_space<hbm>>
      %dma_wait3A_69 = tpu.memref_squeeze %dma_wait3A_68 : memref<1x16x128xi32, #tpu.memory_space<hbm>> -> memref<16x128xi32, #tpu.memory_space<hbm>>
      %dma_wait3A_70 = arith.constant 32 : i32
      %dma_wait3A_71 = arith.constant 0 : i32
      %dma_wait3A_72 = tpu.memref_slice %arg3[%add3A, %dma_wait3A_70, %dma_wait3A_71] : memref<32x80x128xi32, #tpu.memory_space<hbm>> -> memref<1x16x128xi32, #tpu.memory_space<hbm>>
      %dma_wait3A_73 = tpu.memref_squeeze %dma_wait3A_72 : memref<1x16x128xi32, #tpu.memory_space<hbm>> -> memref<16x128xi32, #tpu.memory_space<hbm>>
      tpu.wait_dma2 semaphore(%run_scoped3A : memref<!tpu.dma_semaphore, #tpu.memory_space<semaphore_mem>>) src(%dma_wait3A_73 : memref<16x128xi32, #tpu.memory_space<hbm>>) dst(%arg6 : memref<16x128xi32, #tpu.memory_space<vmem>>)
      tpu.yield
    }) : () -> ()
    "tpu.region"() ({
      %run_scoped3A = tpu.sem_alloc : memref<!tpu.dma_semaphore, #tpu.memory_space<semaphore_mem>>
      %dma_start3A = arith.constant 32 : i32
      %dma_start3A_60 = arith.constant 0 : i32
      %dma_start3A_61 = tpu.memref_slice %arg4[%add3A, %dma_start3A, %dma_start3A_60] : memref<32x80x128xi32, #tpu.memory_space<hbm>> -> memref<1x16x128xi32, #tpu.memory_space<hbm>>
      %dma_start3A_62 = tpu.memref_squeeze %dma_start3A_61 : memref<1x16x128xi32, #tpu.memory_space<hbm>> -> memref<16x128xi32, #tpu.memory_space<hbm>>
      %dma_start3A_63 = arith.constant 32 : i32
      %dma_start3A_64 = arith.constant 0 : i32
      %dma_start3A_65 = tpu.memref_slice %arg4[%add3A, %dma_start3A_63, %dma_start3A_64] : memref<32x80x128xi32, #tpu.memory_space<hbm>> -> memref<1x16x128xi32, #tpu.memory_space<hbm>>
      %dma_start3A_66 = tpu.memref_squeeze %dma_start3A_65 : memref<1x16x128xi32, #tpu.memory_space<hbm>> -> memref<16x128xi32, #tpu.memory_space<hbm>>
      tpu.enqueue_dma source(%dma_start3A_66 : memref<16x128xi32, #tpu.memory_space<hbm>>) target(%arg7 : memref<16x128xi32, #tpu.memory_space<vmem>>) target_semaphore(%run_scoped3A : memref<!tpu.dma_semaphore, #tpu.memory_space<semaphore_mem>>)
      %dma_wait3A = arith.constant 32 : i32
      %dma_wait3A_67 = arith.constant 0 : i32
      %dma_wait3A_68 = tpu.memref_slice %arg4[%add3A, %dma_wait3A, %dma_wait3A_67] : memref<32x80x128xi32, #tpu.memory_space<hbm>> -> memref<1x16x128xi32, #tpu.memory_space<hbm>>
      %dma_wait3A_69 = tpu.memref_squeeze %dma_wait3A_68 : memref<1x16x128xi32, #tpu.memory_space<hbm>> -> memref<16x128xi32, #tpu.memory_space<hbm>>
      %dma_wait3A_70 = arith.constant 32 : i32
      %dma_wait3A_71 = arith.constant 0 : i32
      %dma_wait3A_72 = tpu.memref_slice %arg4[%add3A, %dma_wait3A_70, %dma_wait3A_71] : memref<32x80x128xi32, #tpu.memory_space<hbm>> -> memref<1x16x128xi32, #tpu.memory_space<hbm>>
      %dma_wait3A_73 = tpu.memref_squeeze %dma_wait3A_72 : memref<1x16x128xi32, #tpu.memory_space<hbm>> -> memref<16x128xi32, #tpu.memory_space<hbm>>
      tpu.wait_dma2 semaphore(%run_scoped3A : memref<!tpu.dma_semaphore, #tpu.memory_space<semaphore_mem>>) src(%dma_wait3A_73 : memref<16x128xi32, #tpu.memory_space<hbm>>) dst(%arg7 : memref<16x128xi32, #tpu.memory_space<vmem>>)
      tpu.yield
    }) : () -> ()
    %scan3A_39 = arith.constant 0 : i32
    %scan3A_40 = arith.constant 0 : i32
    %scan3A_41 = arith.constant 16 : i32
    %scan3A_42 = arith.addi %scan3A_40, %scan3A_41 : i32
    %scan3A_43 = arith.constant 1 : i32
    scf.for %scan3A_60 = %scan3A_40 to %scan3A_42 step %scan3A_43  : i32 {
      %dma_start3A = arith.constant 0 : i32
      %dma_start3A_61 = tpu.memref_slice %arg6[%scan3A_60, %dma_start3A] : memref<16x128xi32, #tpu.memory_space<vmem>> -> memref<1x128xi32, #tpu.memory_space<vmem>>
      %dma_start3A_62 = tpu.memref_squeeze %dma_start3A_61 : memref<1x128xi32, #tpu.memory_space<vmem>> -> memref<128xi32, #tpu.memory_space<vmem>>
      %dma_start3A_63 = arith.constant 0 : i32
      %dma_start3A_64 = arith.constant 0 : i32
      %dma_start3A_65 = tpu.memref_slice %arg2[%dma_start3A_63, %dma_start3A_64] : memref<10000x128xf32, #tpu.memory_space<hbm>> -> memref<10000x128xf32, #tpu.memory_space<hbm>>
      tpu.enqueue_indirect_dma source(%dma_start3A_65 : memref<10000x128xf32, #tpu.memory_space<hbm>>) target(%arg8 : memref<128x128xf32, #tpu.memory_space<vmem>>) offsets(%dma_start3A_62 : memref<128xi32, #tpu.memory_space<vmem>>) semaphore(%arg10 : memref<!tpu.dma_semaphore, #tpu.memory_space<semaphore_mem>>)
      %dma_wait3A = arith.constant 0 : i32
      %dma_wait3A_66 = tpu.memref_slice %arg6[%scan3A_60, %dma_wait3A] : memref<16x128xi32, #tpu.memory_space<vmem>> -> memref<1x128xi32, #tpu.memory_space<vmem>>
      %dma_wait3A_67 = tpu.memref_squeeze %dma_wait3A_66 : memref<1x128xi32, #tpu.memory_space<vmem>> -> memref<128xi32, #tpu.memory_space<vmem>>
      %dma_wait3A_68 = arith.constant 0 : i32
      %dma_wait3A_69 = arith.constant 0 : i32
      %dma_wait3A_70 = tpu.memref_slice %arg2[%dma_wait3A_68, %dma_wait3A_69] : memref<10000x128xf32, #tpu.memory_space<hbm>> -> memref<10000x128xf32, #tpu.memory_space<hbm>>
      tpu.wait_indirect_dma semaphore(%arg10 : memref<!tpu.dma_semaphore, #tpu.memory_space<semaphore_mem>>) src(%dma_wait3A_70 : memref<10000x128xf32, #tpu.memory_space<hbm>>) dst(%arg8 : memref<128x128xf32, #tpu.memory_space<vmem>>)
      "tpu.region"() ({
        %run_scoped3A = tpu.sem_alloc : memref<!tpu.dma_semaphore, #tpu.memory_space<semaphore_mem>>
        %dma_start3A_71 = arith.constant 0 : i32
        %dma_start3A_72 = tpu.memref_slice %arg7[%scan3A_60, %dma_start3A_71] : memref<16x128xi32, #tpu.memory_space<vmem>> -> memref<1x128xi32, #tpu.memory_space<vmem>>
        %dma_start3A_73 = tpu.memref_squeeze %dma_start3A_72 : memref<1x128xi32, #tpu.memory_space<vmem>> -> memref<128xi32, #tpu.memory_space<vmem>>
        %dma_start3A_74 = arith.constant 0 : i32
        %dma_start3A_75 = arith.constant 0 : i32
        %dma_start3A_76 = tpu.memref_slice %arg9[%dma_start3A_74, %dma_start3A_75] : memref<10240x128xf32, #tpu.memory_space<vmem_shared>> -> memref<10240x128xf32, #tpu.memory_space<vmem_shared>>
        tpu.enqueue_indirect_dma source(%arg8 : memref<128x128xf32, #tpu.memory_space<vmem>>) target(%dma_start3A_76 : memref<10240x128xf32, #tpu.memory_space<vmem_shared>>) offsets(%dma_start3A_73 : memref<128xi32, #tpu.memory_space<vmem>>) semaphore(%run_scoped3A : memref<!tpu.dma_semaphore, #tpu.memory_space<semaphore_mem>>) {add = true}
        %dma_wait3A_77 = arith.constant 0 : i32
        %dma_wait3A_78 = tpu.memref_slice %arg7[%scan3A_60, %dma_wait3A_77] : memref<16x128xi32, #tpu.memory_space<vmem>> -> memref<1x128xi32, #tpu.memory_space<vmem>>
        %dma_wait3A_79 = tpu.memref_squeeze %dma_wait3A_78 : memref<1x128xi32, #tpu.memory_space<vmem>> -> memref<128xi32, #tpu.memory_space<vmem>>
        %dma_wait3A_80 = arith.constant 0 : i32
        %dma_wait3A_81 = arith.constant 0 : i32
        %dma_wait3A_82 = tpu.memref_slice %arg9[%dma_wait3A_80, %dma_wait3A_81] : memref<10240x128xf32, #tpu.memory_space<vmem_shared>> -> memref<10240x128xf32, #tpu.memory_space<vmem_shared>>
        tpu.wait_indirect_dma semaphore(%run_scoped3A : memref<!tpu.dma_semaphore, #tpu.memory_space<semaphore_mem>>) src(%arg8 : memref<128x128xf32, #tpu.memory_space<vmem>>) dst(%dma_wait3A_82 : memref<10240x128xf32, #tpu.memory_space<vmem_shared>>)
        tpu.yield
      }) : () -> ()
    }
    %scan3A_44 = arith.constant 16 : i32
    "tpu.region"() ({
      %run_scoped3A = tpu.sem_alloc : memref<!tpu.dma_semaphore, #tpu.memory_space<semaphore_mem>>
      %dma_start3A = arith.constant 48 : i32
      %dma_start3A_60 = arith.constant 0 : i32
      %dma_start3A_61 = tpu.memref_slice %arg3[%add3A, %dma_start3A, %dma_start3A_60] : memref<32x80x128xi32, #tpu.memory_space<hbm>> -> memref<1x16x128xi32, #tpu.memory_space<hbm>>
      %dma_start3A_62 = tpu.memref_squeeze %dma_start3A_61 : memref<1x16x128xi32, #tpu.memory_space<hbm>> -> memref<16x128xi32, #tpu.memory_space<hbm>>
      %dma_start3A_63 = arith.constant 48 : i32
      %dma_start3A_64 = arith.constant 0 : i32
      %dma_start3A_65 = tpu.memref_slice %arg3[%add3A, %dma_start3A_63, %dma_start3A_64] : memref<32x80x128xi32, #tpu.memory_space<hbm>> -> memref<1x16x128xi32, #tpu.memory_space<hbm>>
      %dma_start3A_66 = tpu.memref_squeeze %dma_start3A_65 : memref<1x16x128xi32, #tpu.memory_space<hbm>> -> memref<16x128xi32, #tpu.memory_space<hbm>>
      tpu.enqueue_dma source(%dma_start3A_66 : memref<16x128xi32, #tpu.memory_space<hbm>>) target(%arg6 : memref<16x128xi32, #tpu.memory_space<vmem>>) target_semaphore(%run_scoped3A : memref<!tpu.dma_semaphore, #tpu.memory_space<semaphore_mem>>)
      %dma_wait3A = arith.constant 48 : i32
      %dma_wait3A_67 = arith.constant 0 : i32
      %dma_wait3A_68 = tpu.memref_slice %arg3[%add3A, %dma_wait3A, %dma_wait3A_67] : memref<32x80x128xi32, #tpu.memory_space<hbm>> -> memref<1x16x128xi32, #tpu.memory_space<hbm>>
      %dma_wait3A_69 = tpu.memref_squeeze %dma_wait3A_68 : memref<1x16x128xi32, #tpu.memory_space<hbm>> -> memref<16x128xi32, #tpu.memory_space<hbm>>
      %dma_wait3A_70 = arith.constant 48 : i32
      %dma_wait3A_71 = arith.constant 0 : i32
      %dma_wait3A_72 = tpu.memref_slice %arg3[%add3A, %dma_wait3A_70, %dma_wait3A_71] : memref<32x80x128xi32, #tpu.memory_space<hbm>> -> memref<1x16x128xi32, #tpu.memory_space<hbm>>
      %dma_wait3A_73 = tpu.memref_squeeze %dma_wait3A_72 : memref<1x16x128xi32, #tpu.memory_space<hbm>> -> memref<16x128xi32, #tpu.memory_space<hbm>>
      tpu.wait_dma2 semaphore(%run_scoped3A : memref<!tpu.dma_semaphore, #tpu.memory_space<semaphore_mem>>) src(%dma_wait3A_73 : memref<16x128xi32, #tpu.memory_space<hbm>>) dst(%arg6 : memref<16x128xi32, #tpu.memory_space<vmem>>)
      tpu.yield
    }) : () -> ()
    "tpu.region"() ({
      %run_scoped3A = tpu.sem_alloc : memref<!tpu.dma_semaphore, #tpu.memory_space<semaphore_mem>>
      %dma_start3A = arith.constant 48 : i32
      %dma_start3A_60 = arith.constant 0 : i32
      %dma_start3A_61 = tpu.memref_slice %arg4[%add3A, %dma_start3A, %dma_start3A_60] : memref<32x80x128xi32, #tpu.memory_space<hbm>> -> memref<1x16x128xi32, #tpu.memory_space<hbm>>
      %dma_start3A_62 = tpu.memref_squeeze %dma_start3A_61 : memref<1x16x128xi32, #tpu.memory_space<hbm>> -> memref<16x128xi32, #tpu.memory_space<hbm>>
      %dma_start3A_63 = arith.constant 48 : i32
      %dma_start3A_64 = arith.constant 0 : i32
      %dma_start3A_65 = tpu.memref_slice %arg4[%add3A, %dma_start3A_63, %dma_start3A_64] : memref<32x80x128xi32, #tpu.memory_space<hbm>> -> memref<1x16x128xi32, #tpu.memory_space<hbm>>
      %dma_start3A_66 = tpu.memref_squeeze %dma_start3A_65 : memref<1x16x128xi32, #tpu.memory_space<hbm>> -> memref<16x128xi32, #tpu.memory_space<hbm>>
      tpu.enqueue_dma source(%dma_start3A_66 : memref<16x128xi32, #tpu.memory_space<hbm>>) target(%arg7 : memref<16x128xi32, #tpu.memory_space<vmem>>) target_semaphore(%run_scoped3A : memref<!tpu.dma_semaphore, #tpu.memory_space<semaphore_mem>>)
      %dma_wait3A = arith.constant 48 : i32
      %dma_wait3A_67 = arith.constant 0 : i32
      %dma_wait3A_68 = tpu.memref_slice %arg4[%add3A, %dma_wait3A, %dma_wait3A_67] : memref<32x80x128xi32, #tpu.memory_space<hbm>> -> memref<1x16x128xi32, #tpu.memory_space<hbm>>
      %dma_wait3A_69 = tpu.memref_squeeze %dma_wait3A_68 : memref<1x16x128xi32, #tpu.memory_space<hbm>> -> memref<16x128xi32, #tpu.memory_space<hbm>>
      %dma_wait3A_70 = arith.constant 48 : i32
      %dma_wait3A_71 = arith.constant 0 : i32
      %dma_wait3A_72 = tpu.memref_slice %arg4[%add3A, %dma_wait3A_70, %dma_wait3A_71] : memref<32x80x128xi32, #tpu.memory_space<hbm>> -> memref<1x16x128xi32, #tpu.memory_space<hbm>>
      %dma_wait3A_73 = tpu.memref_squeeze %dma_wait3A_72 : memref<1x16x128xi32, #tpu.memory_space<hbm>> -> memref<16x128xi32, #tpu.memory_space<hbm>>
      tpu.wait_dma2 semaphore(%run_scoped3A : memref<!tpu.dma_semaphore, #tpu.memory_space<semaphore_mem>>) src(%dma_wait3A_73 : memref<16x128xi32, #tpu.memory_space<hbm>>) dst(%arg7 : memref<16x128xi32, #tpu.memory_space<vmem>>)
      tpu.yield
    }) : () -> ()
    %scan3A_45 = arith.constant 0 : i32
    %scan3A_46 = arith.constant 0 : i32
    %scan3A_47 = arith.constant 16 : i32
    %scan3A_48 = arith.addi %scan3A_46, %scan3A_47 : i32
    %scan3A_49 = arith.constant 1 : i32
    scf.for %scan3A_60 = %scan3A_46 to %scan3A_48 step %scan3A_49  : i32 {
      %dma_start3A = arith.constant 0 : i32
      %dma_start3A_61 = tpu.memref_slice %arg6[%scan3A_60, %dma_start3A] : memref<16x128xi32, #tpu.memory_space<vmem>> -> memref<1x128xi32, #tpu.memory_space<vmem>>
      %dma_start3A_62 = tpu.memref_squeeze %dma_start3A_61 : memref<1x128xi32, #tpu.memory_space<vmem>> -> memref<128xi32, #tpu.memory_space<vmem>>
      %dma_start3A_63 = arith.constant 0 : i32
      %dma_start3A_64 = arith.constant 0 : i32
      %dma_start3A_65 = tpu.memref_slice %arg2[%dma_start3A_63, %dma_start3A_64] : memref<10000x128xf32, #tpu.memory_space<hbm>> -> memref<10000x128xf32, #tpu.memory_space<hbm>>
      tpu.enqueue_indirect_dma source(%dma_start3A_65 : memref<10000x128xf32, #tpu.memory_space<hbm>>) target(%arg8 : memref<128x128xf32, #tpu.memory_space<vmem>>) offsets(%dma_start3A_62 : memref<128xi32, #tpu.memory_space<vmem>>) semaphore(%arg10 : memref<!tpu.dma_semaphore, #tpu.memory_space<semaphore_mem>>)
      %dma_wait3A = arith.constant 0 : i32
      %dma_wait3A_66 = tpu.memref_slice %arg6[%scan3A_60, %dma_wait3A] : memref<16x128xi32, #tpu.memory_space<vmem>> -> memref<1x128xi32, #tpu.memory_space<vmem>>
      %dma_wait3A_67 = tpu.memref_squeeze %dma_wait3A_66 : memref<1x128xi32, #tpu.memory_space<vmem>> -> memref<128xi32, #tpu.memory_space<vmem>>
      %dma_wait3A_68 = arith.constant 0 : i32
      %dma_wait3A_69 = arith.constant 0 : i32
      %dma_wait3A_70 = tpu.memref_slice %arg2[%dma_wait3A_68, %dma_wait3A_69] : memref<10000x128xf32, #tpu.memory_space<hbm>> -> memref<10000x128xf32, #tpu.memory_space<hbm>>
      tpu.wait_indirect_dma semaphore(%arg10 : memref<!tpu.dma_semaphore, #tpu.memory_space<semaphore_mem>>) src(%dma_wait3A_70 : memref<10000x128xf32, #tpu.memory_space<hbm>>) dst(%arg8 : memref<128x128xf32, #tpu.memory_space<vmem>>)
      "tpu.region"() ({
        %run_scoped3A = tpu.sem_alloc : memref<!tpu.dma_semaphore, #tpu.memory_space<semaphore_mem>>
        %dma_start3A_71 = arith.constant 0 : i32
        %dma_start3A_72 = tpu.memref_slice %arg7[%scan3A_60, %dma_start3A_71] : memref<16x128xi32, #tpu.memory_space<vmem>> -> memref<1x128xi32, #tpu.memory_space<vmem>>
        %dma_start3A_73 = tpu.memref_squeeze %dma_start3A_72 : memref<1x128xi32, #tpu.memory_space<vmem>> -> memref<128xi32, #tpu.memory_space<vmem>>
        %dma_start3A_74 = arith.constant 0 : i32
        %dma_start3A_75 = arith.constant 0 : i32
        %dma_start3A_76 = tpu.memref_slice %arg9[%dma_start3A_74, %dma_start3A_75] : memref<10240x128xf32, #tpu.memory_space<vmem_shared>> -> memref<10240x128xf32, #tpu.memory_space<vmem_shared>>
        tpu.enqueue_indirect_dma source(%arg8 : memref<128x128xf32, #tpu.memory_space<vmem>>) target(%dma_start3A_76 : memref<10240x128xf32, #tpu.memory_space<vmem_shared>>) offsets(%dma_start3A_73 : memref<128xi32, #tpu.memory_space<vmem>>) semaphore(%run_scoped3A : memref<!tpu.dma_semaphore, #tpu.memory_space<semaphore_mem>>) {add = true}
        %dma_wait3A_77 = arith.constant 0 : i32
        %dma_wait3A_78 = tpu.memref_slice %arg7[%scan3A_60, %dma_wait3A_77] : memref<16x128xi32, #tpu.memory_space<vmem>> -> memref<1x128xi32, #tpu.memory_space<vmem>>
        %dma_wait3A_79 = tpu.memref_squeeze %dma_wait3A_78 : memref<1x128xi32, #tpu.memory_space<vmem>> -> memref<128xi32, #tpu.memory_space<vmem>>
        %dma_wait3A_80 = arith.constant 0 : i32
        %dma_wait3A_81 = arith.constant 0 : i32
        %dma_wait3A_82 = tpu.memref_slice %arg9[%dma_wait3A_80, %dma_wait3A_81] : memref<10240x128xf32, #tpu.memory_space<vmem_shared>> -> memref<10240x128xf32, #tpu.memory_space<vmem_shared>>
        tpu.wait_indirect_dma semaphore(%run_scoped3A : memref<!tpu.dma_semaphore, #tpu.memory_space<semaphore_mem>>) src(%arg8 : memref<128x128xf32, #tpu.memory_space<vmem>>) dst(%dma_wait3A_82 : memref<10240x128xf32, #tpu.memory_space<vmem_shared>>)
        tpu.yield
      }) : () -> ()
    }
    %scan3A_50 = arith.constant 16 : i32
    "tpu.region"() ({
      %run_scoped3A = tpu.sem_alloc : memref<!tpu.dma_semaphore, #tpu.memory_space<semaphore_mem>>
      %dma_start3A = arith.constant 64 : i32
      %dma_start3A_60 = arith.constant 0 : i32
      %dma_start3A_61 = tpu.memref_slice %arg3[%add3A, %dma_start3A, %dma_start3A_60] : memref<32x80x128xi32, #tpu.memory_space<hbm>> -> memref<1x16x128xi32, #tpu.memory_space<hbm>>
      %dma_start3A_62 = tpu.memref_squeeze %dma_start3A_61 : memref<1x16x128xi32, #tpu.memory_space<hbm>> -> memref<16x128xi32, #tpu.memory_space<hbm>>
      %dma_start3A_63 = arith.constant 64 : i32
      %dma_start3A_64 = arith.constant 0 : i32
      %dma_start3A_65 = tpu.memref_slice %arg3[%add3A, %dma_start3A_63, %dma_start3A_64] : memref<32x80x128xi32, #tpu.memory_space<hbm>> -> memref<1x16x128xi32, #tpu.memory_space<hbm>>
      %dma_start3A_66 = tpu.memref_squeeze %dma_start3A_65 : memref<1x16x128xi32, #tpu.memory_space<hbm>> -> memref<16x128xi32, #tpu.memory_space<hbm>>
      tpu.enqueue_dma source(%dma_start3A_66 : memref<16x128xi32, #tpu.memory_space<hbm>>) target(%arg6 : memref<16x128xi32, #tpu.memory_space<vmem>>) target_semaphore(%run_scoped3A : memref<!tpu.dma_semaphore, #tpu.memory_space<semaphore_mem>>)
      %dma_wait3A = arith.constant 64 : i32
      %dma_wait3A_67 = arith.constant 0 : i32
      %dma_wait3A_68 = tpu.memref_slice %arg3[%add3A, %dma_wait3A, %dma_wait3A_67] : memref<32x80x128xi32, #tpu.memory_space<hbm>> -> memref<1x16x128xi32, #tpu.memory_space<hbm>>
      %dma_wait3A_69 = tpu.memref_squeeze %dma_wait3A_68 : memref<1x16x128xi32, #tpu.memory_space<hbm>> -> memref<16x128xi32, #tpu.memory_space<hbm>>
      %dma_wait3A_70 = arith.constant 64 : i32
      %dma_wait3A_71 = arith.constant 0 : i32
      %dma_wait3A_72 = tpu.memref_slice %arg3[%add3A, %dma_wait3A_70, %dma_wait3A_71] : memref<32x80x128xi32, #tpu.memory_space<hbm>> -> memref<1x16x128xi32, #tpu.memory_space<hbm>>
      %dma_wait3A_73 = tpu.memref_squeeze %dma_wait3A_72 : memref<1x16x128xi32, #tpu.memory_space<hbm>> -> memref<16x128xi32, #tpu.memory_space<hbm>>
      tpu.wait_dma2 semaphore(%run_scoped3A : memref<!tpu.dma_semaphore, #tpu.memory_space<semaphore_mem>>) src(%dma_wait3A_73 : memref<16x128xi32, #tpu.memory_space<hbm>>) dst(%arg6 : memref<16x128xi32, #tpu.memory_space<vmem>>)
      tpu.yield
    }) : () -> ()
    "tpu.region"() ({
      %run_scoped3A = tpu.sem_alloc : memref<!tpu.dma_semaphore, #tpu.memory_space<semaphore_mem>>
      %dma_start3A = arith.constant 64 : i32
      %dma_start3A_60 = arith.constant 0 : i32
      %dma_start3A_61 = tpu.memref_slice %arg4[%add3A, %dma_start3A, %dma_start3A_60] : memref<32x80x128xi32, #tpu.memory_space<hbm>> -> memref<1x16x128xi32, #tpu.memory_space<hbm>>
      %dma_start3A_62 = tpu.memref_squeeze %dma_start3A_61 : memref<1x16x128xi32, #tpu.memory_space<hbm>> -> memref<16x128xi32, #tpu.memory_space<hbm>>
      %dma_start3A_63 = arith.constant 64 : i32
      %dma_start3A_64 = arith.constant 0 : i32
      %dma_start3A_65 = tpu.memref_slice %arg4[%add3A, %dma_start3A_63, %dma_start3A_64] : memref<32x80x128xi32, #tpu.memory_space<hbm>> -> memref<1x16x128xi32, #tpu.memory_space<hbm>>
      %dma_start3A_66 = tpu.memref_squeeze %dma_start3A_65 : memref<1x16x128xi32, #tpu.memory_space<hbm>> -> memref<16x128xi32, #tpu.memory_space<hbm>>
      tpu.enqueue_dma source(%dma_start3A_66 : memref<16x128xi32, #tpu.memory_space<hbm>>) target(%arg7 : memref<16x128xi32, #tpu.memory_space<vmem>>) target_semaphore(%run_scoped3A : memref<!tpu.dma_semaphore, #tpu.memory_space<semaphore_mem>>)
      %dma_wait3A = arith.constant 64 : i32
      %dma_wait3A_67 = arith.constant 0 : i32
      %dma_wait3A_68 = tpu.memref_slice %arg4[%add3A, %dma_wait3A, %dma_wait3A_67] : memref<32x80x128xi32, #tpu.memory_space<hbm>> -> memref<1x16x128xi32, #tpu.memory_space<hbm>>
      %dma_wait3A_69 = tpu.memref_squeeze %dma_wait3A_68 : memref<1x16x128xi32, #tpu.memory_space<hbm>> -> memref<16x128xi32, #tpu.memory_space<hbm>>
      %dma_wait3A_70 = arith.constant 64 : i32
      %dma_wait3A_71 = arith.constant 0 : i32
      %dma_wait3A_72 = tpu.memref_slice %arg4[%add3A, %dma_wait3A_70, %dma_wait3A_71] : memref<32x80x128xi32, #tpu.memory_space<hbm>> -> memref<1x16x128xi32, #tpu.memory_space<hbm>>
      %dma_wait3A_73 = tpu.memref_squeeze %dma_wait3A_72 : memref<1x16x128xi32, #tpu.memory_space<hbm>> -> memref<16x128xi32, #tpu.memory_space<hbm>>
      tpu.wait_dma2 semaphore(%run_scoped3A : memref<!tpu.dma_semaphore, #tpu.memory_space<semaphore_mem>>) src(%dma_wait3A_73 : memref<16x128xi32, #tpu.memory_space<hbm>>) dst(%arg7 : memref<16x128xi32, #tpu.memory_space<vmem>>)
      tpu.yield
    }) : () -> ()
    %scan3A_51 = arith.constant 0 : i32
    %scan3A_52 = arith.constant 0 : i32
    %scan3A_53 = arith.constant 16 : i32
    %scan3A_54 = arith.addi %scan3A_52, %scan3A_53 : i32
    %scan3A_55 = arith.constant 1 : i32
    scf.for %scan3A_60 = %scan3A_52 to %scan3A_54 step %scan3A_55  : i32 {
      %dma_start3A = arith.constant 0 : i32
      %dma_start3A_61 = tpu.memref_slice %arg6[%scan3A_60, %dma_start3A] : memref<16x128xi32, #tpu.memory_space<vmem>> -> memref<1x128xi32, #tpu.memory_space<vmem>>
      %dma_start3A_62 = tpu.memref_squeeze %dma_start3A_61 : memref<1x128xi32, #tpu.memory_space<vmem>> -> memref<128xi32, #tpu.memory_space<vmem>>
      %dma_start3A_63 = arith.constant 0 : i32
      %dma_start3A_64 = arith.constant 0 : i32
      %dma_start3A_65 = tpu.memref_slice %arg2[%dma_start3A_63, %dma_start3A_64] : memref<10000x128xf32, #tpu.memory_space<hbm>> -> memref<10000x128xf32, #tpu.memory_space<hbm>>
      tpu.enqueue_indirect_dma source(%dma_start3A_65 : memref<10000x128xf32, #tpu.memory_space<hbm>>) target(%arg8 : memref<128x128xf32, #tpu.memory_space<vmem>>) offsets(%dma_start3A_62 : memref<128xi32, #tpu.memory_space<vmem>>) semaphore(%arg10 : memref<!tpu.dma_semaphore, #tpu.memory_space<semaphore_mem>>)
      %dma_wait3A = arith.constant 0 : i32
      %dma_wait3A_66 = tpu.memref_slice %arg6[%scan3A_60, %dma_wait3A] : memref<16x128xi32, #tpu.memory_space<vmem>> -> memref<1x128xi32, #tpu.memory_space<vmem>>
      %dma_wait3A_67 = tpu.memref_squeeze %dma_wait3A_66 : memref<1x128xi32, #tpu.memory_space<vmem>> -> memref<128xi32, #tpu.memory_space<vmem>>
      %dma_wait3A_68 = arith.constant 0 : i32
      %dma_wait3A_69 = arith.constant 0 : i32
      %dma_wait3A_70 = tpu.memref_slice %arg2[%dma_wait3A_68, %dma_wait3A_69] : memref<10000x128xf32, #tpu.memory_space<hbm>> -> memref<10000x128xf32, #tpu.memory_space<hbm>>
      tpu.wait_indirect_dma semaphore(%arg10 : memref<!tpu.dma_semaphore, #tpu.memory_space<semaphore_mem>>) src(%dma_wait3A_70 : memref<10000x128xf32, #tpu.memory_space<hbm>>) dst(%arg8 : memref<128x128xf32, #tpu.memory_space<vmem>>)
      "tpu.region"() ({
        %run_scoped3A = tpu.sem_alloc : memref<!tpu.dma_semaphore, #tpu.memory_space<semaphore_mem>>
        %dma_start3A_71 = arith.constant 0 : i32
        %dma_start3A_72 = tpu.memref_slice %arg7[%scan3A_60, %dma_start3A_71] : memref<16x128xi32, #tpu.memory_space<vmem>> -> memref<1x128xi32, #tpu.memory_space<vmem>>
        %dma_start3A_73 = tpu.memref_squeeze %dma_start3A_72 : memref<1x128xi32, #tpu.memory_space<vmem>> -> memref<128xi32, #tpu.memory_space<vmem>>
        %dma_start3A_74 = arith.constant 0 : i32
        %dma_start3A_75 = arith.constant 0 : i32
        %dma_start3A_76 = tpu.memref_slice %arg9[%dma_start3A_74, %dma_start3A_75] : memref<10240x128xf32, #tpu.memory_space<vmem_shared>> -> memref<10240x128xf32, #tpu.memory_space<vmem_shared>>
        tpu.enqueue_indirect_dma source(%arg8 : memref<128x128xf32, #tpu.memory_space<vmem>>) target(%dma_start3A_76 : memref<10240x128xf32, #tpu.memory_space<vmem_shared>>) offsets(%dma_start3A_73 : memref<128xi32, #tpu.memory_space<vmem>>) semaphore(%run_scoped3A : memref<!tpu.dma_semaphore, #tpu.memory_space<semaphore_mem>>) {add = true}
        %dma_wait3A_77 = arith.constant 0 : i32
        %dma_wait3A_78 = tpu.memref_slice %arg7[%scan3A_60, %dma_wait3A_77] : memref<16x128xi32, #tpu.memory_space<vmem>> -> memref<1x128xi32, #tpu.memory_space<vmem>>
        %dma_wait3A_79 = tpu.memref_squeeze %dma_wait3A_78 : memref<1x128xi32, #tpu.memory_space<vmem>> -> memref<128xi32, #tpu.memory_space<vmem>>
        %dma_wait3A_80 = arith.constant 0 : i32
        %dma_wait3A_81 = arith.constant 0 : i32
        %dma_wait3A_82 = tpu.memref_slice %arg9[%dma_wait3A_80, %dma_wait3A_81] : memref<10240x128xf32, #tpu.memory_space<vmem_shared>> -> memref<10240x128xf32, #tpu.memory_space<vmem_shared>>
        tpu.wait_indirect_dma semaphore(%run_scoped3A : memref<!tpu.dma_semaphore, #tpu.memory_space<semaphore_mem>>) src(%arg8 : memref<128x128xf32, #tpu.memory_space<vmem>>) dst(%dma_wait3A_82 : memref<10240x128xf32, #tpu.memory_space<vmem_shared>>)
        tpu.yield
      }) : () -> ()
    }
    %scan3A_56 = arith.constant 16 : i32
    %barrier3A_57 = arith.constant 0 : index
    tpu.barrier barrier_id(%barrier3A_57)
    %mul3A_58 = arith.constant 640 : i32
    %mul3A_59 = arith.muli %arg1, %mul3A_58 : i32
    "tpu.region"() ({
      %run_scoped3A = tpu.sem_alloc : memref<!tpu.dma_semaphore, #tpu.memory_space<semaphore_mem>>
      %dma_start3A = arith.constant 0 : i32
      %dma_start3A_60 = tpu.memref_slice %arg5[%arg0, %mul3A_59, %dma_start3A] : memref<2x10240x128xf32, #tpu.memory_space<hbm>> -> memref<1x640x128xf32, #tpu.memory_space<hbm>>
      %dma_start3A_61 = tpu.memref_squeeze %dma_start3A_60 : memref<1x640x128xf32, #tpu.memory_space<hbm>> -> memref<640x128xf32, #tpu.memory_space<hbm>>
      %dma_start3A_62 = arith.constant 0 : i32
      %dma_start3A_63 = tpu.memref_slice %arg9[%mul3A_59, %dma_start3A_62] : memref<10240x128xf32, #tpu.memory_space<vmem_shared>> -> memref<640x128xf32, #tpu.memory_space<vmem_shared>>
      tpu.enqueue_dma source(%dma_start3A_63 : memref<640x128xf32, #tpu.memory_space<vmem_shared>>) target(%dma_start3A_61 : memref<640x128xf32, #tpu.memory_space<hbm>>) target_semaphore(%run_scoped3A : memref<!tpu.dma_semaphore, #tpu.memory_space<semaphore_mem>>)
      %dma_wait3A = arith.constant 0 : i32
      %dma_wait3A_64 = tpu.memref_slice %arg5[%arg0, %mul3A_59, %dma_wait3A] : memref<2x10240x128xf32, #tpu.memory_space<hbm>> -> memref<1x640x128xf32, #tpu.memory_space<hbm>>
      %dma_wait3A_65 = tpu.memref_squeeze %dma_wait3A_64 : memref<1x640x128xf32, #tpu.memory_space<hbm>> -> memref<640x128xf32, #tpu.memory_space<hbm>>
      %dma_wait3A_66 = arith.constant 0 : i32
      %dma_wait3A_67 = tpu.memref_slice %arg9[%mul3A_59, %dma_wait3A_66] : memref<10240x128xf32, #tpu.memory_space<vmem_shared>> -> memref<640x128xf32, #tpu.memory_space<vmem_shared>>
      tpu.wait_dma2 semaphore(%run_scoped3A : memref<!tpu.dma_semaphore, #tpu.memory_space<semaphore_mem>>) src(%dma_wait3A_67 : memref<640x128xf32, #tpu.memory_space<vmem_shared>>) dst(%dma_wait3A_65 : memref<640x128xf32, #tpu.memory_space<hbm>>)
      tpu.yield
    }) : () -> ()
    return
  }
}

#map = affine_map<(d0, d1) -> (0, 0)>
#map1 = affine_map<(d0, d1) -> (0, 0, 0)>
module attributes {stable_mosaic.version = 14 : i64} {
  func.func @_agg_body(%arg0: i32, %arg1: i32, %arg2: memref<10000x128xf32, #tpu.memory_space<hbm>>, %arg3: memref<32x80x128xi32, #tpu.memory_space<hbm>>, %arg4: memref<32x80x128xi32, #tpu.memory_space<hbm>>, %arg5: memref<2x10240x128xf32, #tpu.memory_space<hbm>>, %arg6: memref<16x128xi32, #tpu.memory_space<vmem>>, %arg7: memref<16x128xi32, #tpu.memory_space<vmem>>, %arg8: memref<128x128xf32, #tpu.memory_space<vmem>>, %arg9: memref<10240x128xf32, #tpu.memory_space<vmem_shared>>, %arg10: memref<!tpu.dma_semaphore, #tpu.memory_space<semaphore_mem>>) attributes {dimension_semantics = [#tpu.dimension_semantics<core_parallel>, #tpu.dimension_semantics<subcore_parallel>], iteration_bounds = array<i64: 2, 16>, scalar_prefetch = 0 : i64, scratch_operands = 5 : i64, tpu.core_type = #tpu.core_type<sc_vector_subcore>, window_params = [{transform_indices = #map}, {transform_indices = #map1}, {transform_indices = #map1}, {transform_indices = #map1}]} {
    %mul3A = arith.constant 2 : i32
    %mul3A_0 = arith.muli %arg1, %mul3A : i32
    %add3A = arith.addi %mul3A_0, %arg0 : i32
    %broadcast_in_dim3A = arith.constant 0.000000e+00 : f32
    %broadcast_in_dim3A_1 = vector.broadcast %broadcast_in_dim3A : f32 to vector<16xf32>
    %scan3A = arith.constant 0 : i32
    %scan3A_2 = arith.constant 0 : i32
    %scan3A_3 = arith.constant 128 : i32
    %scan3A_4 = arith.addi %scan3A_2, %scan3A_3 : i32
    %scan3A_5 = arith.constant 1 : i32
    scf.for %scan3A_60 = %scan3A_2 to %scan3A_4 step %scan3A_5  : i32 {
      %swap3A = arith.index_cast %scan3A_60 : i32 to index
      %swap3A_61 = arith.constant 0 : index
      %swap3A_62 = tpu.vector_load %arg8[%swap3A, %swap3A_61] {strides = array<i32>} : memref<128x128xf32, #tpu.memory_space<vmem>>, vector<1x16xf32>,
      %swap3A_63 = vector.shape_cast %swap3A_62 : vector<1x16xf32> to vector<16xf32>
      %swap3A_64 = vector.shape_cast %broadcast_in_dim3A_1 : vector<16xf32> to vector<1x16xf32>
      tpu.vector_store %arg8[%swap3A, %swap3A_61], %swap3A_64 {strides = array<i32>} : memref<128x128xf32, #tpu.memory_space<vmem>>, vector<1x16xf32>,
      %swap3A_65 = arith.index_cast %scan3A_60 : i32 to index
      %swap3A_66 = arith.constant 16 : index
      %swap3A_67 = tpu.vector_load %arg8[%swap3A_65, %swap3A_66] {strides = array<i32>} : memref<128x128xf32, #tpu.memory_space<vmem>>, vector<1x16xf32>,
      %swap3A_68 = vector.shape_cast %swap3A_67 : vector<1x16xf32> to vector<16xf32>
      %swap3A_69 = vector.shape_cast %broadcast_in_dim3A_1 : vector<16xf32> to vector<1x16xf32>
      tpu.vector_store %arg8[%swap3A_65, %swap3A_66], %swap3A_69 {strides = array<i32>} : memref<128x128xf32, #tpu.memory_space<vmem>>, vector<1x16xf32>,
      %swap3A_70 = arith.index_cast %scan3A_60 : i32 to index
      %swap3A_71 = arith.constant 32 : index
      %swap3A_72 = tpu.vector_load %arg8[%swap3A_70, %swap3A_71] {strides = array<i32>} : memref<128x128xf32, #tpu.memory_space<vmem>>, vector<1x16xf32>,
      %swap3A_73 = vector.shape_cast %swap3A_72 : vector<1x16xf32> to vector<16xf32>
      %swap3A_74 = vector.shape_cast %broadcast_in_dim3A_1 : vector<16xf32> to vector<1x16xf32>
      tpu.vector_store %arg8[%swap3A_70, %swap3A_71], %swap3A_74 {strides = array<i32>} : memref<128x128xf32, #tpu.memory_space<vmem>>, vector<1x16xf32>,
      %swap3A_75 = arith.index_cast %scan3A_60 : i32 to index
      %swap3A_76 = arith.constant 48 : index
      %swap3A_77 = tpu.vector_load %arg8[%swap3A_75, %swap3A_76] {strides = array<i32>} : memref<128x128xf32, #tpu.memory_space<vmem>>, vector<1x16xf32>,
      %swap3A_78 = vector.shape_cast %swap3A_77 : vector<1x16xf32> to vector<16xf32>
      %swap3A_79 = vector.shape_cast %broadcast_in_dim3A_1 : vector<16xf32> to vector<1x16xf32>
      tpu.vector_store %arg8[%swap3A_75, %swap3A_76], %swap3A_79 {strides = array<i32>} : memref<128x128xf32, #tpu.memory_space<vmem>>, vector<1x16xf32>,
      %swap3A_80 = arith.index_cast %scan3A_60 : i32 to index
      %swap3A_81 = arith.constant 64 : index
      %swap3A_82 = tpu.vector_load %arg8[%swap3A_80, %swap3A_81] {strides = array<i32>} : memref<128x128xf32, #tpu.memory_space<vmem>>, vector<1x16xf32>,
      %swap3A_83 = vector.shape_cast %swap3A_82 : vector<1x16xf32> to vector<16xf32>
      %swap3A_84 = vector.shape_cast %broadcast_in_dim3A_1 : vector<16xf32> to vector<1x16xf32>
      tpu.vector_store %arg8[%swap3A_80, %swap3A_81], %swap3A_84 {strides = array<i32>} : memref<128x128xf32, #tpu.memory_space<vmem>>, vector<1x16xf32>,
      %swap3A_85 = arith.index_cast %scan3A_60 : i32 to index
      %swap3A_86 = arith.constant 80 : index
      %swap3A_87 = tpu.vector_load %arg8[%swap3A_85, %swap3A_86] {strides = array<i32>} : memref<128x128xf32, #tpu.memory_space<vmem>>, vector<1x16xf32>,
      %swap3A_88 = vector.shape_cast %swap3A_87 : vector<1x16xf32> to vector<16xf32>
      %swap3A_89 = vector.shape_cast %broadcast_in_dim3A_1 : vector<16xf32> to vector<1x16xf32>
      tpu.vector_store %arg8[%swap3A_85, %swap3A_86], %swap3A_89 {strides = array<i32>} : memref<128x128xf32, #tpu.memory_space<vmem>>, vector<1x16xf32>,
      %swap3A_90 = arith.index_cast %scan3A_60 : i32 to index
      %swap3A_91 = arith.constant 96 : index
      %swap3A_92 = tpu.vector_load %arg8[%swap3A_90, %swap3A_91] {strides = array<i32>} : memref<128x128xf32, #tpu.memory_space<vmem>>, vector<1x16xf32>,
      %swap3A_93 = vector.shape_cast %swap3A_92 : vector<1x16xf32> to vector<16xf32>
      %swap3A_94 = vector.shape_cast %broadcast_in_dim3A_1 : vector<16xf32> to vector<1x16xf32>
      tpu.vector_store %arg8[%swap3A_90, %swap3A_91], %swap3A_94 {strides = array<i32>} : memref<128x128xf32, #tpu.memory_space<vmem>>, vector<1x16xf32>,
      %swap3A_95 = arith.index_cast %scan3A_60 : i32 to index
      %swap3A_96 = arith.constant 112 : index
      %swap3A_97 = tpu.vector_load %arg8[%swap3A_95, %swap3A_96] {strides = array<i32>} : memref<128x128xf32, #tpu.memory_space<vmem>>, vector<1x16xf32>,
      %swap3A_98 = vector.shape_cast %swap3A_97 : vector<1x16xf32> to vector<16xf32>
      %swap3A_99 = vector.shape_cast %broadcast_in_dim3A_1 : vector<16xf32> to vector<1x16xf32>
      tpu.vector_store %arg8[%swap3A_95, %swap3A_96], %swap3A_99 {strides = array<i32>} : memref<128x128xf32, #tpu.memory_space<vmem>>, vector<1x16xf32>,
    }
    %scan3A_6 = arith.constant 128 : i32
    %mul3A_7 = arith.constant 640 : i32
    %mul3A_8 = arith.muli %arg1, %mul3A_7 : i32
    %add3A_9 = arith.constant 0 : i32
    %add3A_10 = arith.addi %mul3A_8, %add3A_9 : i32
    "tpu.region"() ({
      %run_scoped3A = tpu.sem_alloc : memref<!tpu.dma_semaphore, #tpu.memory_space<semaphore_mem>>
      %dma_start3A = arith.constant 0 : i32
      %dma_start3A_60 = tpu.memref_slice %arg9[%add3A_10, %dma_start3A] : memref<10240x128xf32, #tpu.memory_space<vmem_shared>> -> memref<128x128xf32, #tpu.memory_space<vmem_shared>>
      %dma_start3A_61 = arith.constant 0 : i32
      %dma_start3A_62 = tpu.memref_slice %arg9[%add3A_10, %dma_start3A_61] : memref<10240x128xf32, #tpu.memory_space<vmem_shared>> -> memref<128x128xf32, #tpu.memory_space<vmem_shared>>
      tpu.enqueue_dma source(%arg8 : memref<128x128xf32, #tpu.memory_space<vmem>>) target(%dma_start3A_62 : memref<128x128xf32, #tpu.memory_space<vmem_shared>>) target_semaphore(%run_scoped3A : memref<!tpu.dma_semaphore, #tpu.memory_space<semaphore_mem>>)
      %dma_wait3A = arith.constant 0 : i32
      %dma_wait3A_63 = tpu.memref_slice %arg9[%add3A_10, %dma_wait3A] : memref<10240x128xf32, #tpu.memory_space<vmem_shared>> -> memref<128x128xf32, #tpu.memory_space<vmem_shared>>
      %dma_wait3A_64 = arith.constant 0 : i32
      %dma_wait3A_65 = tpu.memref_slice %arg9[%add3A_10, %dma_wait3A_64] : memref<10240x128xf32, #tpu.memory_space<vmem_shared>> -> memref<128x128xf32, #tpu.memory_space<vmem_shared>>
      tpu.wait_dma2 semaphore(%run_scoped3A : memref<!tpu.dma_semaphore, #tpu.memory_space<semaphore_mem>>) src(%arg8 : memref<128x128xf32, #tpu.memory_space<vmem>>) dst(%dma_wait3A_65 : memref<128x128xf32, #tpu.memory_space<vmem_shared>>)
      tpu.yield
    }) : () -> ()
    %mul3A_11 = arith.constant 640 : i32
    %mul3A_12 = arith.muli %arg1, %mul3A_11 : i32
    %add3A_13 = arith.constant 128 : i32
    %add3A_14 = arith.addi %mul3A_12, %add3A_13 : i32
    "tpu.region"() ({
      %run_scoped3A = tpu.sem_alloc : memref<!tpu.dma_semaphore, #tpu.memory_space<semaphore_mem>>
      %dma_start3A = arith.constant 0 : i32
      %dma_start3A_60 = tpu.memref_slice %arg9[%add3A_14, %dma_start3A] : memref<10240x128xf32, #tpu.memory_space<vmem_shared>> -> memref<128x128xf32, #tpu.memory_space<vmem_shared>>
      %dma_start3A_61 = arith.constant 0 : i32
      %dma_start3A_62 = tpu.memref_slice %arg9[%add3A_14, %dma_start3A_61] : memref<10240x128xf32, #tpu.memory_space<vmem_shared>> -> memref<128x128xf32, #tpu.memory_space<vmem_shared>>
      tpu.enqueue_dma source(%arg8 : memref<128x128xf32, #tpu.memory_space<vmem>>) target(%dma_start3A_62 : memref<128x128xf32, #tpu.memory_space<vmem_shared>>) target_semaphore(%run_scoped3A : memref<!tpu.dma_semaphore, #tpu.memory_space<semaphore_mem>>)
      %dma_wait3A = arith.constant 0 : i32
      %dma_wait3A_63 = tpu.memref_slice %arg9[%add3A_14, %dma_wait3A] : memref<10240x128xf32, #tpu.memory_space<vmem_shared>> -> memref<128x128xf32, #tpu.memory_space<vmem_shared>>
      %dma_wait3A_64 = arith.constant 0 : i32
      %dma_wait3A_65 = tpu.memref_slice %arg9[%add3A_14, %dma_wait3A_64] : memref<10240x128xf32, #tpu.memory_space<vmem_shared>> -> memref<128x128xf32, #tpu.memory_space<vmem_shared>>
      tpu.wait_dma2 semaphore(%run_scoped3A : memref<!tpu.dma_semaphore, #tpu.memory_space<semaphore_mem>>) src(%arg8 : memref<128x128xf32, #tpu.memory_space<vmem>>) dst(%dma_wait3A_65 : memref<128x128xf32, #tpu.memory_space<vmem_shared>>)
      tpu.yield
    }) : () -> ()
    %mul3A_15 = arith.constant 640 : i32
    %mul3A_16 = arith.muli %arg1, %mul3A_15 : i32
    %add3A_17 = arith.constant 256 : i32
    %add3A_18 = arith.addi %mul3A_16, %add3A_17 : i32
    "tpu.region"() ({
      %run_scoped3A = tpu.sem_alloc : memref<!tpu.dma_semaphore, #tpu.memory_space<semaphore_mem>>
      %dma_start3A = arith.constant 0 : i32
      %dma_start3A_60 = tpu.memref_slice %arg9[%add3A_18, %dma_start3A] : memref<10240x128xf32, #tpu.memory_space<vmem_shared>> -> memref<128x128xf32, #tpu.memory_space<vmem_shared>>
      %dma_start3A_61 = arith.constant 0 : i32
      %dma_start3A_62 = tpu.memref_slice %arg9[%add3A_18, %dma_start3A_61] : memref<10240x128xf32, #tpu.memory_space<vmem_shared>> -> memref<128x128xf32, #tpu.memory_space<vmem_shared>>
      tpu.enqueue_dma source(%arg8 : memref<128x128xf32, #tpu.memory_space<vmem>>) target(%dma_start3A_62 : memref<128x128xf32, #tpu.memory_space<vmem_shared>>) target_semaphore(%run_scoped3A : memref<!tpu.dma_semaphore, #tpu.memory_space<semaphore_mem>>)
      %dma_wait3A = arith.constant 0 : i32
      %dma_wait3A_63 = tpu.memref_slice %arg9[%add3A_18, %dma_wait3A] : memref<10240x128xf32, #tpu.memory_space<vmem_shared>> -> memref<128x128xf32, #tpu.memory_space<vmem_shared>>
      %dma_wait3A_64 = arith.constant 0 : i32
      %dma_wait3A_65 = tpu.memref_slice %arg9[%add3A_18, %dma_wait3A_64] : memref<10240x128xf32, #tpu.memory_space<vmem_shared>> -> memref<128x128xf32, #tpu.memory_space<vmem_shared>>
      tpu.wait_dma2 semaphore(%run_scoped3A : memref<!tpu.dma_semaphore, #tpu.memory_space<semaphore_mem>>) src(%arg8 : memref<128x128xf32, #tpu.memory_space<vmem>>) dst(%dma_wait3A_65 : memref<128x128xf32, #tpu.memory_space<vmem_shared>>)
      tpu.yield
    }) : () -> ()
    %mul3A_19 = arith.constant 640 : i32
    %mul3A_20 = arith.muli %arg1, %mul3A_19 : i32
    %add3A_21 = arith.constant 384 : i32
    %add3A_22 = arith.addi %mul3A_20, %add3A_21 : i32
    "tpu.region"() ({
      %run_scoped3A = tpu.sem_alloc : memref<!tpu.dma_semaphore, #tpu.memory_space<semaphore_mem>>
      %dma_start3A = arith.constant 0 : i32
      %dma_start3A_60 = tpu.memref_slice %arg9[%add3A_22, %dma_start3A] : memref<10240x128xf32, #tpu.memory_space<vmem_shared>> -> memref<128x128xf32, #tpu.memory_space<vmem_shared>>
      %dma_start3A_61 = arith.constant 0 : i32
      %dma_start3A_62 = tpu.memref_slice %arg9[%add3A_22, %dma_start3A_61] : memref<10240x128xf32, #tpu.memory_space<vmem_shared>> -> memref<128x128xf32, #tpu.memory_space<vmem_shared>>
      tpu.enqueue_dma source(%arg8 : memref<128x128xf32, #tpu.memory_space<vmem>>) target(%dma_start3A_62 : memref<128x128xf32, #tpu.memory_space<vmem_shared>>) target_semaphore(%run_scoped3A : memref<!tpu.dma_semaphore, #tpu.memory_space<semaphore_mem>>)
      %dma_wait3A = arith.constant 0 : i32
      %dma_wait3A_63 = tpu.memref_slice %arg9[%add3A_22, %dma_wait3A] : memref<10240x128xf32, #tpu.memory_space<vmem_shared>> -> memref<128x128xf32, #tpu.memory_space<vmem_shared>>
      %dma_wait3A_64 = arith.constant 0 : i32
      %dma_wait3A_65 = tpu.memref_slice %arg9[%add3A_22, %dma_wait3A_64] : memref<10240x128xf32, #tpu.memory_space<vmem_shared>> -> memref<128x128xf32, #tpu.memory_space<vmem_shared>>
      tpu.wait_dma2 semaphore(%run_scoped3A : memref<!tpu.dma_semaphore, #tpu.memory_space<semaphore_mem>>) src(%arg8 : memref<128x128xf32, #tpu.memory_space<vmem>>) dst(%dma_wait3A_65 : memref<128x128xf32, #tpu.memory_space<vmem_shared>>)
      tpu.yield
    }) : () -> ()
    %mul3A_23 = arith.constant 640 : i32
    %mul3A_24 = arith.muli %arg1, %mul3A_23 : i32
    %add3A_25 = arith.constant 512 : i32
    %add3A_26 = arith.addi %mul3A_24, %add3A_25 : i32
    "tpu.region"() ({
      %run_scoped3A = tpu.sem_alloc : memref<!tpu.dma_semaphore, #tpu.memory_space<semaphore_mem>>
      %dma_start3A = arith.constant 0 : i32
      %dma_start3A_60 = tpu.memref_slice %arg9[%add3A_26, %dma_start3A] : memref<10240x128xf32, #tpu.memory_space<vmem_shared>> -> memref<128x128xf32, #tpu.memory_space<vmem_shared>>
      %dma_start3A_61 = arith.constant 0 : i32
      %dma_start3A_62 = tpu.memref_slice %arg9[%add3A_26, %dma_start3A_61] : memref<10240x128xf32, #tpu.memory_space<vmem_shared>> -> memref<128x128xf32, #tpu.memory_space<vmem_shared>>
      tpu.enqueue_dma source(%arg8 : memref<128x128xf32, #tpu.memory_space<vmem>>) target(%dma_start3A_62 : memref<128x128xf32, #tpu.memory_space<vmem_shared>>) target_semaphore(%run_scoped3A : memref<!tpu.dma_semaphore, #tpu.memory_space<semaphore_mem>>)
      %dma_wait3A = arith.constant 0 : i32
      %dma_wait3A_63 = tpu.memref_slice %arg9[%add3A_26, %dma_wait3A] : memref<10240x128xf32, #tpu.memory_space<vmem_shared>> -> memref<128x128xf32, #tpu.memory_space<vmem_shared>>
      %dma_wait3A_64 = arith.constant 0 : i32
      %dma_wait3A_65 = tpu.memref_slice %arg9[%add3A_26, %dma_wait3A_64] : memref<10240x128xf32, #tpu.memory_space<vmem_shared>> -> memref<128x128xf32, #tpu.memory_space<vmem_shared>>
      tpu.wait_dma2 semaphore(%run_scoped3A : memref<!tpu.dma_semaphore, #tpu.memory_space<semaphore_mem>>) src(%arg8 : memref<128x128xf32, #tpu.memory_space<vmem>>) dst(%dma_wait3A_65 : memref<128x128xf32, #tpu.memory_space<vmem_shared>>)
      tpu.yield
    }) : () -> ()
    %barrier3A = arith.constant 0 : index
    tpu.barrier barrier_id(%barrier3A)
    "tpu.region"() ({
      %run_scoped3A = tpu.sem_alloc : memref<!tpu.dma_semaphore, #tpu.memory_space<semaphore_mem>>
      %dma_start3A = arith.constant 0 : i32
      %dma_start3A_60 = arith.constant 0 : i32
      %dma_start3A_61 = tpu.memref_slice %arg3[%add3A, %dma_start3A, %dma_start3A_60] : memref<32x80x128xi32, #tpu.memory_space<hbm>> -> memref<1x16x128xi32, #tpu.memory_space<hbm>>
      %dma_start3A_62 = tpu.memref_squeeze %dma_start3A_61 : memref<1x16x128xi32, #tpu.memory_space<hbm>> -> memref<16x128xi32, #tpu.memory_space<hbm>>
      %dma_start3A_63 = arith.constant 0 : i32
      %dma_start3A_64 = arith.constant 0 : i32
      %dma_start3A_65 = tpu.memref_slice %arg3[%add3A, %dma_start3A_63, %dma_start3A_64] : memref<32x80x128xi32, #tpu.memory_space<hbm>> -> memref<1x16x128xi32, #tpu.memory_space<hbm>>
      %dma_start3A_66 = tpu.memref_squeeze %dma_start3A_65 : memref<1x16x128xi32, #tpu.memory_space<hbm>> -> memref<16x128xi32, #tpu.memory_space<hbm>>
      tpu.enqueue_dma source(%dma_start3A_66 : memref<16x128xi32, #tpu.memory_space<hbm>>) target(%arg6 : memref<16x128xi32, #tpu.memory_space<vmem>>) target_semaphore(%run_scoped3A : memref<!tpu.dma_semaphore, #tpu.memory_space<semaphore_mem>>)
      %dma_wait3A = arith.constant 0 : i32
      %dma_wait3A_67 = arith.constant 0 : i32
      %dma_wait3A_68 = tpu.memref_slice %arg3[%add3A, %dma_wait3A, %dma_wait3A_67] : memref<32x80x128xi32, #tpu.memory_space<hbm>> -> memref<1x16x128xi32, #tpu.memory_space<hbm>>
      %dma_wait3A_69 = tpu.memref_squeeze %dma_wait3A_68 : memref<1x16x128xi32, #tpu.memory_space<hbm>> -> memref<16x128xi32, #tpu.memory_space<hbm>>
      %dma_wait3A_70 = arith.constant 0 : i32
      %dma_wait3A_71 = arith.constant 0 : i32
      %dma_wait3A_72 = tpu.memref_slice %arg3[%add3A, %dma_wait3A_70, %dma_wait3A_71] : memref<32x80x128xi32, #tpu.memory_space<hbm>> -> memref<1x16x128xi32, #tpu.memory_space<hbm>>
      %dma_wait3A_73 = tpu.memref_squeeze %dma_wait3A_72 : memref<1x16x128xi32, #tpu.memory_space<hbm>> -> memref<16x128xi32, #tpu.memory_space<hbm>>
      tpu.wait_dma2 semaphore(%run_scoped3A : memref<!tpu.dma_semaphore, #tpu.memory_space<semaphore_mem>>) src(%dma_wait3A_73 : memref<16x128xi32, #tpu.memory_space<hbm>>) dst(%arg6 : memref<16x128xi32, #tpu.memory_space<vmem>>)
      tpu.yield
    }) : () -> ()
    "tpu.region"() ({
      %run_scoped3A = tpu.sem_alloc : memref<!tpu.dma_semaphore, #tpu.memory_space<semaphore_mem>>
      %dma_start3A = arith.constant 0 : i32
      %dma_start3A_60 = arith.constant 0 : i32
      %dma_start3A_61 = tpu.memref_slice %arg4[%add3A, %dma_start3A, %dma_start3A_60] : memref<32x80x128xi32, #tpu.memory_space<hbm>> -> memref<1x16x128xi32, #tpu.memory_space<hbm>>
      %dma_start3A_62 = tpu.memref_squeeze %dma_start3A_61 : memref<1x16x128xi32, #tpu.memory_space<hbm>> -> memref<16x128xi32, #tpu.memory_space<hbm>>
      %dma_start3A_63 = arith.constant 0 : i32
      %dma_start3A_64 = arith.constant 0 : i32
      %dma_start3A_65 = tpu.memref_slice %arg4[%add3A, %dma_start3A_63, %dma_start3A_64] : memref<32x80x128xi32, #tpu.memory_space<hbm>> -> memref<1x16x128xi32, #tpu.memory_space<hbm>>
      %dma_start3A_66 = tpu.memref_squeeze %dma_start3A_65 : memref<1x16x128xi32, #tpu.memory_space<hbm>> -> memref<16x128xi32, #tpu.memory_space<hbm>>
      tpu.enqueue_dma source(%dma_start3A_66 : memref<16x128xi32, #tpu.memory_space<hbm>>) target(%arg7 : memref<16x128xi32, #tpu.memory_space<vmem>>) target_semaphore(%run_scoped3A : memref<!tpu.dma_semaphore, #tpu.memory_space<semaphore_mem>>)
      %dma_wait3A = arith.constant 0 : i32
      %dma_wait3A_67 = arith.constant 0 : i32
      %dma_wait3A_68 = tpu.memref_slice %arg4[%add3A, %dma_wait3A, %dma_wait3A_67] : memref<32x80x128xi32, #tpu.memory_space<hbm>> -> memref<1x16x128xi32, #tpu.memory_space<hbm>>
      %dma_wait3A_69 = tpu.memref_squeeze %dma_wait3A_68 : memref<1x16x128xi32, #tpu.memory_space<hbm>> -> memref<16x128xi32, #tpu.memory_space<hbm>>
      %dma_wait3A_70 = arith.constant 0 : i32
      %dma_wait3A_71 = arith.constant 0 : i32
      %dma_wait3A_72 = tpu.memref_slice %arg4[%add3A, %dma_wait3A_70, %dma_wait3A_71] : memref<32x80x128xi32, #tpu.memory_space<hbm>> -> memref<1x16x128xi32, #tpu.memory_space<hbm>>
      %dma_wait3A_73 = tpu.memref_squeeze %dma_wait3A_72 : memref<1x16x128xi32, #tpu.memory_space<hbm>> -> memref<16x128xi32, #tpu.memory_space<hbm>>
      tpu.wait_dma2 semaphore(%run_scoped3A : memref<!tpu.dma_semaphore, #tpu.memory_space<semaphore_mem>>) src(%dma_wait3A_73 : memref<16x128xi32, #tpu.memory_space<hbm>>) dst(%arg7 : memref<16x128xi32, #tpu.memory_space<vmem>>)
      tpu.yield
    }) : () -> ()
    %scan3A_27 = arith.constant 0 : i32
    %scan3A_28 = arith.constant 0 : i32
    %scan3A_29 = arith.constant 16 : i32
    %scan3A_30 = arith.addi %scan3A_28, %scan3A_29 : i32
    %scan3A_31 = arith.constant 1 : i32
    scf.for %scan3A_60 = %scan3A_28 to %scan3A_30 step %scan3A_31  : i32 {
      %dma_start3A = arith.constant 0 : i32
      %dma_start3A_61 = tpu.memref_slice %arg6[%scan3A_60, %dma_start3A] : memref<16x128xi32, #tpu.memory_space<vmem>> -> memref<1x128xi32, #tpu.memory_space<vmem>>
      %dma_start3A_62 = tpu.memref_squeeze %dma_start3A_61 : memref<1x128xi32, #tpu.memory_space<vmem>> -> memref<128xi32, #tpu.memory_space<vmem>>
      %dma_start3A_63 = arith.constant 0 : i32
      %dma_start3A_64 = arith.constant 0 : i32
      %dma_start3A_65 = tpu.memref_slice %arg2[%dma_start3A_63, %dma_start3A_64] : memref<10000x128xf32, #tpu.memory_space<hbm>> -> memref<10000x128xf32, #tpu.memory_space<hbm>>
      tpu.enqueue_indirect_dma source(%dma_start3A_65 : memref<10000x128xf32, #tpu.memory_space<hbm>>) target(%arg8 : memref<128x128xf32, #tpu.memory_space<vmem>>) offsets(%dma_start3A_62 : memref<128xi32, #tpu.memory_space<vmem>>) semaphore(%arg10 : memref<!tpu.dma_semaphore, #tpu.memory_space<semaphore_mem>>)
      %dma_wait3A = arith.constant 0 : i32
      %dma_wait3A_66 = tpu.memref_slice %arg6[%scan3A_60, %dma_wait3A] : memref<16x128xi32, #tpu.memory_space<vmem>> -> memref<1x128xi32, #tpu.memory_space<vmem>>
      %dma_wait3A_67 = tpu.memref_squeeze %dma_wait3A_66 : memref<1x128xi32, #tpu.memory_space<vmem>> -> memref<128xi32, #tpu.memory_space<vmem>>
      %dma_wait3A_68 = arith.constant 0 : i32
      %dma_wait3A_69 = arith.constant 0 : i32
      %dma_wait3A_70 = tpu.memref_slice %arg2[%dma_wait3A_68, %dma_wait3A_69] : memref<10000x128xf32, #tpu.memory_space<hbm>> -> memref<10000x128xf32, #tpu.memory_space<hbm>>
      tpu.wait_indirect_dma semaphore(%arg10 : memref<!tpu.dma_semaphore, #tpu.memory_space<semaphore_mem>>) src(%dma_wait3A_70 : memref<10000x128xf32, #tpu.memory_space<hbm>>) dst(%arg8 : memref<128x128xf32, #tpu.memory_space<vmem>>)
      "tpu.region"() ({
        %run_scoped3A = tpu.sem_alloc : memref<!tpu.dma_semaphore, #tpu.memory_space<semaphore_mem>>
        %dma_start3A_71 = arith.constant 0 : i32
        %dma_start3A_72 = tpu.memref_slice %arg7[%scan3A_60, %dma_start3A_71] : memref<16x128xi32, #tpu.memory_space<vmem>> -> memref<1x128xi32, #tpu.memory_space<vmem>>
        %dma_start3A_73 = tpu.memref_squeeze %dma_start3A_72 : memref<1x128xi32, #tpu.memory_space<vmem>> -> memref<128xi32, #tpu.memory_space<vmem>>
        %dma_start3A_74 = arith.constant 0 : i32
        %dma_start3A_75 = arith.constant 0 : i32
        %dma_start3A_76 = tpu.memref_slice %arg9[%dma_start3A_74, %dma_start3A_75] : memref<10240x128xf32, #tpu.memory_space<vmem_shared>> -> memref<10240x128xf32, #tpu.memory_space<vmem_shared>>
        tpu.enqueue_indirect_dma source(%arg8 : memref<128x128xf32, #tpu.memory_space<vmem>>) target(%dma_start3A_76 : memref<10240x128xf32, #tpu.memory_space<vmem_shared>>) offsets(%dma_start3A_73 : memref<128xi32, #tpu.memory_space<vmem>>) semaphore(%run_scoped3A : memref<!tpu.dma_semaphore, #tpu.memory_space<semaphore_mem>>) {add = true}
        %dma_wait3A_77 = arith.constant 0 : i32
        %dma_wait3A_78 = tpu.memref_slice %arg7[%scan3A_60, %dma_wait3A_77] : memref<16x128xi32, #tpu.memory_space<vmem>> -> memref<1x128xi32, #tpu.memory_space<vmem>>
        %dma_wait3A_79 = tpu.memref_squeeze %dma_wait3A_78 : memref<1x128xi32, #tpu.memory_space<vmem>> -> memref<128xi32, #tpu.memory_space<vmem>>
        %dma_wait3A_80 = arith.constant 0 : i32
        %dma_wait3A_81 = arith.constant 0 : i32
        %dma_wait3A_82 = tpu.memref_slice %arg9[%dma_wait3A_80, %dma_wait3A_81] : memref<10240x128xf32, #tpu.memory_space<vmem_shared>> -> memref<10240x128xf32, #tpu.memory_space<vmem_shared>>
        tpu.wait_indirect_dma semaphore(%run_scoped3A : memref<!tpu.dma_semaphore, #tpu.memory_space<semaphore_mem>>) src(%arg8 : memref<128x128xf32, #tpu.memory_space<vmem>>) dst(%dma_wait3A_82 : memref<10240x128xf32, #tpu.memory_space<vmem_shared>>)
        tpu.yield
      }) : () -> ()
    }
    %scan3A_32 = arith.constant 16 : i32
    "tpu.region"() ({
      %run_scoped3A = tpu.sem_alloc : memref<!tpu.dma_semaphore, #tpu.memory_space<semaphore_mem>>
      %dma_start3A = arith.constant 16 : i32
      %dma_start3A_60 = arith.constant 0 : i32
      %dma_start3A_61 = tpu.memref_slice %arg3[%add3A, %dma_start3A, %dma_start3A_60] : memref<32x80x128xi32, #tpu.memory_space<hbm>> -> memref<1x16x128xi32, #tpu.memory_space<hbm>>
      %dma_start3A_62 = tpu.memref_squeeze %dma_start3A_61 : memref<1x16x128xi32, #tpu.memory_space<hbm>> -> memref<16x128xi32, #tpu.memory_space<hbm>>
      %dma_start3A_63 = arith.constant 16 : i32
      %dma_start3A_64 = arith.constant 0 : i32
      %dma_start3A_65 = tpu.memref_slice %arg3[%add3A, %dma_start3A_63, %dma_start3A_64] : memref<32x80x128xi32, #tpu.memory_space<hbm>> -> memref<1x16x128xi32, #tpu.memory_space<hbm>>
      %dma_start3A_66 = tpu.memref_squeeze %dma_start3A_65 : memref<1x16x128xi32, #tpu.memory_space<hbm>> -> memref<16x128xi32, #tpu.memory_space<hbm>>
      tpu.enqueue_dma source(%dma_start3A_66 : memref<16x128xi32, #tpu.memory_space<hbm>>) target(%arg6 : memref<16x128xi32, #tpu.memory_space<vmem>>) target_semaphore(%run_scoped3A : memref<!tpu.dma_semaphore, #tpu.memory_space<semaphore_mem>>)
      %dma_wait3A = arith.constant 16 : i32
      %dma_wait3A_67 = arith.constant 0 : i32
      %dma_wait3A_68 = tpu.memref_slice %arg3[%add3A, %dma_wait3A, %dma_wait3A_67] : memref<32x80x128xi32, #tpu.memory_space<hbm>> -> memref<1x16x128xi32, #tpu.memory_space<hbm>>
      %dma_wait3A_69 = tpu.memref_squeeze %dma_wait3A_68 : memref<1x16x128xi32, #tpu.memory_space<hbm>> -> memref<16x128xi32, #tpu.memory_space<hbm>>
      %dma_wait3A_70 = arith.constant 16 : i32
      %dma_wait3A_71 = arith.constant 0 : i32
      %dma_wait3A_72 = tpu.memref_slice %arg3[%add3A, %dma_wait3A_70, %dma_wait3A_71] : memref<32x80x128xi32, #tpu.memory_space<hbm>> -> memref<1x16x128xi32, #tpu.memory_space<hbm>>
      %dma_wait3A_73 = tpu.memref_squeeze %dma_wait3A_72 : memref<1x16x128xi32, #tpu.memory_space<hbm>> -> memref<16x128xi32, #tpu.memory_space<hbm>>
      tpu.wait_dma2 semaphore(%run_scoped3A : memref<!tpu.dma_semaphore, #tpu.memory_space<semaphore_mem>>) src(%dma_wait3A_73 : memref<16x128xi32, #tpu.memory_space<hbm>>) dst(%arg6 : memref<16x128xi32, #tpu.memory_space<vmem>>)
      tpu.yield
    }) : () -> ()
    "tpu.region"() ({
      %run_scoped3A = tpu.sem_alloc : memref<!tpu.dma_semaphore, #tpu.memory_space<semaphore_mem>>
      %dma_start3A = arith.constant 16 : i32
      %dma_start3A_60 = arith.constant 0 : i32
      %dma_start3A_61 = tpu.memref_slice %arg4[%add3A, %dma_start3A, %dma_start3A_60] : memref<32x80x128xi32, #tpu.memory_space<hbm>> -> memref<1x16x128xi32, #tpu.memory_space<hbm>>
      %dma_start3A_62 = tpu.memref_squeeze %dma_start3A_61 : memref<1x16x128xi32, #tpu.memory_space<hbm>> -> memref<16x128xi32, #tpu.memory_space<hbm>>
      %dma_start3A_63 = arith.constant 16 : i32
      %dma_start3A_64 = arith.constant 0 : i32
      %dma_start3A_65 = tpu.memref_slice %arg4[%add3A, %dma_start3A_63, %dma_start3A_64] : memref<32x80x128xi32, #tpu.memory_space<hbm>> -> memref<1x16x128xi32, #tpu.memory_space<hbm>>
      %dma_start3A_66 = tpu.memref_squeeze %dma_start3A_65 : memref<1x16x128xi32, #tpu.memory_space<hbm>> -> memref<16x128xi32, #tpu.memory_space<hbm>>
      tpu.enqueue_dma source(%dma_start3A_66 : memref<16x128xi32, #tpu.memory_space<hbm>>) target(%arg7 : memref<16x128xi32, #tpu.memory_space<vmem>>) target_semaphore(%run_scoped3A : memref<!tpu.dma_semaphore, #tpu.memory_space<semaphore_mem>>)
      %dma_wait3A = arith.constant 16 : i32
      %dma_wait3A_67 = arith.constant 0 : i32
      %dma_wait3A_68 = tpu.memref_slice %arg4[%add3A, %dma_wait3A, %dma_wait3A_67] : memref<32x80x128xi32, #tpu.memory_space<hbm>> -> memref<1x16x128xi32, #tpu.memory_space<hbm>>
      %dma_wait3A_69 = tpu.memref_squeeze %dma_wait3A_68 : memref<1x16x128xi32, #tpu.memory_space<hbm>> -> memref<16x128xi32, #tpu.memory_space<hbm>>
      %dma_wait3A_70 = arith.constant 16 : i32
      %dma_wait3A_71 = arith.constant 0 : i32
      %dma_wait3A_72 = tpu.memref_slice %arg4[%add3A, %dma_wait3A_70, %dma_wait3A_71] : memref<32x80x128xi32, #tpu.memory_space<hbm>> -> memref<1x16x128xi32, #tpu.memory_space<hbm>>
      %dma_wait3A_73 = tpu.memref_squeeze %dma_wait3A_72 : memref<1x16x128xi32, #tpu.memory_space<hbm>> -> memref<16x128xi32, #tpu.memory_space<hbm>>
      tpu.wait_dma2 semaphore(%run_scoped3A : memref<!tpu.dma_semaphore, #tpu.memory_space<semaphore_mem>>) src(%dma_wait3A_73 : memref<16x128xi32, #tpu.memory_space<hbm>>) dst(%arg7 : memref<16x128xi32, #tpu.memory_space<vmem>>)
      tpu.yield
    }) : () -> ()
    %scan3A_33 = arith.constant 0 : i32
    %scan3A_34 = arith.constant 0 : i32
    %scan3A_35 = arith.constant 16 : i32
    %scan3A_36 = arith.addi %scan3A_34, %scan3A_35 : i32
    %scan3A_37 = arith.constant 1 : i32
    scf.for %scan3A_60 = %scan3A_34 to %scan3A_36 step %scan3A_37  : i32 {
      %dma_start3A = arith.constant 0 : i32
      %dma_start3A_61 = tpu.memref_slice %arg6[%scan3A_60, %dma_start3A] : memref<16x128xi32, #tpu.memory_space<vmem>> -> memref<1x128xi32, #tpu.memory_space<vmem>>
      %dma_start3A_62 = tpu.memref_squeeze %dma_start3A_61 : memref<1x128xi32, #tpu.memory_space<vmem>> -> memref<128xi32, #tpu.memory_space<vmem>>
      %dma_start3A_63 = arith.constant 0 : i32
      %dma_start3A_64 = arith.constant 0 : i32
      %dma_start3A_65 = tpu.memref_slice %arg2[%dma_start3A_63, %dma_start3A_64] : memref<10000x128xf32, #tpu.memory_space<hbm>> -> memref<10000x128xf32, #tpu.memory_space<hbm>>
      tpu.enqueue_indirect_dma source(%dma_start3A_65 : memref<10000x128xf32, #tpu.memory_space<hbm>>) target(%arg8 : memref<128x128xf32, #tpu.memory_space<vmem>>) offsets(%dma_start3A_62 : memref<128xi32, #tpu.memory_space<vmem>>) semaphore(%arg10 : memref<!tpu.dma_semaphore, #tpu.memory_space<semaphore_mem>>)
      %dma_wait3A = arith.constant 0 : i32
      %dma_wait3A_66 = tpu.memref_slice %arg6[%scan3A_60, %dma_wait3A] : memref<16x128xi32, #tpu.memory_space<vmem>> -> memref<1x128xi32, #tpu.memory_space<vmem>>
      %dma_wait3A_67 = tpu.memref_squeeze %dma_wait3A_66 : memref<1x128xi32, #tpu.memory_space<vmem>> -> memref<128xi32, #tpu.memory_space<vmem>>
      %dma_wait3A_68 = arith.constant 0 : i32
      %dma_wait3A_69 = arith.constant 0 : i32
      %dma_wait3A_70 = tpu.memref_slice %arg2[%dma_wait3A_68, %dma_wait3A_69] : memref<10000x128xf32, #tpu.memory_space<hbm>> -> memref<10000x128xf32, #tpu.memory_space<hbm>>
      tpu.wait_indirect_dma semaphore(%arg10 : memref<!tpu.dma_semaphore, #tpu.memory_space<semaphore_mem>>) src(%dma_wait3A_70 : memref<10000x128xf32, #tpu.memory_space<hbm>>) dst(%arg8 : memref<128x128xf32, #tpu.memory_space<vmem>>)
      "tpu.region"() ({
        %run_scoped3A = tpu.sem_alloc : memref<!tpu.dma_semaphore, #tpu.memory_space<semaphore_mem>>
        %dma_start3A_71 = arith.constant 0 : i32
        %dma_start3A_72 = tpu.memref_slice %arg7[%scan3A_60, %dma_start3A_71] : memref<16x128xi32, #tpu.memory_space<vmem>> -> memref<1x128xi32, #tpu.memory_space<vmem>>
        %dma_start3A_73 = tpu.memref_squeeze %dma_start3A_72 : memref<1x128xi32, #tpu.memory_space<vmem>> -> memref<128xi32, #tpu.memory_space<vmem>>
        %dma_start3A_74 = arith.constant 0 : i32
        %dma_start3A_75 = arith.constant 0 : i32
        %dma_start3A_76 = tpu.memref_slice %arg9[%dma_start3A_74, %dma_start3A_75] : memref<10240x128xf32, #tpu.memory_space<vmem_shared>> -> memref<10240x128xf32, #tpu.memory_space<vmem_shared>>
        tpu.enqueue_indirect_dma source(%arg8 : memref<128x128xf32, #tpu.memory_space<vmem>>) target(%dma_start3A_76 : memref<10240x128xf32, #tpu.memory_space<vmem_shared>>) offsets(%dma_start3A_73 : memref<128xi32, #tpu.memory_space<vmem>>) semaphore(%run_scoped3A : memref<!tpu.dma_semaphore, #tpu.memory_space<semaphore_mem>>) {add = true}
        %dma_wait3A_77 = arith.constant 0 : i32
        %dma_wait3A_78 = tpu.memref_slice %arg7[%scan3A_60, %dma_wait3A_77] : memref<16x128xi32, #tpu.memory_space<vmem>> -> memref<1x128xi32, #tpu.memory_space<vmem>>
        %dma_wait3A_79 = tpu.memref_squeeze %dma_wait3A_78 : memref<1x128xi32, #tpu.memory_space<vmem>> -> memref<128xi32, #tpu.memory_space<vmem>>
        %dma_wait3A_80 = arith.constant 0 : i32
        %dma_wait3A_81 = arith.constant 0 : i32
        %dma_wait3A_82 = tpu.memref_slice %arg9[%dma_wait3A_80, %dma_wait3A_81] : memref<10240x128xf32, #tpu.memory_space<vmem_shared>> -> memref<10240x128xf32, #tpu.memory_space<vmem_shared>>
        tpu.wait_indirect_dma semaphore(%run_scoped3A : memref<!tpu.dma_semaphore, #tpu.memory_space<semaphore_mem>>) src(%arg8 : memref<128x128xf32, #tpu.memory_space<vmem>>) dst(%dma_wait3A_82 : memref<10240x128xf32, #tpu.memory_space<vmem_shared>>)
        tpu.yield
      }) : () -> ()
    }
    %scan3A_38 = arith.constant 16 : i32
    "tpu.region"() ({
      %run_scoped3A = tpu.sem_alloc : memref<!tpu.dma_semaphore, #tpu.memory_space<semaphore_mem>>
      %dma_start3A = arith.constant 32 : i32
      %dma_start3A_60 = arith.constant 0 : i32
      %dma_start3A_61 = tpu.memref_slice %arg3[%add3A, %dma_start3A, %dma_start3A_60] : memref<32x80x128xi32, #tpu.memory_space<hbm>> -> memref<1x16x128xi32, #tpu.memory_space<hbm>>
      %dma_start3A_62 = tpu.memref_squeeze %dma_start3A_61 : memref<1x16x128xi32, #tpu.memory_space<hbm>> -> memref<16x128xi32, #tpu.memory_space<hbm>>
      %dma_start3A_63 = arith.constant 32 : i32
      %dma_start3A_64 = arith.constant 0 : i32
      %dma_start3A_65 = tpu.memref_slice %arg3[%add3A, %dma_start3A_63, %dma_start3A_64] : memref<32x80x128xi32, #tpu.memory_space<hbm>> -> memref<1x16x128xi32, #tpu.memory_space<hbm>>
      %dma_start3A_66 = tpu.memref_squeeze %dma_start3A_65 : memref<1x16x128xi32, #tpu.memory_space<hbm>> -> memref<16x128xi32, #tpu.memory_space<hbm>>
      tpu.enqueue_dma source(%dma_start3A_66 : memref<16x128xi32, #tpu.memory_space<hbm>>) target(%arg6 : memref<16x128xi32, #tpu.memory_space<vmem>>) target_semaphore(%run_scoped3A : memref<!tpu.dma_semaphore, #tpu.memory_space<semaphore_mem>>)
      %dma_wait3A = arith.constant 32 : i32
      %dma_wait3A_67 = arith.constant 0 : i32
      %dma_wait3A_68 = tpu.memref_slice %arg3[%add3A, %dma_wait3A, %dma_wait3A_67] : memref<32x80x128xi32, #tpu.memory_space<hbm>> -> memref<1x16x128xi32, #tpu.memory_space<hbm>>
      %dma_wait3A_69 = tpu.memref_squeeze %dma_wait3A_68 : memref<1x16x128xi32, #tpu.memory_space<hbm>> -> memref<16x128xi32, #tpu.memory_space<hbm>>
      %dma_wait3A_70 = arith.constant 32 : i32
      %dma_wait3A_71 = arith.constant 0 : i32
      %dma_wait3A_72 = tpu.memref_slice %arg3[%add3A, %dma_wait3A_70, %dma_wait3A_71] : memref<32x80x128xi32, #tpu.memory_space<hbm>> -> memref<1x16x128xi32, #tpu.memory_space<hbm>>
      %dma_wait3A_73 = tpu.memref_squeeze %dma_wait3A_72 : memref<1x16x128xi32, #tpu.memory_space<hbm>> -> memref<16x128xi32, #tpu.memory_space<hbm>>
      tpu.wait_dma2 semaphore(%run_scoped3A : memref<!tpu.dma_semaphore, #tpu.memory_space<semaphore_mem>>) src(%dma_wait3A_73 : memref<16x128xi32, #tpu.memory_space<hbm>>) dst(%arg6 : memref<16x128xi32, #tpu.memory_space<vmem>>)
      tpu.yield
    }) : () -> ()
    "tpu.region"() ({
      %run_scoped3A = tpu.sem_alloc : memref<!tpu.dma_semaphore, #tpu.memory_space<semaphore_mem>>
      %dma_start3A = arith.constant 32 : i32
      %dma_start3A_60 = arith.constant 0 : i32
      %dma_start3A_61 = tpu.memref_slice %arg4[%add3A, %dma_start3A, %dma_start3A_60] : memref<32x80x128xi32, #tpu.memory_space<hbm>> -> memref<1x16x128xi32, #tpu.memory_space<hbm>>
      %dma_start3A_62 = tpu.memref_squeeze %dma_start3A_61 : memref<1x16x128xi32, #tpu.memory_space<hbm>> -> memref<16x128xi32, #tpu.memory_space<hbm>>
      %dma_start3A_63 = arith.constant 32 : i32
      %dma_start3A_64 = arith.constant 0 : i32
      %dma_start3A_65 = tpu.memref_slice %arg4[%add3A, %dma_start3A_63, %dma_start3A_64] : memref<32x80x128xi32, #tpu.memory_space<hbm>> -> memref<1x16x128xi32, #tpu.memory_space<hbm>>
      %dma_start3A_66 = tpu.memref_squeeze %dma_start3A_65 : memref<1x16x128xi32, #tpu.memory_space<hbm>> -> memref<16x128xi32, #tpu.memory_space<hbm>>
      tpu.enqueue_dma source(%dma_start3A_66 : memref<16x128xi32, #tpu.memory_space<hbm>>) target(%arg7 : memref<16x128xi32, #tpu.memory_space<vmem>>) target_semaphore(%run_scoped3A : memref<!tpu.dma_semaphore, #tpu.memory_space<semaphore_mem>>)
      %dma_wait3A = arith.constant 32 : i32
      %dma_wait3A_67 = arith.constant 0 : i32
      %dma_wait3A_68 = tpu.memref_slice %arg4[%add3A, %dma_wait3A, %dma_wait3A_67] : memref<32x80x128xi32, #tpu.memory_space<hbm>> -> memref<1x16x128xi32, #tpu.memory_space<hbm>>
      %dma_wait3A_69 = tpu.memref_squeeze %dma_wait3A_68 : memref<1x16x128xi32, #tpu.memory_space<hbm>> -> memref<16x128xi32, #tpu.memory_space<hbm>>
      %dma_wait3A_70 = arith.constant 32 : i32
      %dma_wait3A_71 = arith.constant 0 : i32
      %dma_wait3A_72 = tpu.memref_slice %arg4[%add3A, %dma_wait3A_70, %dma_wait3A_71] : memref<32x80x128xi32, #tpu.memory_space<hbm>> -> memref<1x16x128xi32, #tpu.memory_space<hbm>>
      %dma_wait3A_73 = tpu.memref_squeeze %dma_wait3A_72 : memref<1x16x128xi32, #tpu.memory_space<hbm>> -> memref<16x128xi32, #tpu.memory_space<hbm>>
      tpu.wait_dma2 semaphore(%run_scoped3A : memref<!tpu.dma_semaphore, #tpu.memory_space<semaphore_mem>>) src(%dma_wait3A_73 : memref<16x128xi32, #tpu.memory_space<hbm>>) dst(%arg7 : memref<16x128xi32, #tpu.memory_space<vmem>>)
      tpu.yield
    }) : () -> ()
    %scan3A_39 = arith.constant 0 : i32
    %scan3A_40 = arith.constant 0 : i32
    %scan3A_41 = arith.constant 16 : i32
    %scan3A_42 = arith.addi %scan3A_40, %scan3A_41 : i32
    %scan3A_43 = arith.constant 1 : i32
    scf.for %scan3A_60 = %scan3A_40 to %scan3A_42 step %scan3A_43  : i32 {
      %dma_start3A = arith.constant 0 : i32
      %dma_start3A_61 = tpu.memref_slice %arg6[%scan3A_60, %dma_start3A] : memref<16x128xi32, #tpu.memory_space<vmem>> -> memref<1x128xi32, #tpu.memory_space<vmem>>
      %dma_start3A_62 = tpu.memref_squeeze %dma_start3A_61 : memref<1x128xi32, #tpu.memory_space<vmem>> -> memref<128xi32, #tpu.memory_space<vmem>>
      %dma_start3A_63 = arith.constant 0 : i32
      %dma_start3A_64 = arith.constant 0 : i32
      %dma_start3A_65 = tpu.memref_slice %arg2[%dma_start3A_63, %dma_start3A_64] : memref<10000x128xf32, #tpu.memory_space<hbm>> -> memref<10000x128xf32, #tpu.memory_space<hbm>>
      tpu.enqueue_indirect_dma source(%dma_start3A_65 : memref<10000x128xf32, #tpu.memory_space<hbm>>) target(%arg8 : memref<128x128xf32, #tpu.memory_space<vmem>>) offsets(%dma_start3A_62 : memref<128xi32, #tpu.memory_space<vmem>>) semaphore(%arg10 : memref<!tpu.dma_semaphore, #tpu.memory_space<semaphore_mem>>)
      %dma_wait3A = arith.constant 0 : i32
      %dma_wait3A_66 = tpu.memref_slice %arg6[%scan3A_60, %dma_wait3A] : memref<16x128xi32, #tpu.memory_space<vmem>> -> memref<1x128xi32, #tpu.memory_space<vmem>>
      %dma_wait3A_67 = tpu.memref_squeeze %dma_wait3A_66 : memref<1x128xi32, #tpu.memory_space<vmem>> -> memref<128xi32, #tpu.memory_space<vmem>>
      %dma_wait3A_68 = arith.constant 0 : i32
      %dma_wait3A_69 = arith.constant 0 : i32
      %dma_wait3A_70 = tpu.memref_slice %arg2[%dma_wait3A_68, %dma_wait3A_69] : memref<10000x128xf32, #tpu.memory_space<hbm>> -> memref<10000x128xf32, #tpu.memory_space<hbm>>
      tpu.wait_indirect_dma semaphore(%arg10 : memref<!tpu.dma_semaphore, #tpu.memory_space<semaphore_mem>>) src(%dma_wait3A_70 : memref<10000x128xf32, #tpu.memory_space<hbm>>) dst(%arg8 : memref<128x128xf32, #tpu.memory_space<vmem>>)
      "tpu.region"() ({
        %run_scoped3A = tpu.sem_alloc : memref<!tpu.dma_semaphore, #tpu.memory_space<semaphore_mem>>
        %dma_start3A_71 = arith.constant 0 : i32
        %dma_start3A_72 = tpu.memref_slice %arg7[%scan3A_60, %dma_start3A_71] : memref<16x128xi32, #tpu.memory_space<vmem>> -> memref<1x128xi32, #tpu.memory_space<vmem>>
        %dma_start3A_73 = tpu.memref_squeeze %dma_start3A_72 : memref<1x128xi32, #tpu.memory_space<vmem>> -> memref<128xi32, #tpu.memory_space<vmem>>
        %dma_start3A_74 = arith.constant 0 : i32
        %dma_start3A_75 = arith.constant 0 : i32
        %dma_start3A_76 = tpu.memref_slice %arg9[%dma_start3A_74, %dma_start3A_75] : memref<10240x128xf32, #tpu.memory_space<vmem_shared>> -> memref<10240x128xf32, #tpu.memory_space<vmem_shared>>
        tpu.enqueue_indirect_dma source(%arg8 : memref<128x128xf32, #tpu.memory_space<vmem>>) target(%dma_start3A_76 : memref<10240x128xf32, #tpu.memory_space<vmem_shared>>) offsets(%dma_start3A_73 : memref<128xi32, #tpu.memory_space<vmem>>) semaphore(%run_scoped3A : memref<!tpu.dma_semaphore, #tpu.memory_space<semaphore_mem>>) {add = true}
        %dma_wait3A_77 = arith.constant 0 : i32
        %dma_wait3A_78 = tpu.memref_slice %arg7[%scan3A_60, %dma_wait3A_77] : memref<16x128xi32, #tpu.memory_space<vmem>> -> memref<1x128xi32, #tpu.memory_space<vmem>>
        %dma_wait3A_79 = tpu.memref_squeeze %dma_wait3A_78 : memref<1x128xi32, #tpu.memory_space<vmem>> -> memref<128xi32, #tpu.memory_space<vmem>>
        %dma_wait3A_80 = arith.constant 0 : i32
        %dma_wait3A_81 = arith.constant 0 : i32
        %dma_wait3A_82 = tpu.memref_slice %arg9[%dma_wait3A_80, %dma_wait3A_81] : memref<10240x128xf32, #tpu.memory_space<vmem_shared>> -> memref<10240x128xf32, #tpu.memory_space<vmem_shared>>
        tpu.wait_indirect_dma semaphore(%run_scoped3A : memref<!tpu.dma_semaphore, #tpu.memory_space<semaphore_mem>>) src(%arg8 : memref<128x128xf32, #tpu.memory_space<vmem>>) dst(%dma_wait3A_82 : memref<10240x128xf32, #tpu.memory_space<vmem_shared>>)
        tpu.yield
      }) : () -> ()
    }
    %scan3A_44 = arith.constant 16 : i32
    "tpu.region"() ({
      %run_scoped3A = tpu.sem_alloc : memref<!tpu.dma_semaphore, #tpu.memory_space<semaphore_mem>>
      %dma_start3A = arith.constant 48 : i32
      %dma_start3A_60 = arith.constant 0 : i32
      %dma_start3A_61 = tpu.memref_slice %arg3[%add3A, %dma_start3A, %dma_start3A_60] : memref<32x80x128xi32, #tpu.memory_space<hbm>> -> memref<1x16x128xi32, #tpu.memory_space<hbm>>
      %dma_start3A_62 = tpu.memref_squeeze %dma_start3A_61 : memref<1x16x128xi32, #tpu.memory_space<hbm>> -> memref<16x128xi32, #tpu.memory_space<hbm>>
      %dma_start3A_63 = arith.constant 48 : i32
      %dma_start3A_64 = arith.constant 0 : i32
      %dma_start3A_65 = tpu.memref_slice %arg3[%add3A, %dma_start3A_63, %dma_start3A_64] : memref<32x80x128xi32, #tpu.memory_space<hbm>> -> memref<1x16x128xi32, #tpu.memory_space<hbm>>
      %dma_start3A_66 = tpu.memref_squeeze %dma_start3A_65 : memref<1x16x128xi32, #tpu.memory_space<hbm>> -> memref<16x128xi32, #tpu.memory_space<hbm>>
      tpu.enqueue_dma source(%dma_start3A_66 : memref<16x128xi32, #tpu.memory_space<hbm>>) target(%arg6 : memref<16x128xi32, #tpu.memory_space<vmem>>) target_semaphore(%run_scoped3A : memref<!tpu.dma_semaphore, #tpu.memory_space<semaphore_mem>>)
      %dma_wait3A = arith.constant 48 : i32
      %dma_wait3A_67 = arith.constant 0 : i32
      %dma_wait3A_68 = tpu.memref_slice %arg3[%add3A, %dma_wait3A, %dma_wait3A_67] : memref<32x80x128xi32, #tpu.memory_space<hbm>> -> memref<1x16x128xi32, #tpu.memory_space<hbm>>
      %dma_wait3A_69 = tpu.memref_squeeze %dma_wait3A_68 : memref<1x16x128xi32, #tpu.memory_space<hbm>> -> memref<16x128xi32, #tpu.memory_space<hbm>>
      %dma_wait3A_70 = arith.constant 48 : i32
      %dma_wait3A_71 = arith.constant 0 : i32
      %dma_wait3A_72 = tpu.memref_slice %arg3[%add3A, %dma_wait3A_70, %dma_wait3A_71] : memref<32x80x128xi32, #tpu.memory_space<hbm>> -> memref<1x16x128xi32, #tpu.memory_space<hbm>>
      %dma_wait3A_73 = tpu.memref_squeeze %dma_wait3A_72 : memref<1x16x128xi32, #tpu.memory_space<hbm>> -> memref<16x128xi32, #tpu.memory_space<hbm>>
      tpu.wait_dma2 semaphore(%run_scoped3A : memref<!tpu.dma_semaphore, #tpu.memory_space<semaphore_mem>>) src(%dma_wait3A_73 : memref<16x128xi32, #tpu.memory_space<hbm>>) dst(%arg6 : memref<16x128xi32, #tpu.memory_space<vmem>>)
      tpu.yield
    }) : () -> ()
    "tpu.region"() ({
      %run_scoped3A = tpu.sem_alloc : memref<!tpu.dma_semaphore, #tpu.memory_space<semaphore_mem>>
      %dma_start3A = arith.constant 48 : i32
      %dma_start3A_60 = arith.constant 0 : i32
      %dma_start3A_61 = tpu.memref_slice %arg4[%add3A, %dma_start3A, %dma_start3A_60] : memref<32x80x128xi32, #tpu.memory_space<hbm>> -> memref<1x16x128xi32, #tpu.memory_space<hbm>>
      %dma_start3A_62 = tpu.memref_squeeze %dma_start3A_61 : memref<1x16x128xi32, #tpu.memory_space<hbm>> -> memref<16x128xi32, #tpu.memory_space<hbm>>
      %dma_start3A_63 = arith.constant 48 : i32
      %dma_start3A_64 = arith.constant 0 : i32
      %dma_start3A_65 = tpu.memref_slice %arg4[%add3A, %dma_start3A_63, %dma_start3A_64] : memref<32x80x128xi32, #tpu.memory_space<hbm>> -> memref<1x16x128xi32, #tpu.memory_space<hbm>>
      %dma_start3A_66 = tpu.memref_squeeze %dma_start3A_65 : memref<1x16x128xi32, #tpu.memory_space<hbm>> -> memref<16x128xi32, #tpu.memory_space<hbm>>
      tpu.enqueue_dma source(%dma_start3A_66 : memref<16x128xi32, #tpu.memory_space<hbm>>) target(%arg7 : memref<16x128xi32, #tpu.memory_space<vmem>>) target_semaphore(%run_scoped3A : memref<!tpu.dma_semaphore, #tpu.memory_space<semaphore_mem>>)
      %dma_wait3A = arith.constant 48 : i32
      %dma_wait3A_67 = arith.constant 0 : i32
      %dma_wait3A_68 = tpu.memref_slice %arg4[%add3A, %dma_wait3A, %dma_wait3A_67] : memref<32x80x128xi32, #tpu.memory_space<hbm>> -> memref<1x16x128xi32, #tpu.memory_space<hbm>>
      %dma_wait3A_69 = tpu.memref_squeeze %dma_wait3A_68 : memref<1x16x128xi32, #tpu.memory_space<hbm>> -> memref<16x128xi32, #tpu.memory_space<hbm>>
      %dma_wait3A_70 = arith.constant 48 : i32
      %dma_wait3A_71 = arith.constant 0 : i32
      %dma_wait3A_72 = tpu.memref_slice %arg4[%add3A, %dma_wait3A_70, %dma_wait3A_71] : memref<32x80x128xi32, #tpu.memory_space<hbm>> -> memref<1x16x128xi32, #tpu.memory_space<hbm>>
      %dma_wait3A_73 = tpu.memref_squeeze %dma_wait3A_72 : memref<1x16x128xi32, #tpu.memory_space<hbm>> -> memref<16x128xi32, #tpu.memory_space<hbm>>
      tpu.wait_dma2 semaphore(%run_scoped3A : memref<!tpu.dma_semaphore, #tpu.memory_space<semaphore_mem>>) src(%dma_wait3A_73 : memref<16x128xi32, #tpu.memory_space<hbm>>) dst(%arg7 : memref<16x128xi32, #tpu.memory_space<vmem>>)
      tpu.yield
    }) : () -> ()
    %scan3A_45 = arith.constant 0 : i32
    %scan3A_46 = arith.constant 0 : i32
    %scan3A_47 = arith.constant 16 : i32
    %scan3A_48 = arith.addi %scan3A_46, %scan3A_47 : i32
    %scan3A_49 = arith.constant 1 : i32
    scf.for %scan3A_60 = %scan3A_46 to %scan3A_48 step %scan3A_49  : i32 {
      %dma_start3A = arith.constant 0 : i32
      %dma_start3A_61 = tpu.memref_slice %arg6[%scan3A_60, %dma_start3A] : memref<16x128xi32, #tpu.memory_space<vmem>> -> memref<1x128xi32, #tpu.memory_space<vmem>>
      %dma_start3A_62 = tpu.memref_squeeze %dma_start3A_61 : memref<1x128xi32, #tpu.memory_space<vmem>> -> memref<128xi32, #tpu.memory_space<vmem>>
      %dma_start3A_63 = arith.constant 0 : i32
      %dma_start3A_64 = arith.constant 0 : i32
      %dma_start3A_65 = tpu.memref_slice %arg2[%dma_start3A_63, %dma_start3A_64] : memref<10000x128xf32, #tpu.memory_space<hbm>> -> memref<10000x128xf32, #tpu.memory_space<hbm>>
      tpu.enqueue_indirect_dma source(%dma_start3A_65 : memref<10000x128xf32, #tpu.memory_space<hbm>>) target(%arg8 : memref<128x128xf32, #tpu.memory_space<vmem>>) offsets(%dma_start3A_62 : memref<128xi32, #tpu.memory_space<vmem>>) semaphore(%arg10 : memref<!tpu.dma_semaphore, #tpu.memory_space<semaphore_mem>>)
      %dma_wait3A = arith.constant 0 : i32
      %dma_wait3A_66 = tpu.memref_slice %arg6[%scan3A_60, %dma_wait3A] : memref<16x128xi32, #tpu.memory_space<vmem>> -> memref<1x128xi32, #tpu.memory_space<vmem>>
      %dma_wait3A_67 = tpu.memref_squeeze %dma_wait3A_66 : memref<1x128xi32, #tpu.memory_space<vmem>> -> memref<128xi32, #tpu.memory_space<vmem>>
      %dma_wait3A_68 = arith.constant 0 : i32
      %dma_wait3A_69 = arith.constant 0 : i32
      %dma_wait3A_70 = tpu.memref_slice %arg2[%dma_wait3A_68, %dma_wait3A_69] : memref<10000x128xf32, #tpu.memory_space<hbm>> -> memref<10000x128xf32, #tpu.memory_space<hbm>>
      tpu.wait_indirect_dma semaphore(%arg10 : memref<!tpu.dma_semaphore, #tpu.memory_space<semaphore_mem>>) src(%dma_wait3A_70 : memref<10000x128xf32, #tpu.memory_space<hbm>>) dst(%arg8 : memref<128x128xf32, #tpu.memory_space<vmem>>)
      "tpu.region"() ({
        %run_scoped3A = tpu.sem_alloc : memref<!tpu.dma_semaphore, #tpu.memory_space<semaphore_mem>>
        %dma_start3A_71 = arith.constant 0 : i32
        %dma_start3A_72 = tpu.memref_slice %arg7[%scan3A_60, %dma_start3A_71] : memref<16x128xi32, #tpu.memory_space<vmem>> -> memref<1x128xi32, #tpu.memory_space<vmem>>
        %dma_start3A_73 = tpu.memref_squeeze %dma_start3A_72 : memref<1x128xi32, #tpu.memory_space<vmem>> -> memref<128xi32, #tpu.memory_space<vmem>>
        %dma_start3A_74 = arith.constant 0 : i32
        %dma_start3A_75 = arith.constant 0 : i32
        %dma_start3A_76 = tpu.memref_slice %arg9[%dma_start3A_74, %dma_start3A_75] : memref<10240x128xf32, #tpu.memory_space<vmem_shared>> -> memref<10240x128xf32, #tpu.memory_space<vmem_shared>>
        tpu.enqueue_indirect_dma source(%arg8 : memref<128x128xf32, #tpu.memory_space<vmem>>) target(%dma_start3A_76 : memref<10240x128xf32, #tpu.memory_space<vmem_shared>>) offsets(%dma_start3A_73 : memref<128xi32, #tpu.memory_space<vmem>>) semaphore(%run_scoped3A : memref<!tpu.dma_semaphore, #tpu.memory_space<semaphore_mem>>) {add = true}
        %dma_wait3A_77 = arith.constant 0 : i32
        %dma_wait3A_78 = tpu.memref_slice %arg7[%scan3A_60, %dma_wait3A_77] : memref<16x128xi32, #tpu.memory_space<vmem>> -> memref<1x128xi32, #tpu.memory_space<vmem>>
        %dma_wait3A_79 = tpu.memref_squeeze %dma_wait3A_78 : memref<1x128xi32, #tpu.memory_space<vmem>> -> memref<128xi32, #tpu.memory_space<vmem>>
        %dma_wait3A_80 = arith.constant 0 : i32
        %dma_wait3A_81 = arith.constant 0 : i32
        %dma_wait3A_82 = tpu.memref_slice %arg9[%dma_wait3A_80, %dma_wait3A_81] : memref<10240x128xf32, #tpu.memory_space<vmem_shared>> -> memref<10240x128xf32, #tpu.memory_space<vmem_shared>>
        tpu.wait_indirect_dma semaphore(%run_scoped3A : memref<!tpu.dma_semaphore, #tpu.memory_space<semaphore_mem>>) src(%arg8 : memref<128x128xf32, #tpu.memory_space<vmem>>) dst(%dma_wait3A_82 : memref<10240x128xf32, #tpu.memory_space<vmem_shared>>)
        tpu.yield
      }) : () -> ()
    }
    %scan3A_50 = arith.constant 16 : i32
    "tpu.region"() ({
      %run_scoped3A = tpu.sem_alloc : memref<!tpu.dma_semaphore, #tpu.memory_space<semaphore_mem>>
      %dma_start3A = arith.constant 64 : i32
      %dma_start3A_60 = arith.constant 0 : i32
      %dma_start3A_61 = tpu.memref_slice %arg3[%add3A, %dma_start3A, %dma_start3A_60] : memref<32x80x128xi32, #tpu.memory_space<hbm>> -> memref<1x16x128xi32, #tpu.memory_space<hbm>>
      %dma_start3A_62 = tpu.memref_squeeze %dma_start3A_61 : memref<1x16x128xi32, #tpu.memory_space<hbm>> -> memref<16x128xi32, #tpu.memory_space<hbm>>
      %dma_start3A_63 = arith.constant 64 : i32
      %dma_start3A_64 = arith.constant 0 : i32
      %dma_start3A_65 = tpu.memref_slice %arg3[%add3A, %dma_start3A_63, %dma_start3A_64] : memref<32x80x128xi32, #tpu.memory_space<hbm>> -> memref<1x16x128xi32, #tpu.memory_space<hbm>>
      %dma_start3A_66 = tpu.memref_squeeze %dma_start3A_65 : memref<1x16x128xi32, #tpu.memory_space<hbm>> -> memref<16x128xi32, #tpu.memory_space<hbm>>
      tpu.enqueue_dma source(%dma_start3A_66 : memref<16x128xi32, #tpu.memory_space<hbm>>) target(%arg6 : memref<16x128xi32, #tpu.memory_space<vmem>>) target_semaphore(%run_scoped3A : memref<!tpu.dma_semaphore, #tpu.memory_space<semaphore_mem>>)
      %dma_wait3A = arith.constant 64 : i32
      %dma_wait3A_67 = arith.constant 0 : i32
      %dma_wait3A_68 = tpu.memref_slice %arg3[%add3A, %dma_wait3A, %dma_wait3A_67] : memref<32x80x128xi32, #tpu.memory_space<hbm>> -> memref<1x16x128xi32, #tpu.memory_space<hbm>>
      %dma_wait3A_69 = tpu.memref_squeeze %dma_wait3A_68 : memref<1x16x128xi32, #tpu.memory_space<hbm>> -> memref<16x128xi32, #tpu.memory_space<hbm>>
      %dma_wait3A_70 = arith.constant 64 : i32
      %dma_wait3A_71 = arith.constant 0 : i32
      %dma_wait3A_72 = tpu.memref_slice %arg3[%add3A, %dma_wait3A_70, %dma_wait3A_71] : memref<32x80x128xi32, #tpu.memory_space<hbm>> -> memref<1x16x128xi32, #tpu.memory_space<hbm>>
      %dma_wait3A_73 = tpu.memref_squeeze %dma_wait3A_72 : memref<1x16x128xi32, #tpu.memory_space<hbm>> -> memref<16x128xi32, #tpu.memory_space<hbm>>
      tpu.wait_dma2 semaphore(%run_scoped3A : memref<!tpu.dma_semaphore, #tpu.memory_space<semaphore_mem>>) src(%dma_wait3A_73 : memref<16x128xi32, #tpu.memory_space<hbm>>) dst(%arg6 : memref<16x128xi32, #tpu.memory_space<vmem>>)
      tpu.yield
    }) : () -> ()
    "tpu.region"() ({
      %run_scoped3A = tpu.sem_alloc : memref<!tpu.dma_semaphore, #tpu.memory_space<semaphore_mem>>
      %dma_start3A = arith.constant 64 : i32
      %dma_start3A_60 = arith.constant 0 : i32
      %dma_start3A_61 = tpu.memref_slice %arg4[%add3A, %dma_start3A, %dma_start3A_60] : memref<32x80x128xi32, #tpu.memory_space<hbm>> -> memref<1x16x128xi32, #tpu.memory_space<hbm>>
      %dma_start3A_62 = tpu.memref_squeeze %dma_start3A_61 : memref<1x16x128xi32, #tpu.memory_space<hbm>> -> memref<16x128xi32, #tpu.memory_space<hbm>>
      %dma_start3A_63 = arith.constant 64 : i32
      %dma_start3A_64 = arith.constant 0 : i32
      %dma_start3A_65 = tpu.memref_slice %arg4[%add3A, %dma_start3A_63, %dma_start3A_64] : memref<32x80x128xi32, #tpu.memory_space<hbm>> -> memref<1x16x128xi32, #tpu.memory_space<hbm>>
      %dma_start3A_66 = tpu.memref_squeeze %dma_start3A_65 : memref<1x16x128xi32, #tpu.memory_space<hbm>> -> memref<16x128xi32, #tpu.memory_space<hbm>>
      tpu.enqueue_dma source(%dma_start3A_66 : memref<16x128xi32, #tpu.memory_space<hbm>>) target(%arg7 : memref<16x128xi32, #tpu.memory_space<vmem>>) target_semaphore(%run_scoped3A : memref<!tpu.dma_semaphore, #tpu.memory_space<semaphore_mem>>)
      %dma_wait3A = arith.constant 64 : i32
      %dma_wait3A_67 = arith.constant 0 : i32
      %dma_wait3A_68 = tpu.memref_slice %arg4[%add3A, %dma_wait3A, %dma_wait3A_67] : memref<32x80x128xi32, #tpu.memory_space<hbm>> -> memref<1x16x128xi32, #tpu.memory_space<hbm>>
      %dma_wait3A_69 = tpu.memref_squeeze %dma_wait3A_68 : memref<1x16x128xi32, #tpu.memory_space<hbm>> -> memref<16x128xi32, #tpu.memory_space<hbm>>
      %dma_wait3A_70 = arith.constant 64 : i32
      %dma_wait3A_71 = arith.constant 0 : i32
      %dma_wait3A_72 = tpu.memref_slice %arg4[%add3A, %dma_wait3A_70, %dma_wait3A_71] : memref<32x80x128xi32, #tpu.memory_space<hbm>> -> memref<1x16x128xi32, #tpu.memory_space<hbm>>
      %dma_wait3A_73 = tpu.memref_squeeze %dma_wait3A_72 : memref<1x16x128xi32, #tpu.memory_space<hbm>> -> memref<16x128xi32, #tpu.memory_space<hbm>>
      tpu.wait_dma2 semaphore(%run_scoped3A : memref<!tpu.dma_semaphore, #tpu.memory_space<semaphore_mem>>) src(%dma_wait3A_73 : memref<16x128xi32, #tpu.memory_space<hbm>>) dst(%arg7 : memref<16x128xi32, #tpu.memory_space<vmem>>)
      tpu.yield
    }) : () -> ()
    %scan3A_51 = arith.constant 0 : i32
    %scan3A_52 = arith.constant 0 : i32
    %scan3A_53 = arith.constant 16 : i32
    %scan3A_54 = arith.addi %scan3A_52, %scan3A_53 : i32
    %scan3A_55 = arith.constant 1 : i32
    scf.for %scan3A_60 = %scan3A_52 to %scan3A_54 step %scan3A_55  : i32 {
      %dma_start3A = arith.constant 0 : i32
      %dma_start3A_61 = tpu.memref_slice %arg6[%scan3A_60, %dma_start3A] : memref<16x128xi32, #tpu.memory_space<vmem>> -> memref<1x128xi32, #tpu.memory_space<vmem>>
      %dma_start3A_62 = tpu.memref_squeeze %dma_start3A_61 : memref<1x128xi32, #tpu.memory_space<vmem>> -> memref<128xi32, #tpu.memory_space<vmem>>
      %dma_start3A_63 = arith.constant 0 : i32
      %dma_start3A_64 = arith.constant 0 : i32
      %dma_start3A_65 = tpu.memref_slice %arg2[%dma_start3A_63, %dma_start3A_64] : memref<10000x128xf32, #tpu.memory_space<hbm>> -> memref<10000x128xf32, #tpu.memory_space<hbm>>
      tpu.enqueue_indirect_dma source(%dma_start3A_65 : memref<10000x128xf32, #tpu.memory_space<hbm>>) target(%arg8 : memref<128x128xf32, #tpu.memory_space<vmem>>) offsets(%dma_start3A_62 : memref<128xi32, #tpu.memory_space<vmem>>) semaphore(%arg10 : memref<!tpu.dma_semaphore, #tpu.memory_space<semaphore_mem>>)
      %dma_wait3A = arith.constant 0 : i32
      %dma_wait3A_66 = tpu.memref_slice %arg6[%scan3A_60, %dma_wait3A] : memref<16x128xi32, #tpu.memory_space<vmem>> -> memref<1x128xi32, #tpu.memory_space<vmem>>
      %dma_wait3A_67 = tpu.memref_squeeze %dma_wait3A_66 : memref<1x128xi32, #tpu.memory_space<vmem>> -> memref<128xi32, #tpu.memory_space<vmem>>
      %dma_wait3A_68 = arith.constant 0 : i32
      %dma_wait3A_69 = arith.constant 0 : i32
      %dma_wait3A_70 = tpu.memref_slice %arg2[%dma_wait3A_68, %dma_wait3A_69] : memref<10000x128xf32, #tpu.memory_space<hbm>> -> memref<10000x128xf32, #tpu.memory_space<hbm>>
      tpu.wait_indirect_dma semaphore(%arg10 : memref<!tpu.dma_semaphore, #tpu.memory_space<semaphore_mem>>) src(%dma_wait3A_70 : memref<10000x128xf32, #tpu.memory_space<hbm>>) dst(%arg8 : memref<128x128xf32, #tpu.memory_space<vmem>>)
      "tpu.region"() ({
        %run_scoped3A = tpu.sem_alloc : memref<!tpu.dma_semaphore, #tpu.memory_space<semaphore_mem>>
        %dma_start3A_71 = arith.constant 0 : i32
        %dma_start3A_72 = tpu.memref_slice %arg7[%scan3A_60, %dma_start3A_71] : memref<16x128xi32, #tpu.memory_space<vmem>> -> memref<1x128xi32, #tpu.memory_space<vmem>>
        %dma_start3A_73 = tpu.memref_squeeze %dma_start3A_72 : memref<1x128xi32, #tpu.memory_space<vmem>> -> memref<128xi32, #tpu.memory_space<vmem>>
        %dma_start3A_74 = arith.constant 0 : i32
        %dma_start3A_75 = arith.constant 0 : i32
        %dma_start3A_76 = tpu.memref_slice %arg9[%dma_start3A_74, %dma_start3A_75] : memref<10240x128xf32, #tpu.memory_space<vmem_shared>> -> memref<10240x128xf32, #tpu.memory_space<vmem_shared>>
        tpu.enqueue_indirect_dma source(%arg8 : memref<128x128xf32, #tpu.memory_space<vmem>>) target(%dma_start3A_76 : memref<10240x128xf32, #tpu.memory_space<vmem_shared>>) offsets(%dma_start3A_73 : memref<128xi32, #tpu.memory_space<vmem>>) semaphore(%run_scoped3A : memref<!tpu.dma_semaphore, #tpu.memory_space<semaphore_mem>>) {add = true}
        %dma_wait3A_77 = arith.constant 0 : i32
        %dma_wait3A_78 = tpu.memref_slice %arg7[%scan3A_60, %dma_wait3A_77] : memref<16x128xi32, #tpu.memory_space<vmem>> -> memref<1x128xi32, #tpu.memory_space<vmem>>
        %dma_wait3A_79 = tpu.memref_squeeze %dma_wait3A_78 : memref<1x128xi32, #tpu.memory_space<vmem>> -> memref<128xi32, #tpu.memory_space<vmem>>
        %dma_wait3A_80 = arith.constant 0 : i32
        %dma_wait3A_81 = arith.constant 0 : i32
        %dma_wait3A_82 = tpu.memref_slice %arg9[%dma_wait3A_80, %dma_wait3A_81] : memref<10240x128xf32, #tpu.memory_space<vmem_shared>> -> memref<10240x128xf32, #tpu.memory_space<vmem_shared>>
        tpu.wait_indirect_dma semaphore(%run_scoped3A : memref<!tpu.dma_semaphore, #tpu.memory_space<semaphore_mem>>) src(%arg8 : memref<128x128xf32, #tpu.memory_space<vmem>>) dst(%dma_wait3A_82 : memref<10240x128xf32, #tpu.memory_space<vmem_shared>>)
        tpu.yield
      }) : () -> ()
    }
    %scan3A_56 = arith.constant 16 : i32
    %barrier3A_57 = arith.constant 0 : index
    tpu.barrier barrier_id(%barrier3A_57)
    %mul3A_58 = arith.constant 640 : i32
    %mul3A_59 = arith.muli %arg1, %mul3A_58 : i32
    "tpu.region"() ({
      %run_scoped3A = tpu.sem_alloc : memref<!tpu.dma_semaphore, #tpu.memory_space<semaphore_mem>>
      %dma_start3A = arith.constant 0 : i32
      %dma_start3A_60 = tpu.memref_slice %arg5[%arg0, %mul3A_59, %dma_start3A] : memref<2x10240x128xf32, #tpu.memory_space<hbm>> -> memref<1x640x128xf32, #tpu.memory_space<hbm>>
      %dma_start3A_61 = tpu.memref_squeeze %dma_start3A_60 : memref<1x640x128xf32, #tpu.memory_space<hbm>> -> memref<640x128xf32, #tpu.memory_space<hbm>>
      %dma_start3A_62 = arith.constant 0 : i32
      %dma_start3A_63 = tpu.memref_slice %arg9[%mul3A_59, %dma_start3A_62] : memref<10240x128xf32, #tpu.memory_space<vmem_shared>> -> memref<640x128xf32, #tpu.memory_space<vmem_shared>>
      tpu.enqueue_dma source(%dma_start3A_63 : memref<640x128xf32, #tpu.memory_space<vmem_shared>>) target(%dma_start3A_61 : memref<640x128xf32, #tpu.memory_space<hbm>>) target_semaphore(%run_scoped3A : memref<!tpu.dma_semaphore, #tpu.memory_space<semaphore_mem>>)
      %dma_wait3A = arith.constant 0 : i32
      %dma_wait3A_64 = tpu.memref_slice %arg5[%arg0, %mul3A_59, %dma_wait3A] : memref<2x10240x128xf32, #tpu.memory_space<hbm>> -> memref<1x640x128xf32, #tpu.memory_space<hbm>>
      %dma_wait3A_65 = tpu.memref_squeeze %dma_wait3A_64 : memref<1x640x128xf32, #tpu.memory_space<hbm>> -> memref<640x128xf32, #tpu.memory_space<hbm>>
      %dma_wait3A_66 = arith.constant 0 : i32
      %dma_wait3A_67 = tpu.memref_slice %arg9[%mul3A_59, %dma_wait3A_66] : memref<10240x128xf32, #tpu.memory_space<vmem_shared>> -> memref<640x128xf32, #tpu.memory_space<vmem_shared>>
      tpu.wait_dma2 semaphore(%run_scoped3A : memref<!tpu.dma_semaphore, #tpu.memory_space<semaphore_mem>>) src(%dma_wait3A_67 : memref<640x128xf32, #tpu.memory_space<vmem_shared>>) dst(%dma_wait3A_65 : memref<640x128xf32, #tpu.memory_space<hbm>>)
      tpu.yield
    }) : () -> ()
    return
  }
}

#map = affine_map<(d0, d1) -> (0, 0, 0)>
module attributes {stable_mosaic.version = 14 : i64} {
  func.func @_deg_body(%arg0: i32, %arg1: i32, %arg2: memref<32x80x128xi32, #tpu.memory_space<hbm>>, %arg3: memref<2x10240x128xf32, #tpu.memory_space<hbm>>, %arg4: memref<16x128xi32, #tpu.memory_space<vmem>>, %arg5: memref<128x128xf32, #tpu.memory_space<vmem>>, %arg6: memref<10240x128xf32, #tpu.memory_space<vmem_shared>>) attributes {dimension_semantics = [#tpu.dimension_semantics<core_parallel>, #tpu.dimension_semantics<subcore_parallel>], iteration_bounds = array<i64: 2, 16>, scalar_prefetch = 0 : i64, scratch_operands = 3 : i64, tpu.core_type = #tpu.core_type<sc_vector_subcore>, window_params = [{transform_indices = #map}, {transform_indices = #map}]} {
    %mul3A = arith.constant 2 : i32
    %mul3A_0 = arith.muli %arg1, %mul3A : i32
    %add3A = arith.addi %mul3A_0, %arg0 : i32
    %broadcast_in_dim3A = arith.constant 0.000000e+00 : f32
    %broadcast_in_dim3A_1 = vector.broadcast %broadcast_in_dim3A : f32 to vector<16xf32>
    %broadcast_in_dim3A_2 = arith.constant 1.000000e+00 : f32
    %broadcast_in_dim3A_3 = vector.broadcast %broadcast_in_dim3A_2 : f32 to vector<16xf32>
    %scan3A = arith.constant 0 : i32
    %scan3A_4 = arith.constant 0 : i32
    %scan3A_5 = arith.constant 128 : i32
    %scan3A_6 = arith.addi %scan3A_4, %scan3A_5 : i32
    %scan3A_7 = arith.constant 1 : i32
    scf.for %scan3A_68 = %scan3A_4 to %scan3A_6 step %scan3A_7  : i32 {
      %swap3A = arith.index_cast %scan3A_68 : i32 to index
      %swap3A_69 = arith.constant 0 : index
      %swap3A_70 = tpu.vector_load %arg5[%swap3A, %swap3A_69] {strides = array<i32>} : memref<128x128xf32, #tpu.memory_space<vmem>>, vector<1x16xf32>,
      %swap3A_71 = vector.shape_cast %swap3A_70 : vector<1x16xf32> to vector<16xf32>
      %swap3A_72 = vector.shape_cast %broadcast_in_dim3A_1 : vector<16xf32> to vector<1x16xf32>
      tpu.vector_store %arg5[%swap3A, %swap3A_69], %swap3A_72 {strides = array<i32>} : memref<128x128xf32, #tpu.memory_space<vmem>>, vector<1x16xf32>,
      %swap3A_73 = arith.index_cast %scan3A_68 : i32 to index
      %swap3A_74 = arith.constant 16 : index
      %swap3A_75 = tpu.vector_load %arg5[%swap3A_73, %swap3A_74] {strides = array<i32>} : memref<128x128xf32, #tpu.memory_space<vmem>>, vector<1x16xf32>,
      %swap3A_76 = vector.shape_cast %swap3A_75 : vector<1x16xf32> to vector<16xf32>
      %swap3A_77 = vector.shape_cast %broadcast_in_dim3A_1 : vector<16xf32> to vector<1x16xf32>
      tpu.vector_store %arg5[%swap3A_73, %swap3A_74], %swap3A_77 {strides = array<i32>} : memref<128x128xf32, #tpu.memory_space<vmem>>, vector<1x16xf32>,
      %swap3A_78 = arith.index_cast %scan3A_68 : i32 to index
      %swap3A_79 = arith.constant 32 : index
      %swap3A_80 = tpu.vector_load %arg5[%swap3A_78, %swap3A_79] {strides = array<i32>} : memref<128x128xf32, #tpu.memory_space<vmem>>, vector<1x16xf32>,
      %swap3A_81 = vector.shape_cast %swap3A_80 : vector<1x16xf32> to vector<16xf32>
      %swap3A_82 = vector.shape_cast %broadcast_in_dim3A_1 : vector<16xf32> to vector<1x16xf32>
      tpu.vector_store %arg5[%swap3A_78, %swap3A_79], %swap3A_82 {strides = array<i32>} : memref<128x128xf32, #tpu.memory_space<vmem>>, vector<1x16xf32>,
      %swap3A_83 = arith.index_cast %scan3A_68 : i32 to index
      %swap3A_84 = arith.constant 48 : index
      %swap3A_85 = tpu.vector_load %arg5[%swap3A_83, %swap3A_84] {strides = array<i32>} : memref<128x128xf32, #tpu.memory_space<vmem>>, vector<1x16xf32>,
      %swap3A_86 = vector.shape_cast %swap3A_85 : vector<1x16xf32> to vector<16xf32>
      %swap3A_87 = vector.shape_cast %broadcast_in_dim3A_1 : vector<16xf32> to vector<1x16xf32>
      tpu.vector_store %arg5[%swap3A_83, %swap3A_84], %swap3A_87 {strides = array<i32>} : memref<128x128xf32, #tpu.memory_space<vmem>>, vector<1x16xf32>,
      %swap3A_88 = arith.index_cast %scan3A_68 : i32 to index
      %swap3A_89 = arith.constant 64 : index
      %swap3A_90 = tpu.vector_load %arg5[%swap3A_88, %swap3A_89] {strides = array<i32>} : memref<128x128xf32, #tpu.memory_space<vmem>>, vector<1x16xf32>,
      %swap3A_91 = vector.shape_cast %swap3A_90 : vector<1x16xf32> to vector<16xf32>
      %swap3A_92 = vector.shape_cast %broadcast_in_dim3A_1 : vector<16xf32> to vector<1x16xf32>
      tpu.vector_store %arg5[%swap3A_88, %swap3A_89], %swap3A_92 {strides = array<i32>} : memref<128x128xf32, #tpu.memory_space<vmem>>, vector<1x16xf32>,
      %swap3A_93 = arith.index_cast %scan3A_68 : i32 to index
      %swap3A_94 = arith.constant 80 : index
      %swap3A_95 = tpu.vector_load %arg5[%swap3A_93, %swap3A_94] {strides = array<i32>} : memref<128x128xf32, #tpu.memory_space<vmem>>, vector<1x16xf32>,
      %swap3A_96 = vector.shape_cast %swap3A_95 : vector<1x16xf32> to vector<16xf32>
      %swap3A_97 = vector.shape_cast %broadcast_in_dim3A_1 : vector<16xf32> to vector<1x16xf32>
      tpu.vector_store %arg5[%swap3A_93, %swap3A_94], %swap3A_97 {strides = array<i32>} : memref<128x128xf32, #tpu.memory_space<vmem>>, vector<1x16xf32>,
      %swap3A_98 = arith.index_cast %scan3A_68 : i32 to index
      %swap3A_99 = arith.constant 96 : index
      %swap3A_100 = tpu.vector_load %arg5[%swap3A_98, %swap3A_99] {strides = array<i32>} : memref<128x128xf32, #tpu.memory_space<vmem>>, vector<1x16xf32>,
      %swap3A_101 = vector.shape_cast %swap3A_100 : vector<1x16xf32> to vector<16xf32>
      %swap3A_102 = vector.shape_cast %broadcast_in_dim3A_1 : vector<16xf32> to vector<1x16xf32>
      tpu.vector_store %arg5[%swap3A_98, %swap3A_99], %swap3A_102 {strides = array<i32>} : memref<128x128xf32, #tpu.memory_space<vmem>>, vector<1x16xf32>,
      %swap3A_103 = arith.index_cast %scan3A_68 : i32 to index
      %swap3A_104 = arith.constant 112 : index
      %swap3A_105 = tpu.vector_load %arg5[%swap3A_103, %swap3A_104] {strides = array<i32>} : memref<128x128xf32, #tpu.memory_space<vmem>>, vector<1x16xf32>,
      %swap3A_106 = vector.shape_cast %swap3A_105 : vector<1x16xf32> to vector<16xf32>
      %swap3A_107 = vector.shape_cast %broadcast_in_dim3A_1 : vector<16xf32> to vector<1x16xf32>
      tpu.vector_store %arg5[%swap3A_103, %swap3A_104], %swap3A_107 {strides = array<i32>} : memref<128x128xf32, #tpu.memory_space<vmem>>, vector<1x16xf32>,
    }
    %scan3A_8 = arith.constant 128 : i32
    %mul3A_9 = arith.constant 640 : i32
    %mul3A_10 = arith.muli %arg1, %mul3A_9 : i32
    %add3A_11 = arith.constant 0 : i32
    %add3A_12 = arith.addi %mul3A_10, %add3A_11 : i32
    "tpu.region"() ({
      %run_scoped3A = tpu.sem_alloc : memref<!tpu.dma_semaphore, #tpu.memory_space<semaphore_mem>>
      %dma_start3A = arith.constant 0 : i32
      %dma_start3A_68 = tpu.memref_slice %arg6[%add3A_12, %dma_start3A] : memref<10240x128xf32, #tpu.memory_space<vmem_shared>> -> memref<128x128xf32, #tpu.memory_space<vmem_shared>>
      %dma_start3A_69 = arith.constant 0 : i32
      %dma_start3A_70 = tpu.memref_slice %arg6[%add3A_12, %dma_start3A_69] : memref<10240x128xf32, #tpu.memory_space<vmem_shared>> -> memref<128x128xf32, #tpu.memory_space<vmem_shared>>
      tpu.enqueue_dma source(%arg5 : memref<128x128xf32, #tpu.memory_space<vmem>>) target(%dma_start3A_70 : memref<128x128xf32, #tpu.memory_space<vmem_shared>>) target_semaphore(%run_scoped3A : memref<!tpu.dma_semaphore, #tpu.memory_space<semaphore_mem>>)
      %dma_wait3A = arith.constant 0 : i32
      %dma_wait3A_71 = tpu.memref_slice %arg6[%add3A_12, %dma_wait3A] : memref<10240x128xf32, #tpu.memory_space<vmem_shared>> -> memref<128x128xf32, #tpu.memory_space<vmem_shared>>
      %dma_wait3A_72 = arith.constant 0 : i32
      %dma_wait3A_73 = tpu.memref_slice %arg6[%add3A_12, %dma_wait3A_72] : memref<10240x128xf32, #tpu.memory_space<vmem_shared>> -> memref<128x128xf32, #tpu.memory_space<vmem_shared>>
      tpu.wait_dma2 semaphore(%run_scoped3A : memref<!tpu.dma_semaphore, #tpu.memory_space<semaphore_mem>>) src(%arg5 : memref<128x128xf32, #tpu.memory_space<vmem>>) dst(%dma_wait3A_73 : memref<128x128xf32, #tpu.memory_space<vmem_shared>>)
      tpu.yield
    }) : () -> ()
    %mul3A_13 = arith.constant 640 : i32
    %mul3A_14 = arith.muli %arg1, %mul3A_13 : i32
    %add3A_15 = arith.constant 128 : i32
    %add3A_16 = arith.addi %mul3A_14, %add3A_15 : i32
    "tpu.region"() ({
      %run_scoped3A = tpu.sem_alloc : memref<!tpu.dma_semaphore, #tpu.memory_space<semaphore_mem>>
      %dma_start3A = arith.constant 0 : i32
      %dma_start3A_68 = tpu.memref_slice %arg6[%add3A_16, %dma_start3A] : memref<10240x128xf32, #tpu.memory_space<vmem_shared>> -> memref<128x128xf32, #tpu.memory_space<vmem_shared>>
      %dma_start3A_69 = arith.constant 0 : i32
      %dma_start3A_70 = tpu.memref_slice %arg6[%add3A_16, %dma_start3A_69] : memref<10240x128xf32, #tpu.memory_space<vmem_shared>> -> memref<128x128xf32, #tpu.memory_space<vmem_shared>>
      tpu.enqueue_dma source(%arg5 : memref<128x128xf32, #tpu.memory_space<vmem>>) target(%dma_start3A_70 : memref<128x128xf32, #tpu.memory_space<vmem_shared>>) target_semaphore(%run_scoped3A : memref<!tpu.dma_semaphore, #tpu.memory_space<semaphore_mem>>)
      %dma_wait3A = arith.constant 0 : i32
      %dma_wait3A_71 = tpu.memref_slice %arg6[%add3A_16, %dma_wait3A] : memref<10240x128xf32, #tpu.memory_space<vmem_shared>> -> memref<128x128xf32, #tpu.memory_space<vmem_shared>>
      %dma_wait3A_72 = arith.constant 0 : i32
      %dma_wait3A_73 = tpu.memref_slice %arg6[%add3A_16, %dma_wait3A_72] : memref<10240x128xf32, #tpu.memory_space<vmem_shared>> -> memref<128x128xf32, #tpu.memory_space<vmem_shared>>
      tpu.wait_dma2 semaphore(%run_scoped3A : memref<!tpu.dma_semaphore, #tpu.memory_space<semaphore_mem>>) src(%arg5 : memref<128x128xf32, #tpu.memory_space<vmem>>) dst(%dma_wait3A_73 : memref<128x128xf32, #tpu.memory_space<vmem_shared>>)
      tpu.yield
    }) : () -> ()
    %mul3A_17 = arith.constant 640 : i32
    %mul3A_18 = arith.muli %arg1, %mul3A_17 : i32
    %add3A_19 = arith.constant 256 : i32
    %add3A_20 = arith.addi %mul3A_18, %add3A_19 : i32
    "tpu.region"() ({
      %run_scoped3A = tpu.sem_alloc : memref<!tpu.dma_semaphore, #tpu.memory_space<semaphore_mem>>
      %dma_start3A = arith.constant 0 : i32
      %dma_start3A_68 = tpu.memref_slice %arg6[%add3A_20, %dma_start3A] : memref<10240x128xf32, #tpu.memory_space<vmem_shared>> -> memref<128x128xf32, #tpu.memory_space<vmem_shared>>
      %dma_start3A_69 = arith.constant 0 : i32
      %dma_start3A_70 = tpu.memref_slice %arg6[%add3A_20, %dma_start3A_69] : memref<10240x128xf32, #tpu.memory_space<vmem_shared>> -> memref<128x128xf32, #tpu.memory_space<vmem_shared>>
      tpu.enqueue_dma source(%arg5 : memref<128x128xf32, #tpu.memory_space<vmem>>) target(%dma_start3A_70 : memref<128x128xf32, #tpu.memory_space<vmem_shared>>) target_semaphore(%run_scoped3A : memref<!tpu.dma_semaphore, #tpu.memory_space<semaphore_mem>>)
      %dma_wait3A = arith.constant 0 : i32
      %dma_wait3A_71 = tpu.memref_slice %arg6[%add3A_20, %dma_wait3A] : memref<10240x128xf32, #tpu.memory_space<vmem_shared>> -> memref<128x128xf32, #tpu.memory_space<vmem_shared>>
      %dma_wait3A_72 = arith.constant 0 : i32
      %dma_wait3A_73 = tpu.memref_slice %arg6[%add3A_20, %dma_wait3A_72] : memref<10240x128xf32, #tpu.memory_space<vmem_shared>> -> memref<128x128xf32, #tpu.memory_space<vmem_shared>>
      tpu.wait_dma2 semaphore(%run_scoped3A : memref<!tpu.dma_semaphore, #tpu.memory_space<semaphore_mem>>) src(%arg5 : memref<128x128xf32, #tpu.memory_space<vmem>>) dst(%dma_wait3A_73 : memref<128x128xf32, #tpu.memory_space<vmem_shared>>)
      tpu.yield
    }) : () -> ()
    %mul3A_21 = arith.constant 640 : i32
    %mul3A_22 = arith.muli %arg1, %mul3A_21 : i32
    %add3A_23 = arith.constant 384 : i32
    %add3A_24 = arith.addi %mul3A_22, %add3A_23 : i32
    "tpu.region"() ({
      %run_scoped3A = tpu.sem_alloc : memref<!tpu.dma_semaphore, #tpu.memory_space<semaphore_mem>>
      %dma_start3A = arith.constant 0 : i32
      %dma_start3A_68 = tpu.memref_slice %arg6[%add3A_24, %dma_start3A] : memref<10240x128xf32, #tpu.memory_space<vmem_shared>> -> memref<128x128xf32, #tpu.memory_space<vmem_shared>>
      %dma_start3A_69 = arith.constant 0 : i32
      %dma_start3A_70 = tpu.memref_slice %arg6[%add3A_24, %dma_start3A_69] : memref<10240x128xf32, #tpu.memory_space<vmem_shared>> -> memref<128x128xf32, #tpu.memory_space<vmem_shared>>
      tpu.enqueue_dma source(%arg5 : memref<128x128xf32, #tpu.memory_space<vmem>>) target(%dma_start3A_70 : memref<128x128xf32, #tpu.memory_space<vmem_shared>>) target_semaphore(%run_scoped3A : memref<!tpu.dma_semaphore, #tpu.memory_space<semaphore_mem>>)
      %dma_wait3A = arith.constant 0 : i32
      %dma_wait3A_71 = tpu.memref_slice %arg6[%add3A_24, %dma_wait3A] : memref<10240x128xf32, #tpu.memory_space<vmem_shared>> -> memref<128x128xf32, #tpu.memory_space<vmem_shared>>
      %dma_wait3A_72 = arith.constant 0 : i32
      %dma_wait3A_73 = tpu.memref_slice %arg6[%add3A_24, %dma_wait3A_72] : memref<10240x128xf32, #tpu.memory_space<vmem_shared>> -> memref<128x128xf32, #tpu.memory_space<vmem_shared>>
      tpu.wait_dma2 semaphore(%run_scoped3A : memref<!tpu.dma_semaphore, #tpu.memory_space<semaphore_mem>>) src(%arg5 : memref<128x128xf32, #tpu.memory_space<vmem>>) dst(%dma_wait3A_73 : memref<128x128xf32, #tpu.memory_space<vmem_shared>>)
      tpu.yield
    }) : () -> ()
    %mul3A_25 = arith.constant 640 : i32
    %mul3A_26 = arith.muli %arg1, %mul3A_25 : i32
    %add3A_27 = arith.constant 512 : i32
    %add3A_28 = arith.addi %mul3A_26, %add3A_27 : i32
    "tpu.region"() ({
      %run_scoped3A = tpu.sem_alloc : memref<!tpu.dma_semaphore, #tpu.memory_space<semaphore_mem>>
      %dma_start3A = arith.constant 0 : i32
      %dma_start3A_68 = tpu.memref_slice %arg6[%add3A_28, %dma_start3A] : memref<10240x128xf32, #tpu.memory_space<vmem_shared>> -> memref<128x128xf32, #tpu.memory_space<vmem_shared>>
      %dma_start3A_69 = arith.constant 0 : i32
      %dma_start3A_70 = tpu.memref_slice %arg6[%add3A_28, %dma_start3A_69] : memref<10240x128xf32, #tpu.memory_space<vmem_shared>> -> memref<128x128xf32, #tpu.memory_space<vmem_shared>>
      tpu.enqueue_dma source(%arg5 : memref<128x128xf32, #tpu.memory_space<vmem>>) target(%dma_start3A_70 : memref<128x128xf32, #tpu.memory_space<vmem_shared>>) target_semaphore(%run_scoped3A : memref<!tpu.dma_semaphore, #tpu.memory_space<semaphore_mem>>)
      %dma_wait3A = arith.constant 0 : i32
      %dma_wait3A_71 = tpu.memref_slice %arg6[%add3A_28, %dma_wait3A] : memref<10240x128xf32, #tpu.memory_space<vmem_shared>> -> memref<128x128xf32, #tpu.memory_space<vmem_shared>>
      %dma_wait3A_72 = arith.constant 0 : i32
      %dma_wait3A_73 = tpu.memref_slice %arg6[%add3A_28, %dma_wait3A_72] : memref<10240x128xf32, #tpu.memory_space<vmem_shared>> -> memref<128x128xf32, #tpu.memory_space<vmem_shared>>
      tpu.wait_dma2 semaphore(%run_scoped3A : memref<!tpu.dma_semaphore, #tpu.memory_space<semaphore_mem>>) src(%arg5 : memref<128x128xf32, #tpu.memory_space<vmem>>) dst(%dma_wait3A_73 : memref<128x128xf32, #tpu.memory_space<vmem_shared>>)
      tpu.yield
    }) : () -> ()
    %scan3A_29 = arith.constant 0 : i32
    %scan3A_30 = arith.constant 0 : i32
    %scan3A_31 = arith.constant 128 : i32
    %scan3A_32 = arith.addi %scan3A_30, %scan3A_31 : i32
    %scan3A_33 = arith.constant 1 : i32
    scf.for %scan3A_68 = %scan3A_30 to %scan3A_32 step %scan3A_33  : i32 {
      %swap3A = arith.index_cast %scan3A_68 : i32 to index
      %swap3A_69 = arith.constant 0 : index
      %swap3A_70 = tpu.vector_load %arg5[%swap3A, %swap3A_69] {strides = array<i32>} : memref<128x128xf32, #tpu.memory_space<vmem>>, vector<1x16xf32>,
      %swap3A_71 = vector.shape_cast %swap3A_70 : vector<1x16xf32> to vector<16xf32>
      %swap3A_72 = vector.shape_cast %broadcast_in_dim3A_3 : vector<16xf32> to vector<1x16xf32>
      tpu.vector_store %arg5[%swap3A, %swap3A_69], %swap3A_72 {strides = array<i32>} : memref<128x128xf32, #tpu.memory_space<vmem>>, vector<1x16xf32>,
      %swap3A_73 = arith.index_cast %scan3A_68 : i32 to index
      %swap3A_74 = arith.constant 16 : index
      %swap3A_75 = tpu.vector_load %arg5[%swap3A_73, %swap3A_74] {strides = array<i32>} : memref<128x128xf32, #tpu.memory_space<vmem>>, vector<1x16xf32>,
      %swap3A_76 = vector.shape_cast %swap3A_75 : vector<1x16xf32> to vector<16xf32>
      %swap3A_77 = vector.shape_cast %broadcast_in_dim3A_3 : vector<16xf32> to vector<1x16xf32>
      tpu.vector_store %arg5[%swap3A_73, %swap3A_74], %swap3A_77 {strides = array<i32>} : memref<128x128xf32, #tpu.memory_space<vmem>>, vector<1x16xf32>,
      %swap3A_78 = arith.index_cast %scan3A_68 : i32 to index
      %swap3A_79 = arith.constant 32 : index
      %swap3A_80 = tpu.vector_load %arg5[%swap3A_78, %swap3A_79] {strides = array<i32>} : memref<128x128xf32, #tpu.memory_space<vmem>>, vector<1x16xf32>,
      %swap3A_81 = vector.shape_cast %swap3A_80 : vector<1x16xf32> to vector<16xf32>
      %swap3A_82 = vector.shape_cast %broadcast_in_dim3A_3 : vector<16xf32> to vector<1x16xf32>
      tpu.vector_store %arg5[%swap3A_78, %swap3A_79], %swap3A_82 {strides = array<i32>} : memref<128x128xf32, #tpu.memory_space<vmem>>, vector<1x16xf32>,
      %swap3A_83 = arith.index_cast %scan3A_68 : i32 to index
      %swap3A_84 = arith.constant 48 : index
      %swap3A_85 = tpu.vector_load %arg5[%swap3A_83, %swap3A_84] {strides = array<i32>} : memref<128x128xf32, #tpu.memory_space<vmem>>, vector<1x16xf32>,
      %swap3A_86 = vector.shape_cast %swap3A_85 : vector<1x16xf32> to vector<16xf32>
      %swap3A_87 = vector.shape_cast %broadcast_in_dim3A_3 : vector<16xf32> to vector<1x16xf32>
      tpu.vector_store %arg5[%swap3A_83, %swap3A_84], %swap3A_87 {strides = array<i32>} : memref<128x128xf32, #tpu.memory_space<vmem>>, vector<1x16xf32>,
      %swap3A_88 = arith.index_cast %scan3A_68 : i32 to index
      %swap3A_89 = arith.constant 64 : index
      %swap3A_90 = tpu.vector_load %arg5[%swap3A_88, %swap3A_89] {strides = array<i32>} : memref<128x128xf32, #tpu.memory_space<vmem>>, vector<1x16xf32>,
      %swap3A_91 = vector.shape_cast %swap3A_90 : vector<1x16xf32> to vector<16xf32>
      %swap3A_92 = vector.shape_cast %broadcast_in_dim3A_3 : vector<16xf32> to vector<1x16xf32>
      tpu.vector_store %arg5[%swap3A_88, %swap3A_89], %swap3A_92 {strides = array<i32>} : memref<128x128xf32, #tpu.memory_space<vmem>>, vector<1x16xf32>,
      %swap3A_93 = arith.index_cast %scan3A_68 : i32 to index
      %swap3A_94 = arith.constant 80 : index
      %swap3A_95 = tpu.vector_load %arg5[%swap3A_93, %swap3A_94] {strides = array<i32>} : memref<128x128xf32, #tpu.memory_space<vmem>>, vector<1x16xf32>,
      %swap3A_96 = vector.shape_cast %swap3A_95 : vector<1x16xf32> to vector<16xf32>
      %swap3A_97 = vector.shape_cast %broadcast_in_dim3A_3 : vector<16xf32> to vector<1x16xf32>
      tpu.vector_store %arg5[%swap3A_93, %swap3A_94], %swap3A_97 {strides = array<i32>} : memref<128x128xf32, #tpu.memory_space<vmem>>, vector<1x16xf32>,
      %swap3A_98 = arith.index_cast %scan3A_68 : i32 to index
      %swap3A_99 = arith.constant 96 : index
      %swap3A_100 = tpu.vector_load %arg5[%swap3A_98, %swap3A_99] {strides = array<i32>} : memref<128x128xf32, #tpu.memory_space<vmem>>, vector<1x16xf32>,
      %swap3A_101 = vector.shape_cast %swap3A_100 : vector<1x16xf32> to vector<16xf32>
      %swap3A_102 = vector.shape_cast %broadcast_in_dim3A_3 : vector<16xf32> to vector<1x16xf32>
      tpu.vector_store %arg5[%swap3A_98, %swap3A_99], %swap3A_102 {strides = array<i32>} : memref<128x128xf32, #tpu.memory_space<vmem>>, vector<1x16xf32>,
      %swap3A_103 = arith.index_cast %scan3A_68 : i32 to index
      %swap3A_104 = arith.constant 112 : index
      %swap3A_105 = tpu.vector_load %arg5[%swap3A_103, %swap3A_104] {strides = array<i32>} : memref<128x128xf32, #tpu.memory_space<vmem>>, vector<1x16xf32>,
      %swap3A_106 = vector.shape_cast %swap3A_105 : vector<1x16xf32> to vector<16xf32>
      %swap3A_107 = vector.shape_cast %broadcast_in_dim3A_3 : vector<16xf32> to vector<1x16xf32>
      tpu.vector_store %arg5[%swap3A_103, %swap3A_104], %swap3A_107 {strides = array<i32>} : memref<128x128xf32, #tpu.memory_space<vmem>>, vector<1x16xf32>,
    }
    %scan3A_34 = arith.constant 128 : i32
    %barrier3A = arith.constant 0 : index
    tpu.barrier barrier_id(%barrier3A)
    "tpu.region"() ({
      %run_scoped3A = tpu.sem_alloc : memref<!tpu.dma_semaphore, #tpu.memory_space<semaphore_mem>>
      %dma_start3A = arith.constant 0 : i32
      %dma_start3A_68 = arith.constant 0 : i32
      %dma_start3A_69 = tpu.memref_slice %arg2[%add3A, %dma_start3A, %dma_start3A_68] : memref<32x80x128xi32, #tpu.memory_space<hbm>> -> memref<1x16x128xi32, #tpu.memory_space<hbm>>
      %dma_start3A_70 = tpu.memref_squeeze %dma_start3A_69 : memref<1x16x128xi32, #tpu.memory_space<hbm>> -> memref<16x128xi32, #tpu.memory_space<hbm>>
      %dma_start3A_71 = arith.constant 0 : i32
      %dma_start3A_72 = arith.constant 0 : i32
      %dma_start3A_73 = tpu.memref_slice %arg2[%add3A, %dma_start3A_71, %dma_start3A_72] : memref<32x80x128xi32, #tpu.memory_space<hbm>> -> memref<1x16x128xi32, #tpu.memory_space<hbm>>
      %dma_start3A_74 = tpu.memref_squeeze %dma_start3A_73 : memref<1x16x128xi32, #tpu.memory_space<hbm>> -> memref<16x128xi32, #tpu.memory_space<hbm>>
      tpu.enqueue_dma source(%dma_start3A_74 : memref<16x128xi32, #tpu.memory_space<hbm>>) target(%arg4 : memref<16x128xi32, #tpu.memory_space<vmem>>) target_semaphore(%run_scoped3A : memref<!tpu.dma_semaphore, #tpu.memory_space<semaphore_mem>>)
      %dma_wait3A = arith.constant 0 : i32
      %dma_wait3A_75 = arith.constant 0 : i32
      %dma_wait3A_76 = tpu.memref_slice %arg2[%add3A, %dma_wait3A, %dma_wait3A_75] : memref<32x80x128xi32, #tpu.memory_space<hbm>> -> memref<1x16x128xi32, #tpu.memory_space<hbm>>
      %dma_wait3A_77 = tpu.memref_squeeze %dma_wait3A_76 : memref<1x16x128xi32, #tpu.memory_space<hbm>> -> memref<16x128xi32, #tpu.memory_space<hbm>>
      %dma_wait3A_78 = arith.constant 0 : i32
      %dma_wait3A_79 = arith.constant 0 : i32
      %dma_wait3A_80 = tpu.memref_slice %arg2[%add3A, %dma_wait3A_78, %dma_wait3A_79] : memref<32x80x128xi32, #tpu.memory_space<hbm>> -> memref<1x16x128xi32, #tpu.memory_space<hbm>>
      %dma_wait3A_81 = tpu.memref_squeeze %dma_wait3A_80 : memref<1x16x128xi32, #tpu.memory_space<hbm>> -> memref<16x128xi32, #tpu.memory_space<hbm>>
      tpu.wait_dma2 semaphore(%run_scoped3A : memref<!tpu.dma_semaphore, #tpu.memory_space<semaphore_mem>>) src(%dma_wait3A_81 : memref<16x128xi32, #tpu.memory_space<hbm>>) dst(%arg4 : memref<16x128xi32, #tpu.memory_space<vmem>>)
      tpu.yield
    }) : () -> ()
    %scan3A_35 = arith.constant 0 : i32
    %scan3A_36 = arith.constant 0 : i32
    %scan3A_37 = arith.constant 16 : i32
    %scan3A_38 = arith.addi %scan3A_36, %scan3A_37 : i32
    %scan3A_39 = arith.constant 1 : i32
    scf.for %scan3A_68 = %scan3A_36 to %scan3A_38 step %scan3A_39  : i32 {
      "tpu.region"() ({
        %run_scoped3A = tpu.sem_alloc : memref<!tpu.dma_semaphore, #tpu.memory_space<semaphore_mem>>
        %dma_start3A = arith.constant 0 : i32
        %dma_start3A_69 = tpu.memref_slice %arg4[%scan3A_68, %dma_start3A] : memref<16x128xi32, #tpu.memory_space<vmem>> -> memref<1x128xi32, #tpu.memory_space<vmem>>
        %dma_start3A_70 = tpu.memref_squeeze %dma_start3A_69 : memref<1x128xi32, #tpu.memory_space<vmem>> -> memref<128xi32, #tpu.memory_space<vmem>>
        %dma_start3A_71 = arith.constant 0 : i32
        %dma_start3A_72 = arith.constant 0 : i32
        %dma_start3A_73 = tpu.memref_slice %arg6[%dma_start3A_71, %dma_start3A_72] : memref<10240x128xf32, #tpu.memory_space<vmem_shared>> -> memref<10240x128xf32, #tpu.memory_space<vmem_shared>>
        tpu.enqueue_indirect_dma source(%arg5 : memref<128x128xf32, #tpu.memory_space<vmem>>) target(%dma_start3A_73 : memref<10240x128xf32, #tpu.memory_space<vmem_shared>>) offsets(%dma_start3A_70 : memref<128xi32, #tpu.memory_space<vmem>>) semaphore(%run_scoped3A : memref<!tpu.dma_semaphore, #tpu.memory_space<semaphore_mem>>) {add = true}
        %dma_wait3A = arith.constant 0 : i32
        %dma_wait3A_74 = tpu.memref_slice %arg4[%scan3A_68, %dma_wait3A] : memref<16x128xi32, #tpu.memory_space<vmem>> -> memref<1x128xi32, #tpu.memory_space<vmem>>
        %dma_wait3A_75 = tpu.memref_squeeze %dma_wait3A_74 : memref<1x128xi32, #tpu.memory_space<vmem>> -> memref<128xi32, #tpu.memory_space<vmem>>
        %dma_wait3A_76 = arith.constant 0 : i32
        %dma_wait3A_77 = arith.constant 0 : i32
        %dma_wait3A_78 = tpu.memref_slice %arg6[%dma_wait3A_76, %dma_wait3A_77] : memref<10240x128xf32, #tpu.memory_space<vmem_shared>> -> memref<10240x128xf32, #tpu.memory_space<vmem_shared>>
        tpu.wait_indirect_dma semaphore(%run_scoped3A : memref<!tpu.dma_semaphore, #tpu.memory_space<semaphore_mem>>) src(%arg5 : memref<128x128xf32, #tpu.memory_space<vmem>>) dst(%dma_wait3A_78 : memref<10240x128xf32, #tpu.memory_space<vmem_shared>>)
        tpu.yield
      }) : () -> ()
    }
    %scan3A_40 = arith.constant 16 : i32
    "tpu.region"() ({
      %run_scoped3A = tpu.sem_alloc : memref<!tpu.dma_semaphore, #tpu.memory_space<semaphore_mem>>
      %dma_start3A = arith.constant 16 : i32
      %dma_start3A_68 = arith.constant 0 : i32
      %dma_start3A_69 = tpu.memref_slice %arg2[%add3A, %dma_start3A, %dma_start3A_68] : memref<32x80x128xi32, #tpu.memory_space<hbm>> -> memref<1x16x128xi32, #tpu.memory_space<hbm>>
      %dma_start3A_70 = tpu.memref_squeeze %dma_start3A_69 : memref<1x16x128xi32, #tpu.memory_space<hbm>> -> memref<16x128xi32, #tpu.memory_space<hbm>>
      %dma_start3A_71 = arith.constant 16 : i32
      %dma_start3A_72 = arith.constant 0 : i32
      %dma_start3A_73 = tpu.memref_slice %arg2[%add3A, %dma_start3A_71, %dma_start3A_72] : memref<32x80x128xi32, #tpu.memory_space<hbm>> -> memref<1x16x128xi32, #tpu.memory_space<hbm>>
      %dma_start3A_74 = tpu.memref_squeeze %dma_start3A_73 : memref<1x16x128xi32, #tpu.memory_space<hbm>> -> memref<16x128xi32, #tpu.memory_space<hbm>>
      tpu.enqueue_dma source(%dma_start3A_74 : memref<16x128xi32, #tpu.memory_space<hbm>>) target(%arg4 : memref<16x128xi32, #tpu.memory_space<vmem>>) target_semaphore(%run_scoped3A : memref<!tpu.dma_semaphore, #tpu.memory_space<semaphore_mem>>)
      %dma_wait3A = arith.constant 16 : i32
      %dma_wait3A_75 = arith.constant 0 : i32
      %dma_wait3A_76 = tpu.memref_slice %arg2[%add3A, %dma_wait3A, %dma_wait3A_75] : memref<32x80x128xi32, #tpu.memory_space<hbm>> -> memref<1x16x128xi32, #tpu.memory_space<hbm>>
      %dma_wait3A_77 = tpu.memref_squeeze %dma_wait3A_76 : memref<1x16x128xi32, #tpu.memory_space<hbm>> -> memref<16x128xi32, #tpu.memory_space<hbm>>
      %dma_wait3A_78 = arith.constant 16 : i32
      %dma_wait3A_79 = arith.constant 0 : i32
      %dma_wait3A_80 = tpu.memref_slice %arg2[%add3A, %dma_wait3A_78, %dma_wait3A_79] : memref<32x80x128xi32, #tpu.memory_space<hbm>> -> memref<1x16x128xi32, #tpu.memory_space<hbm>>
      %dma_wait3A_81 = tpu.memref_squeeze %dma_wait3A_80 : memref<1x16x128xi32, #tpu.memory_space<hbm>> -> memref<16x128xi32, #tpu.memory_space<hbm>>
      tpu.wait_dma2 semaphore(%run_scoped3A : memref<!tpu.dma_semaphore, #tpu.memory_space<semaphore_mem>>) src(%dma_wait3A_81 : memref<16x128xi32, #tpu.memory_space<hbm>>) dst(%arg4 : memref<16x128xi32, #tpu.memory_space<vmem>>)
      tpu.yield
    }) : () -> ()
    %scan3A_41 = arith.constant 0 : i32
    %scan3A_42 = arith.constant 0 : i32
    %scan3A_43 = arith.constant 16 : i32
    %scan3A_44 = arith.addi %scan3A_42, %scan3A_43 : i32
    %scan3A_45 = arith.constant 1 : i32
    scf.for %scan3A_68 = %scan3A_42 to %scan3A_44 step %scan3A_45  : i32 {
      "tpu.region"() ({
        %run_scoped3A = tpu.sem_alloc : memref<!tpu.dma_semaphore, #tpu.memory_space<semaphore_mem>>
        %dma_start3A = arith.constant 0 : i32
        %dma_start3A_69 = tpu.memref_slice %arg4[%scan3A_68, %dma_start3A] : memref<16x128xi32, #tpu.memory_space<vmem>> -> memref<1x128xi32, #tpu.memory_space<vmem>>
        %dma_start3A_70 = tpu.memref_squeeze %dma_start3A_69 : memref<1x128xi32, #tpu.memory_space<vmem>> -> memref<128xi32, #tpu.memory_space<vmem>>
        %dma_start3A_71 = arith.constant 0 : i32
        %dma_start3A_72 = arith.constant 0 : i32
        %dma_start3A_73 = tpu.memref_slice %arg6[%dma_start3A_71, %dma_start3A_72] : memref<10240x128xf32, #tpu.memory_space<vmem_shared>> -> memref<10240x128xf32, #tpu.memory_space<vmem_shared>>
        tpu.enqueue_indirect_dma source(%arg5 : memref<128x128xf32, #tpu.memory_space<vmem>>) target(%dma_start3A_73 : memref<10240x128xf32, #tpu.memory_space<vmem_shared>>) offsets(%dma_start3A_70 : memref<128xi32, #tpu.memory_space<vmem>>) semaphore(%run_scoped3A : memref<!tpu.dma_semaphore, #tpu.memory_space<semaphore_mem>>) {add = true}
        %dma_wait3A = arith.constant 0 : i32
        %dma_wait3A_74 = tpu.memref_slice %arg4[%scan3A_68, %dma_wait3A] : memref<16x128xi32, #tpu.memory_space<vmem>> -> memref<1x128xi32, #tpu.memory_space<vmem>>
        %dma_wait3A_75 = tpu.memref_squeeze %dma_wait3A_74 : memref<1x128xi32, #tpu.memory_space<vmem>> -> memref<128xi32, #tpu.memory_space<vmem>>
        %dma_wait3A_76 = arith.constant 0 : i32
        %dma_wait3A_77 = arith.constant 0 : i32
        %dma_wait3A_78 = tpu.memref_slice %arg6[%dma_wait3A_76, %dma_wait3A_77] : memref<10240x128xf32, #tpu.memory_space<vmem_shared>> -> memref<10240x128xf32, #tpu.memory_space<vmem_shared>>
        tpu.wait_indirect_dma semaphore(%run_scoped3A : memref<!tpu.dma_semaphore, #tpu.memory_space<semaphore_mem>>) src(%arg5 : memref<128x128xf32, #tpu.memory_space<vmem>>) dst(%dma_wait3A_78 : memref<10240x128xf32, #tpu.memory_space<vmem_shared>>)
        tpu.yield
      }) : () -> ()
    }
    %scan3A_46 = arith.constant 16 : i32
    "tpu.region"() ({
      %run_scoped3A = tpu.sem_alloc : memref<!tpu.dma_semaphore, #tpu.memory_space<semaphore_mem>>
      %dma_start3A = arith.constant 32 : i32
      %dma_start3A_68 = arith.constant 0 : i32
      %dma_start3A_69 = tpu.memref_slice %arg2[%add3A, %dma_start3A, %dma_start3A_68] : memref<32x80x128xi32, #tpu.memory_space<hbm>> -> memref<1x16x128xi32, #tpu.memory_space<hbm>>
      %dma_start3A_70 = tpu.memref_squeeze %dma_start3A_69 : memref<1x16x128xi32, #tpu.memory_space<hbm>> -> memref<16x128xi32, #tpu.memory_space<hbm>>
      %dma_start3A_71 = arith.constant 32 : i32
      %dma_start3A_72 = arith.constant 0 : i32
      %dma_start3A_73 = tpu.memref_slice %arg2[%add3A, %dma_start3A_71, %dma_start3A_72] : memref<32x80x128xi32, #tpu.memory_space<hbm>> -> memref<1x16x128xi32, #tpu.memory_space<hbm>>
      %dma_start3A_74 = tpu.memref_squeeze %dma_start3A_73 : memref<1x16x128xi32, #tpu.memory_space<hbm>> -> memref<16x128xi32, #tpu.memory_space<hbm>>
      tpu.enqueue_dma source(%dma_start3A_74 : memref<16x128xi32, #tpu.memory_space<hbm>>) target(%arg4 : memref<16x128xi32, #tpu.memory_space<vmem>>) target_semaphore(%run_scoped3A : memref<!tpu.dma_semaphore, #tpu.memory_space<semaphore_mem>>)
      %dma_wait3A = arith.constant 32 : i32
      %dma_wait3A_75 = arith.constant 0 : i32
      %dma_wait3A_76 = tpu.memref_slice %arg2[%add3A, %dma_wait3A, %dma_wait3A_75] : memref<32x80x128xi32, #tpu.memory_space<hbm>> -> memref<1x16x128xi32, #tpu.memory_space<hbm>>
      %dma_wait3A_77 = tpu.memref_squeeze %dma_wait3A_76 : memref<1x16x128xi32, #tpu.memory_space<hbm>> -> memref<16x128xi32, #tpu.memory_space<hbm>>
      %dma_wait3A_78 = arith.constant 32 : i32
      %dma_wait3A_79 = arith.constant 0 : i32
      %dma_wait3A_80 = tpu.memref_slice %arg2[%add3A, %dma_wait3A_78, %dma_wait3A_79] : memref<32x80x128xi32, #tpu.memory_space<hbm>> -> memref<1x16x128xi32, #tpu.memory_space<hbm>>
      %dma_wait3A_81 = tpu.memref_squeeze %dma_wait3A_80 : memref<1x16x128xi32, #tpu.memory_space<hbm>> -> memref<16x128xi32, #tpu.memory_space<hbm>>
      tpu.wait_dma2 semaphore(%run_scoped3A : memref<!tpu.dma_semaphore, #tpu.memory_space<semaphore_mem>>) src(%dma_wait3A_81 : memref<16x128xi32, #tpu.memory_space<hbm>>) dst(%arg4 : memref<16x128xi32, #tpu.memory_space<vmem>>)
      tpu.yield
    }) : () -> ()
    %scan3A_47 = arith.constant 0 : i32
    %scan3A_48 = arith.constant 0 : i32
    %scan3A_49 = arith.constant 16 : i32
    %scan3A_50 = arith.addi %scan3A_48, %scan3A_49 : i32
    %scan3A_51 = arith.constant 1 : i32
    scf.for %scan3A_68 = %scan3A_48 to %scan3A_50 step %scan3A_51  : i32 {
      "tpu.region"() ({
        %run_scoped3A = tpu.sem_alloc : memref<!tpu.dma_semaphore, #tpu.memory_space<semaphore_mem>>
        %dma_start3A = arith.constant 0 : i32
        %dma_start3A_69 = tpu.memref_slice %arg4[%scan3A_68, %dma_start3A] : memref<16x128xi32, #tpu.memory_space<vmem>> -> memref<1x128xi32, #tpu.memory_space<vmem>>
        %dma_start3A_70 = tpu.memref_squeeze %dma_start3A_69 : memref<1x128xi32, #tpu.memory_space<vmem>> -> memref<128xi32, #tpu.memory_space<vmem>>
        %dma_start3A_71 = arith.constant 0 : i32
        %dma_start3A_72 = arith.constant 0 : i32
        %dma_start3A_73 = tpu.memref_slice %arg6[%dma_start3A_71, %dma_start3A_72] : memref<10240x128xf32, #tpu.memory_space<vmem_shared>> -> memref<10240x128xf32, #tpu.memory_space<vmem_shared>>
        tpu.enqueue_indirect_dma source(%arg5 : memref<128x128xf32, #tpu.memory_space<vmem>>) target(%dma_start3A_73 : memref<10240x128xf32, #tpu.memory_space<vmem_shared>>) offsets(%dma_start3A_70 : memref<128xi32, #tpu.memory_space<vmem>>) semaphore(%run_scoped3A : memref<!tpu.dma_semaphore, #tpu.memory_space<semaphore_mem>>) {add = true}
        %dma_wait3A = arith.constant 0 : i32
        %dma_wait3A_74 = tpu.memref_slice %arg4[%scan3A_68, %dma_wait3A] : memref<16x128xi32, #tpu.memory_space<vmem>> -> memref<1x128xi32, #tpu.memory_space<vmem>>
        %dma_wait3A_75 = tpu.memref_squeeze %dma_wait3A_74 : memref<1x128xi32, #tpu.memory_space<vmem>> -> memref<128xi32, #tpu.memory_space<vmem>>
        %dma_wait3A_76 = arith.constant 0 : i32
        %dma_wait3A_77 = arith.constant 0 : i32
        %dma_wait3A_78 = tpu.memref_slice %arg6[%dma_wait3A_76, %dma_wait3A_77] : memref<10240x128xf32, #tpu.memory_space<vmem_shared>> -> memref<10240x128xf32, #tpu.memory_space<vmem_shared>>
        tpu.wait_indirect_dma semaphore(%run_scoped3A : memref<!tpu.dma_semaphore, #tpu.memory_space<semaphore_mem>>) src(%arg5 : memref<128x128xf32, #tpu.memory_space<vmem>>) dst(%dma_wait3A_78 : memref<10240x128xf32, #tpu.memory_space<vmem_shared>>)
        tpu.yield
      }) : () -> ()
    }
    %scan3A_52 = arith.constant 16 : i32
    "tpu.region"() ({
      %run_scoped3A = tpu.sem_alloc : memref<!tpu.dma_semaphore, #tpu.memory_space<semaphore_mem>>
      %dma_start3A = arith.constant 48 : i32
      %dma_start3A_68 = arith.constant 0 : i32
      %dma_start3A_69 = tpu.memref_slice %arg2[%add3A, %dma_start3A, %dma_start3A_68] : memref<32x80x128xi32, #tpu.memory_space<hbm>> -> memref<1x16x128xi32, #tpu.memory_space<hbm>>
      %dma_start3A_70 = tpu.memref_squeeze %dma_start3A_69 : memref<1x16x128xi32, #tpu.memory_space<hbm>> -> memref<16x128xi32, #tpu.memory_space<hbm>>
      %dma_start3A_71 = arith.constant 48 : i32
      %dma_start3A_72 = arith.constant 0 : i32
      %dma_start3A_73 = tpu.memref_slice %arg2[%add3A, %dma_start3A_71, %dma_start3A_72] : memref<32x80x128xi32, #tpu.memory_space<hbm>> -> memref<1x16x128xi32, #tpu.memory_space<hbm>>
      %dma_start3A_74 = tpu.memref_squeeze %dma_start3A_73 : memref<1x16x128xi32, #tpu.memory_space<hbm>> -> memref<16x128xi32, #tpu.memory_space<hbm>>
      tpu.enqueue_dma source(%dma_start3A_74 : memref<16x128xi32, #tpu.memory_space<hbm>>) target(%arg4 : memref<16x128xi32, #tpu.memory_space<vmem>>) target_semaphore(%run_scoped3A : memref<!tpu.dma_semaphore, #tpu.memory_space<semaphore_mem>>)
      %dma_wait3A = arith.constant 48 : i32
      %dma_wait3A_75 = arith.constant 0 : i32
      %dma_wait3A_76 = tpu.memref_slice %arg2[%add3A, %dma_wait3A, %dma_wait3A_75] : memref<32x80x128xi32, #tpu.memory_space<hbm>> -> memref<1x16x128xi32, #tpu.memory_space<hbm>>
      %dma_wait3A_77 = tpu.memref_squeeze %dma_wait3A_76 : memref<1x16x128xi32, #tpu.memory_space<hbm>> -> memref<16x128xi32, #tpu.memory_space<hbm>>
      %dma_wait3A_78 = arith.constant 48 : i32
      %dma_wait3A_79 = arith.constant 0 : i32
      %dma_wait3A_80 = tpu.memref_slice %arg2[%add3A, %dma_wait3A_78, %dma_wait3A_79] : memref<32x80x128xi32, #tpu.memory_space<hbm>> -> memref<1x16x128xi32, #tpu.memory_space<hbm>>
      %dma_wait3A_81 = tpu.memref_squeeze %dma_wait3A_80 : memref<1x16x128xi32, #tpu.memory_space<hbm>> -> memref<16x128xi32, #tpu.memory_space<hbm>>
      tpu.wait_dma2 semaphore(%run_scoped3A : memref<!tpu.dma_semaphore, #tpu.memory_space<semaphore_mem>>) src(%dma_wait3A_81 : memref<16x128xi32, #tpu.memory_space<hbm>>) dst(%arg4 : memref<16x128xi32, #tpu.memory_space<vmem>>)
      tpu.yield
    }) : () -> ()
    %scan3A_53 = arith.constant 0 : i32
    %scan3A_54 = arith.constant 0 : i32
    %scan3A_55 = arith.constant 16 : i32
    %scan3A_56 = arith.addi %scan3A_54, %scan3A_55 : i32
    %scan3A_57 = arith.constant 1 : i32
    scf.for %scan3A_68 = %scan3A_54 to %scan3A_56 step %scan3A_57  : i32 {
      "tpu.region"() ({
        %run_scoped3A = tpu.sem_alloc : memref<!tpu.dma_semaphore, #tpu.memory_space<semaphore_mem>>
        %dma_start3A = arith.constant 0 : i32
        %dma_start3A_69 = tpu.memref_slice %arg4[%scan3A_68, %dma_start3A] : memref<16x128xi32, #tpu.memory_space<vmem>> -> memref<1x128xi32, #tpu.memory_space<vmem>>
        %dma_start3A_70 = tpu.memref_squeeze %dma_start3A_69 : memref<1x128xi32, #tpu.memory_space<vmem>> -> memref<128xi32, #tpu.memory_space<vmem>>
        %dma_start3A_71 = arith.constant 0 : i32
        %dma_start3A_72 = arith.constant 0 : i32
        %dma_start3A_73 = tpu.memref_slice %arg6[%dma_start3A_71, %dma_start3A_72] : memref<10240x128xf32, #tpu.memory_space<vmem_shared>> -> memref<10240x128xf32, #tpu.memory_space<vmem_shared>>
        tpu.enqueue_indirect_dma source(%arg5 : memref<128x128xf32, #tpu.memory_space<vmem>>) target(%dma_start3A_73 : memref<10240x128xf32, #tpu.memory_space<vmem_shared>>) offsets(%dma_start3A_70 : memref<128xi32, #tpu.memory_space<vmem>>) semaphore(%run_scoped3A : memref<!tpu.dma_semaphore, #tpu.memory_space<semaphore_mem>>) {add = true}
        %dma_wait3A = arith.constant 0 : i32
        %dma_wait3A_74 = tpu.memref_slice %arg4[%scan3A_68, %dma_wait3A] : memref<16x128xi32, #tpu.memory_space<vmem>> -> memref<1x128xi32, #tpu.memory_space<vmem>>
        %dma_wait3A_75 = tpu.memref_squeeze %dma_wait3A_74 : memref<1x128xi32, #tpu.memory_space<vmem>> -> memref<128xi32, #tpu.memory_space<vmem>>
        %dma_wait3A_76 = arith.constant 0 : i32
        %dma_wait3A_77 = arith.constant 0 : i32
        %dma_wait3A_78 = tpu.memref_slice %arg6[%dma_wait3A_76, %dma_wait3A_77] : memref<10240x128xf32, #tpu.memory_space<vmem_shared>> -> memref<10240x128xf32, #tpu.memory_space<vmem_shared>>
        tpu.wait_indirect_dma semaphore(%run_scoped3A : memref<!tpu.dma_semaphore, #tpu.memory_space<semaphore_mem>>) src(%arg5 : memref<128x128xf32, #tpu.memory_space<vmem>>) dst(%dma_wait3A_78 : memref<10240x128xf32, #tpu.memory_space<vmem_shared>>)
        tpu.yield
      }) : () -> ()
    }
    %scan3A_58 = arith.constant 16 : i32
    "tpu.region"() ({
      %run_scoped3A = tpu.sem_alloc : memref<!tpu.dma_semaphore, #tpu.memory_space<semaphore_mem>>
      %dma_start3A = arith.constant 64 : i32
      %dma_start3A_68 = arith.constant 0 : i32
      %dma_start3A_69 = tpu.memref_slice %arg2[%add3A, %dma_start3A, %dma_start3A_68] : memref<32x80x128xi32, #tpu.memory_space<hbm>> -> memref<1x16x128xi32, #tpu.memory_space<hbm>>
      %dma_start3A_70 = tpu.memref_squeeze %dma_start3A_69 : memref<1x16x128xi32, #tpu.memory_space<hbm>> -> memref<16x128xi32, #tpu.memory_space<hbm>>
      %dma_start3A_71 = arith.constant 64 : i32
      %dma_start3A_72 = arith.constant 0 : i32
      %dma_start3A_73 = tpu.memref_slice %arg2[%add3A, %dma_start3A_71, %dma_start3A_72] : memref<32x80x128xi32, #tpu.memory_space<hbm>> -> memref<1x16x128xi32, #tpu.memory_space<hbm>>
      %dma_start3A_74 = tpu.memref_squeeze %dma_start3A_73 : memref<1x16x128xi32, #tpu.memory_space<hbm>> -> memref<16x128xi32, #tpu.memory_space<hbm>>
      tpu.enqueue_dma source(%dma_start3A_74 : memref<16x128xi32, #tpu.memory_space<hbm>>) target(%arg4 : memref<16x128xi32, #tpu.memory_space<vmem>>) target_semaphore(%run_scoped3A : memref<!tpu.dma_semaphore, #tpu.memory_space<semaphore_mem>>)
      %dma_wait3A = arith.constant 64 : i32
      %dma_wait3A_75 = arith.constant 0 : i32
      %dma_wait3A_76 = tpu.memref_slice %arg2[%add3A, %dma_wait3A, %dma_wait3A_75] : memref<32x80x128xi32, #tpu.memory_space<hbm>> -> memref<1x16x128xi32, #tpu.memory_space<hbm>>
      %dma_wait3A_77 = tpu.memref_squeeze %dma_wait3A_76 : memref<1x16x128xi32, #tpu.memory_space<hbm>> -> memref<16x128xi32, #tpu.memory_space<hbm>>
      %dma_wait3A_78 = arith.constant 64 : i32
      %dma_wait3A_79 = arith.constant 0 : i32
      %dma_wait3A_80 = tpu.memref_slice %arg2[%add3A, %dma_wait3A_78, %dma_wait3A_79] : memref<32x80x128xi32, #tpu.memory_space<hbm>> -> memref<1x16x128xi32, #tpu.memory_space<hbm>>
      %dma_wait3A_81 = tpu.memref_squeeze %dma_wait3A_80 : memref<1x16x128xi32, #tpu.memory_space<hbm>> -> memref<16x128xi32, #tpu.memory_space<hbm>>
      tpu.wait_dma2 semaphore(%run_scoped3A : memref<!tpu.dma_semaphore, #tpu.memory_space<semaphore_mem>>) src(%dma_wait3A_81 : memref<16x128xi32, #tpu.memory_space<hbm>>) dst(%arg4 : memref<16x128xi32, #tpu.memory_space<vmem>>)
      tpu.yield
    }) : () -> ()
    %scan3A_59 = arith.constant 0 : i32
    %scan3A_60 = arith.constant 0 : i32
    %scan3A_61 = arith.constant 16 : i32
    %scan3A_62 = arith.addi %scan3A_60, %scan3A_61 : i32
    %scan3A_63 = arith.constant 1 : i32
    scf.for %scan3A_68 = %scan3A_60 to %scan3A_62 step %scan3A_63  : i32 {
      "tpu.region"() ({
        %run_scoped3A = tpu.sem_alloc : memref<!tpu.dma_semaphore, #tpu.memory_space<semaphore_mem>>
        %dma_start3A = arith.constant 0 : i32
        %dma_start3A_69 = tpu.memref_slice %arg4[%scan3A_68, %dma_start3A] : memref<16x128xi32, #tpu.memory_space<vmem>> -> memref<1x128xi32, #tpu.memory_space<vmem>>
        %dma_start3A_70 = tpu.memref_squeeze %dma_start3A_69 : memref<1x128xi32, #tpu.memory_space<vmem>> -> memref<128xi32, #tpu.memory_space<vmem>>
        %dma_start3A_71 = arith.constant 0 : i32
        %dma_start3A_72 = arith.constant 0 : i32
        %dma_start3A_73 = tpu.memref_slice %arg6[%dma_start3A_71, %dma_start3A_72] : memref<10240x128xf32, #tpu.memory_space<vmem_shared>> -> memref<10240x128xf32, #tpu.memory_space<vmem_shared>>
        tpu.enqueue_indirect_dma source(%arg5 : memref<128x128xf32, #tpu.memory_space<vmem>>) target(%dma_start3A_73 : memref<10240x128xf32, #tpu.memory_space<vmem_shared>>) offsets(%dma_start3A_70 : memref<128xi32, #tpu.memory_space<vmem>>) semaphore(%run_scoped3A : memref<!tpu.dma_semaphore, #tpu.memory_space<semaphore_mem>>) {add = true}
        %dma_wait3A = arith.constant 0 : i32
        %dma_wait3A_74 = tpu.memref_slice %arg4[%scan3A_68, %dma_wait3A] : memref<16x128xi32, #tpu.memory_space<vmem>> -> memref<1x128xi32, #tpu.memory_space<vmem>>
        %dma_wait3A_75 = tpu.memref_squeeze %dma_wait3A_74 : memref<1x128xi32, #tpu.memory_space<vmem>> -> memref<128xi32, #tpu.memory_space<vmem>>
        %dma_wait3A_76 = arith.constant 0 : i32
        %dma_wait3A_77 = arith.constant 0 : i32
        %dma_wait3A_78 = tpu.memref_slice %arg6[%dma_wait3A_76, %dma_wait3A_77] : memref<10240x128xf32, #tpu.memory_space<vmem_shared>> -> memref<10240x128xf32, #tpu.memory_space<vmem_shared>>
        tpu.wait_indirect_dma semaphore(%run_scoped3A : memref<!tpu.dma_semaphore, #tpu.memory_space<semaphore_mem>>) src(%arg5 : memref<128x128xf32, #tpu.memory_space<vmem>>) dst(%dma_wait3A_78 : memref<10240x128xf32, #tpu.memory_space<vmem_shared>>)
        tpu.yield
      }) : () -> ()
    }
    %scan3A_64 = arith.constant 16 : i32
    %barrier3A_65 = arith.constant 0 : index
    tpu.barrier barrier_id(%barrier3A_65)
    %mul3A_66 = arith.constant 640 : i32
    %mul3A_67 = arith.muli %arg1, %mul3A_66 : i32
    "tpu.region"() ({
      %run_scoped3A = tpu.sem_alloc : memref<!tpu.dma_semaphore, #tpu.memory_space<semaphore_mem>>
      %dma_start3A = arith.constant 0 : i32
      %dma_start3A_68 = tpu.memref_slice %arg3[%arg0, %mul3A_67, %dma_start3A] : memref<2x10240x128xf32, #tpu.memory_space<hbm>> -> memref<1x640x128xf32, #tpu.memory_space<hbm>>
      %dma_start3A_69 = tpu.memref_squeeze %dma_start3A_68 : memref<1x640x128xf32, #tpu.memory_space<hbm>> -> memref<640x128xf32, #tpu.memory_space<hbm>>
      %dma_start3A_70 = arith.constant 0 : i32
      %dma_start3A_71 = tpu.memref_slice %arg6[%mul3A_67, %dma_start3A_70] : memref<10240x128xf32, #tpu.memory_space<vmem_shared>> -> memref<640x128xf32, #tpu.memory_space<vmem_shared>>
      tpu.enqueue_dma source(%dma_start3A_71 : memref<640x128xf32, #tpu.memory_space<vmem_shared>>) target(%dma_start3A_69 : memref<640x128xf32, #tpu.memory_space<hbm>>) target_semaphore(%run_scoped3A : memref<!tpu.dma_semaphore, #tpu.memory_space<semaphore_mem>>)
      %dma_wait3A = arith.constant 0 : i32
      %dma_wait3A_72 = tpu.memref_slice %arg3[%arg0, %mul3A_67, %dma_wait3A] : memref<2x10240x128xf32, #tpu.memory_space<hbm>> -> memref<1x640x128xf32, #tpu.memory_space<hbm>>
      %dma_wait3A_73 = tpu.memref_squeeze %dma_wait3A_72 : memref<1x640x128xf32, #tpu.memory_space<hbm>> -> memref<640x128xf32, #tpu.memory_space<hbm>>
      %dma_wait3A_74 = arith.constant 0 : i32
      %dma_wait3A_75 = tpu.memref_slice %arg6[%mul3A_67, %dma_wait3A_74] : memref<10240x128xf32, #tpu.memory_space<vmem_shared>> -> memref<640x128xf32, #tpu.memory_space<vmem_shared>>
      tpu.wait_dma2 semaphore(%run_scoped3A : memref<!tpu.dma_semaphore, #tpu.memory_space<semaphore_mem>>) src(%dma_wait3A_75 : memref<640x128xf32, #tpu.memory_space<vmem_shared>>) dst(%dma_wait3A_73 : memref<640x128xf32, #tpu.memory_space<hbm>>)
      tpu.yield
    }) : () -> ()
    return
  }
}

module attributes {stable_mosaic.version = 14 : i64} {
  func.func @_proj_body(%arg0: i32, %arg1: memref<1000x128xf32, #tpu.memory_space<vmem>>, %arg2: memref<128x128xf32, #tpu.memory_space<vmem>>, %arg3: memref<128x128xf32, #tpu.memory_space<vmem>>, %arg4: memref<1x128xf32, #tpu.memory_space<vmem>>, %arg5: memref<1000x128xf32, #tpu.memory_space<vmem>>, %arg6: memref<1000x128xf32, #tpu.memory_space<vmem>>) attributes {dimension_semantics = [#tpu.dimension_semantics<arbitrary>], iteration_bounds = array<i64: 10>, scalar_prefetch = 0 : i64, scratch_operands = 0 : i64, tpu.core_type = #tpu.core_type<tc>, window_params = [{transform_indices = @transform_0, window_bounds = array<i64: 1000, 128>}, {pipeline_mode = #tpu.pipeline_mode<synchronous>, transform_indices = @transform_1, window_bounds = array<i64: 128, 128>}, {pipeline_mode = #tpu.pipeline_mode<synchronous>, transform_indices = @transform_2, window_bounds = array<i64: 128, 128>}, {pipeline_mode = #tpu.pipeline_mode<synchronous>, transform_indices = @transform_3, window_bounds = array<i64: 1, 128>}, {transform_indices = @transform_4, window_bounds = array<i64: 1000, 128>}, {transform_indices = @transform_5, window_bounds = array<i64: 1000, 128>}]} {
    %get3A = arith.constant 0 : index
    %get3A_0 = arith.constant 0 : index
    %get3A_1 = vector.load %arg1[%get3A, %get3A_0] : memref<1000x128xf32, #tpu.memory_space<vmem>>, vector<1000x128xf32>
    %get3A_2 = arith.constant 0 : index
    %get3A_3 = arith.constant 0 : index
    %get3A_4 = vector.load %arg2[%get3A_2, %get3A_3] : memref<128x128xf32, #tpu.memory_space<vmem>>, vector<128x128xf32>
    %dot_general3A = arith.constant dense<0.000000e+00> : vector<1000x128xf32>
    %dot_general3A_5 = tpu.matmul %get3A_1, %get3A_4, %dot_general3A {dimension_numbers = #tpu.dot_dimension_numbers<[1], [1], [0], [0], [0, 0, 1, 0], [], []>, transpose_lhs_hint = false} : vector<1000x128xf32>, vector<128x128xf32>, vector<1000x128xf32> -> vector<1000x128xf32>
    %swap3A = arith.constant 0 : index
    %swap3A_6 = arith.constant 0 : index
    %swap3A_7 = vector.load %arg5[%swap3A, %swap3A_6] : memref<1000x128xf32, #tpu.memory_space<vmem>>, vector<1000x128xf32>
    tpu.vector_store %arg5[%swap3A, %swap3A_6], %dot_general3A_5 {strides = array<i32>} : memref<1000x128xf32, #tpu.memory_space<vmem>>, vector<1000x128xf32>,
    %get3A_8 = arith.constant 0 : index
    %get3A_9 = arith.constant 0 : index
    %get3A_10 = vector.load %arg3[%get3A_8, %get3A_9] : memref<128x128xf32, #tpu.memory_space<vmem>>, vector<128x128xf32>
    %dot_general3A_11 = arith.constant dense<0.000000e+00> : vector<1000x128xf32>
    %dot_general3A_12 = tpu.matmul %get3A_1, %get3A_10, %dot_general3A_11 {dimension_numbers = #tpu.dot_dimension_numbers<[1], [1], [0], [0], [0, 0, 1, 0], [], []>, transpose_lhs_hint = false} : vector<1000x128xf32>, vector<128x128xf32>, vector<1000x128xf32> -> vector<1000x128xf32>
    %get3A_13 = arith.constant 0 : index
    %get3A_14 = arith.constant 0 : index
    %get3A_15 = vector.load %arg4[%get3A_13, %get3A_14] : memref<1x128xf32, #tpu.memory_space<vmem>>, vector<1x128xf32>
    %add3A = vector.broadcast %get3A_15 : vector<1x128xf32> to vector<1000x128xf32>
    %add3A_16 = arith.addf %dot_general3A_12, %add3A : vector<1000x128xf32>
    %swap3A_17 = arith.constant 0 : index
    %swap3A_18 = arith.constant 0 : index
    %swap3A_19 = vector.load %arg6[%swap3A_17, %swap3A_18] : memref<1000x128xf32, #tpu.memory_space<vmem>>, vector<1000x128xf32>
    tpu.vector_store %arg6[%swap3A_17, %swap3A_18], %add3A_16 {strides = array<i32>} : memref<1000x128xf32, #tpu.memory_space<vmem>>, vector<1000x128xf32>,
    return
  }
  func.func @transform_0(%arg0: i32) -> (i32, i32) {
    %c0_i32 = arith.constant 0 : i32
    %c0_i32_0 = arith.constant 0 : i32
    return %arg0, %c0_i32 : i32, i32
  }
  func.func @transform_1(%arg0: i32) -> (i32, i32) {
    %c0_i32 = arith.constant 0 : i32
    %c0_i32_0 = arith.constant 0 : i32
    %c0_i32_1 = arith.constant 0 : i32
    return %c0_i32, %c0_i32_0 : i32, i32
  }
  func.func @transform_2(%arg0: i32) -> (i32, i32) {
    %c0_i32 = arith.constant 0 : i32
    %c0_i32_0 = arith.constant 0 : i32
    %c0_i32_1 = arith.constant 0 : i32
    return %c0_i32, %c0_i32_0 : i32, i32
  }
  func.func @transform_3(%arg0: i32) -> (i32, i32) {
    %c0_i32 = arith.constant 0 : i32
    %c0_i32_0 = arith.constant 0 : i32
    %c0_i32_1 = arith.constant 0 : i32
    return %c0_i32, %c0_i32_0 : i32, i32
  }
  func.func @transform_4(%arg0: i32) -> (i32, i32) {
    %c0_i32 = arith.constant 0 : i32
    %c0_i32_0 = arith.constant 0 : i32
    return %arg0, %c0_i32 : i32, i32
  }
  func.func @transform_5(%arg0: i32) -> (i32, i32) {
    %c0_i32 = arith.constant 0 : i32
    %c0_i32_0 = arith.constant 0 : i32
    return %arg0, %c0_i32 : i32, i32
  }
}

module attributes {stable_mosaic.version = 14 : i64} {
  func.func @_mid_body(%arg0: i32, %arg1: memref<2x1000x128xf32, #tpu.memory_space<vmem>>, %arg2: memref<2x1000x128xf32, #tpu.memory_space<vmem>>, %arg3: memref<1000x128xf32, #tpu.memory_space<vmem>>, %arg4: memref<128x128xf32, #tpu.memory_space<vmem>>, %arg5: memref<128x128xf32, #tpu.memory_space<vmem>>, %arg6: memref<1x128xf32, #tpu.memory_space<vmem>>, %arg7: memref<1000x128xf32, #tpu.memory_space<vmem>>, %arg8: memref<1000x128xf32, #tpu.memory_space<vmem>>) attributes {dimension_semantics = [#tpu.dimension_semantics<arbitrary>], iteration_bounds = array<i64: 10>, scalar_prefetch = 0 : i64, scratch_operands = 0 : i64, tpu.core_type = #tpu.core_type<tc>, window_params = [{transform_indices = @transform_0, window_bounds = array<i64: 2, 1000, 128>}, {transform_indices = @transform_1, window_bounds = array<i64: 2, 1000, 128>}, {transform_indices = @transform_2, window_bounds = array<i64: 1000, 128>}, {pipeline_mode = #tpu.pipeline_mode<synchronous>, transform_indices = @transform_3, window_bounds = array<i64: 128, 128>}, {pipeline_mode = #tpu.pipeline_mode<synchronous>, transform_indices = @transform_4, window_bounds = array<i64: 128, 128>}, {pipeline_mode = #tpu.pipeline_mode<synchronous>, transform_indices = @transform_5, window_bounds = array<i64: 1, 128>}, {transform_indices = @transform_6, window_bounds = array<i64: 1000, 128>}, {transform_indices = @transform_7, window_bounds = array<i64: 1000, 128>}]} {
    %get3A = arith.constant 0 : index
    %get3A_0 = arith.constant 0 : index
    %get3A_1 = arith.constant 0 : index
    %get3A_2 = vector.load %arg2[%get3A, %get3A_0, %get3A_1] : memref<2x1000x128xf32, #tpu.memory_space<vmem>>, vector<1x1000x128xf32>
    %get3A_3 = vector.shape_cast %get3A_2 : vector<1x1000x128xf32> to vector<1000x128xf32>
    %get3A_4 = arith.constant 1 : index
    %get3A_5 = arith.constant 0 : index
    %get3A_6 = arith.constant 0 : index
    %get3A_7 = vector.load %arg2[%get3A_4, %get3A_5, %get3A_6] : memref<2x1000x128xf32, #tpu.memory_space<vmem>>, vector<1x1000x128xf32>
    %get3A_8 = vector.shape_cast %get3A_7 : vector<1x1000x128xf32> to vector<1000x128xf32>
    %add3A = arith.addf %get3A_3, %get3A_8 : vector<1000x128xf32>
    %max3A = arith.constant 1.000000e+00 : f32
    %max3A_9 = vector.broadcast %max3A : f32 to vector<1000x128xf32>
    %max3A_10 = arith.maximumf %add3A, %max3A_9 : vector<1000x128xf32>
    %get3A_11 = arith.constant 0 : index
    %get3A_12 = arith.constant 0 : index
    %get3A_13 = arith.constant 0 : index
    %get3A_14 = vector.load %arg1[%get3A_11, %get3A_12, %get3A_13] : memref<2x1000x128xf32, #tpu.memory_space<vmem>>, vector<1x1000x128xf32>
    %get3A_15 = vector.shape_cast %get3A_14 : vector<1x1000x128xf32> to vector<1000x128xf32>
    %get3A_16 = arith.constant 1 : index
    %get3A_17 = arith.constant 0 : index
    %get3A_18 = arith.constant 0 : index
    %get3A_19 = vector.load %arg1[%get3A_16, %get3A_17, %get3A_18] : memref<2x1000x128xf32, #tpu.memory_space<vmem>>, vector<1x1000x128xf32>
    %get3A_20 = vector.shape_cast %get3A_19 : vector<1x1000x128xf32> to vector<1000x128xf32>
    %add3A_21 = arith.addf %get3A_15, %get3A_20 : vector<1000x128xf32>
    %div3A = arith.divf %add3A_21, %max3A_10 : vector<1000x128xf32>
    %get3A_22 = arith.constant 0 : index
    %get3A_23 = arith.constant 0 : index
    %get3A_24 = vector.load %arg3[%get3A_22, %get3A_23] : memref<1000x128xf32, #tpu.memory_space<vmem>>, vector<1000x128xf32>
    %add3A_25 = arith.addf %div3A, %get3A_24 : vector<1000x128xf32>
    %max3A_26 = arith.constant 0.000000e+00 : f32
    %max3A_27 = vector.broadcast %max3A_26 : f32 to vector<1000x128xf32>
    %max3A_28 = arith.maximumf %add3A_25, %max3A_27 : vector<1000x128xf32>
    %get3A_29 = arith.constant 0 : index
    %get3A_30 = arith.constant 0 : index
    %get3A_31 = vector.load %arg4[%get3A_29, %get3A_30] : memref<128x128xf32, #tpu.memory_space<vmem>>, vector<128x128xf32>
    %dot_general3A = arith.constant dense<0.000000e+00> : vector<1000x128xf32>
    %dot_general3A_32 = tpu.matmul %max3A_28, %get3A_31, %dot_general3A {dimension_numbers = #tpu.dot_dimension_numbers<[1], [1], [0], [0], [0, 0, 1, 0], [], []>, transpose_lhs_hint = false} : vector<1000x128xf32>, vector<128x128xf32>, vector<1000x128xf32> -> vector<1000x128xf32>
    %swap3A = arith.constant 0 : index
    %swap3A_33 = arith.constant 0 : index
    %swap3A_34 = vector.load %arg7[%swap3A, %swap3A_33] : memref<1000x128xf32, #tpu.memory_space<vmem>>, vector<1000x128xf32>
    tpu.vector_store %arg7[%swap3A, %swap3A_33], %dot_general3A_32 {strides = array<i32>} : memref<1000x128xf32, #tpu.memory_space<vmem>>, vector<1000x128xf32>,
    %get3A_35 = arith.constant 0 : index
    %get3A_36 = arith.constant 0 : index
    %get3A_37 = vector.load %arg5[%get3A_35, %get3A_36] : memref<128x128xf32, #tpu.memory_space<vmem>>, vector<128x128xf32>
    %dot_general3A_38 = arith.constant dense<0.000000e+00> : vector<1000x128xf32>
    %dot_general3A_39 = tpu.matmul %max3A_28, %get3A_37, %dot_general3A_38 {dimension_numbers = #tpu.dot_dimension_numbers<[1], [1], [0], [0], [0, 0, 1, 0], [], []>, transpose_lhs_hint = false} : vector<1000x128xf32>, vector<128x128xf32>, vector<1000x128xf32> -> vector<1000x128xf32>
    %get3A_40 = arith.constant 0 : index
    %get3A_41 = arith.constant 0 : index
    %get3A_42 = vector.load %arg6[%get3A_40, %get3A_41] : memref<1x128xf32, #tpu.memory_space<vmem>>, vector<1x128xf32>
    %add3A_43 = vector.broadcast %get3A_42 : vector<1x128xf32> to vector<1000x128xf32>
    %add3A_44 = arith.addf %dot_general3A_39, %add3A_43 : vector<1000x128xf32>
    %swap3A_45 = arith.constant 0 : index
    %swap3A_46 = arith.constant 0 : index
    %swap3A_47 = vector.load %arg8[%swap3A_45, %swap3A_46] : memref<1000x128xf32, #tpu.memory_space<vmem>>, vector<1000x128xf32>
    tpu.vector_store %arg8[%swap3A_45, %swap3A_46], %add3A_44 {strides = array<i32>} : memref<1000x128xf32, #tpu.memory_space<vmem>>, vector<1000x128xf32>,
    return
  }
  func.func @transform_0(%arg0: i32) -> (i32, i32, i32) {
    %c0_i32 = arith.constant 0 : i32
    %c0_i32_0 = arith.constant 0 : i32
    %c0_i32_1 = arith.constant 0 : i32
    return %c0_i32, %arg0, %c0_i32_0 : i32, i32, i32
  }
  func.func @transform_1(%arg0: i32) -> (i32, i32, i32) {
    %c0_i32 = arith.constant 0 : i32
    %c0_i32_0 = arith.constant 0 : i32
    %c0_i32_1 = arith.constant 0 : i32
    return %c0_i32, %arg0, %c0_i32_0 : i32, i32, i32
  }
  func.func @transform_2(%arg0: i32) -> (i32, i32) {
    %c0_i32 = arith.constant 0 : i32
    %c0_i32_0 = arith.constant 0 : i32
    return %arg0, %c0_i32 : i32, i32
  }
  func.func @transform_3(%arg0: i32) -> (i32, i32) {
    %c0_i32 = arith.constant 0 : i32
    %c0_i32_0 = arith.constant 0 : i32
    %c0_i32_1 = arith.constant 0 : i32
    return %c0_i32, %c0_i32_0 : i32, i32
  }
  func.func @transform_4(%arg0: i32) -> (i32, i32) {
    %c0_i32 = arith.constant 0 : i32
    %c0_i32_0 = arith.constant 0 : i32
    %c0_i32_1 = arith.constant 0 : i32
    return %c0_i32, %c0_i32_0 : i32, i32
  }
  func.func @transform_5(%arg0: i32) -> (i32, i32) {
    %c0_i32 = arith.constant 0 : i32
    %c0_i32_0 = arith.constant 0 : i32
    %c0_i32_1 = arith.constant 0 : i32
    return %c0_i32, %c0_i32_0 : i32, i32
  }
  func.func @transform_6(%arg0: i32) -> (i32, i32) {
    %c0_i32 = arith.constant 0 : i32
    %c0_i32_0 = arith.constant 0 : i32
    return %arg0, %c0_i32 : i32, i32
  }
  func.func @transform_7(%arg0: i32) -> (i32, i32) {
    %c0_i32 = arith.constant 0 : i32
    %c0_i32_0 = arith.constant 0 : i32
    return %arg0, %c0_i32 : i32, i32
  }
}

module attributes {stable_mosaic.version = 14 : i64} {
  func.func @_final_body(%arg0: i32, %arg1: memref<2x1000x128xf32, #tpu.memory_space<vmem>>, %arg2: memref<2x1000x128xf32, #tpu.memory_space<vmem>>, %arg3: memref<1000x128xf32, #tpu.memory_space<vmem>>, %arg4: memref<1000x128xf32, #tpu.memory_space<vmem>>) attributes {dimension_semantics = [#tpu.dimension_semantics<arbitrary>], iteration_bounds = array<i64: 10>, scalar_prefetch = 0 : i64, scratch_operands = 0 : i64, tpu.core_type = #tpu.core_type<tc>, window_params = [{transform_indices = @transform_0, window_bounds = array<i64: 2, 1000, 128>}, {transform_indices = @transform_1, window_bounds = array<i64: 2, 1000, 128>}, {transform_indices = @transform_2, window_bounds = array<i64: 1000, 128>}, {transform_indices = @transform_3, window_bounds = array<i64: 1000, 128>}]} {
    %get3A = arith.constant 0 : index
    %get3A_0 = arith.constant 0 : index
    %get3A_1 = arith.constant 0 : index
    %get3A_2 = vector.load %arg2[%get3A, %get3A_0, %get3A_1] : memref<2x1000x128xf32, #tpu.memory_space<vmem>>, vector<1x1000x128xf32>
    %get3A_3 = vector.shape_cast %get3A_2 : vector<1x1000x128xf32> to vector<1000x128xf32>
    %get3A_4 = arith.constant 1 : index
    %get3A_5 = arith.constant 0 : index
    %get3A_6 = arith.constant 0 : index
    %get3A_7 = vector.load %arg2[%get3A_4, %get3A_5, %get3A_6] : memref<2x1000x128xf32, #tpu.memory_space<vmem>>, vector<1x1000x128xf32>
    %get3A_8 = vector.shape_cast %get3A_7 : vector<1x1000x128xf32> to vector<1000x128xf32>
    %add3A = arith.addf %get3A_3, %get3A_8 : vector<1000x128xf32>
    %max3A = arith.constant 1.000000e+00 : f32
    %max3A_9 = vector.broadcast %max3A : f32 to vector<1000x128xf32>
    %max3A_10 = arith.maximumf %add3A, %max3A_9 : vector<1000x128xf32>
    %get3A_11 = arith.constant 0 : index
    %get3A_12 = arith.constant 0 : index
    %get3A_13 = arith.constant 0 : index
    %get3A_14 = vector.load %arg1[%get3A_11, %get3A_12, %get3A_13] : memref<2x1000x128xf32, #tpu.memory_space<vmem>>, vector<1x1000x128xf32>
    %get3A_15 = vector.shape_cast %get3A_14 : vector<1x1000x128xf32> to vector<1000x128xf32>
    %get3A_16 = arith.constant 1 : index
    %get3A_17 = arith.constant 0 : index
    %get3A_18 = arith.constant 0 : index
    %get3A_19 = vector.load %arg1[%get3A_16, %get3A_17, %get3A_18] : memref<2x1000x128xf32, #tpu.memory_space<vmem>>, vector<1x1000x128xf32>
    %get3A_20 = vector.shape_cast %get3A_19 : vector<1x1000x128xf32> to vector<1000x128xf32>
    %add3A_21 = arith.addf %get3A_15, %get3A_20 : vector<1000x128xf32>
    %div3A = arith.divf %add3A_21, %max3A_10 : vector<1000x128xf32>
    %get3A_22 = arith.constant 0 : index
    %get3A_23 = arith.constant 0 : index
    %get3A_24 = vector.load %arg3[%get3A_22, %get3A_23] : memref<1000x128xf32, #tpu.memory_space<vmem>>, vector<1000x128xf32>
    %add3A_25 = arith.addf %div3A, %get3A_24 : vector<1000x128xf32>
    %swap3A = arith.constant 0 : index
    %swap3A_26 = arith.constant 0 : index
    %swap3A_27 = vector.load %arg4[%swap3A, %swap3A_26] : memref<1000x128xf32, #tpu.memory_space<vmem>>, vector<1000x128xf32>
    tpu.vector_store %arg4[%swap3A, %swap3A_26], %add3A_25 {strides = array<i32>} : memref<1000x128xf32, #tpu.memory_space<vmem>>, vector<1000x128xf32>,
    return
  }
  func.func @transform_0(%arg0: i32) -> (i32, i32, i32) {
    %c0_i32 = arith.constant 0 : i32
    %c0_i32_0 = arith.constant 0 : i32
    %c0_i32_1 = arith.constant 0 : i32
    return %c0_i32, %arg0, %c0_i32_0 : i32, i32, i32
  }
  func.func @transform_1(%arg0: i32) -> (i32, i32, i32) {
    %c0_i32 = arith.constant 0 : i32
    %c0_i32_0 = arith.constant 0 : i32
    %c0_i32_1 = arith.constant 0 : i32
    return %c0_i32, %arg0, %c0_i32_0 : i32, i32, i32
  }
  func.func @transform_2(%arg0: i32) -> (i32, i32) {
    %c0_i32 = arith.constant 0 : i32
    %c0_i32_0 = arith.constant 0 : i32
    return %arg0, %c0_i32 : i32, i32
  }
  func.func @transform_3(%arg0: i32) -> (i32, i32) {
    %c0_i32 = arith.constant 0 : i32
    %c0_i32_0 = arith.constant 0 : i32
    return %arg0, %c0_i32 : i32, i32
  }
}

</mosaic_0001>

<sc_bundles>
// kernel: kernel.11.cloned.1.call-start
scs
__scs_entry_jumppad:
0x0: {  	(pc) =	sbr.rel $0x88, $3  }
0x1: {  	(tag) =	ssettag $0x0;
	lr =	simm.s32 $0x1  }
0x2: {  	[smem:$0x3F99] =	sst lr;
	_ =	strace $0xD0000000  }
0x3: {  	_ = 	snop  }
0x4: {  	_ = 	snop  }
0x5: {  	_ = 	snop  }
0x6: {  	_ = 	snop  }
0x7: {  	_ = 	snop  }
__scs_overlays_trampoline_lowered:
0x8: {  	[smem:$0x3FA8] =	sst s0  }
0x9: {  	[smem:$0x3FA9] =	sst s1  }
0xa: {  	[smem:$0x3FAA] =	sst s2  }
0xb: {  	[smem:$0x3FAB] =	sst s3  }
0xc: {  	[smem:$0x3FAC] =	sst s4  }
0xd: {  	[smem:$0x3FAD] =	sst s5  }
0xe: {  	[smem:$0x3FAE] =	sst s6  }
0xf: {  	[smem:$0x3FAF] =	sst s7  }
0x10: {  	[smem:$0x3FB0] =	sst s8  }
0x11: {  	[smem:$0x3FB1] =	sst s9;
	s0 =	simm.s32 @!p0 $0x0  }
0x12: {  	s1 =	sld [smem:$0x3F97];
	s0 =	simm.s32 @p0 $0x1  }
0x13: {  	[smem:$0x3FB2] =	sst s0;
	s0 =	simm.s32 @!p1 $0x0  }
0x14: {  	s2 =	sld [smem:$0x3F96];
	s0 =	simm.s32 @p1 $0x1  }
0x15: {  	[smem:$0x3FB3] =	sst s0;
	s0 =	simm.s32 @!p2 $0x0  }
0x16: {  	s3 =	sld [smem:$0x3FDB];
	s0 =	simm.s32 @p2 $0x1  }
0x17: {  	s4 =	simm.s32 $0x1BF5;
	[smem:$0x3FB5] =	sst s0  }
0x18: {  	s0 =	sld [smem:$0x3F98];
	_ =	swait.ge [sflag:s4], $0x0  }
0x19: {  	s7 =	sld [smem:$0x3F99]  }
0x1a: {  	s8 =	sadd.s32 $0xFFFFE003, lr  }
0x1b: {  	s9 =	sadd.s32 $0xFFFFFEF7, lr;
	s5 =	simm.s32 $0xFFFFFFFF;
	p2 =	slt.u32 s8, $0xFFFFF086  }
0x1c: {  	p1 =	slt.u32 s9, $0xF7A;
	s5 =	simm.s32 @!p2 $0x0  }
0x1d: {  	s5 =	simm.s32 @p1 $0x1;
	p0 =	seq.s32 s7, s2  }
0x1e: {  	s7 =	smul.u32 @!p0 $0xF7A, s2;
	p2 =	seq.s32 @!p0 s5, $0x0  }
0x1f: {  	s9 =	smul.u32 $0xF7A, s1;
	s8 =	simm.s32 @!p0 $0x1BF5;
	p2 =	por !p2, p0  }
0x20: {  	[sflag:s8] =	ssyncset.s32 @!p0 $0xFFFFF086;
	s6 =	sadd.s32 @!p0 s3, s7;
	s7 =	simm.s32 @!p0 $0x108  }
0x21: {  	s3 =	sadd.s32 s3, s9;
	s6 =	sadd.s32 @!p0 $0x88, s6;
	s7 =	simm.s32 @p2 $0x1082  }
0x22: {  	[simem:s7], [sflag:s8] =	dma.local @!p0 [hbm:s6], $0xF7A  }
0x23: {  	s9 =	sor.u32 $0xD0000000, s2;
	s6 =	simm.s32 $0x108;
	_ =	swait.ge @!p0 [sflag:s8], $0x0  }
0x24: {  	s3 =	sadd.s32 $0x88, s3;
	s6 =	simm.s32 @!p1 $0x1082;
	[sflag:s4] =	ssyncset.s32 $0xFFFFF086  }
0x25: {  	[simem:s6], [sflag:s4] =	dma.local [hbm:s3], $0xF7A  }
0x26: {  	[smem:$0x3F99] =	sst s1;
	(tag) =	ssettag s2;
	_ =	strace s9  }
0x27: {  	s1 =	sld [smem:$0x3FA9]  }
0x28: {  	s2 =	sld [smem:$0x3FAA]  }
0x29: {  	s4 =	sld [smem:$0x3FAC]  }
0x2a: {  	p0 =	seq.s32 s5, $0x0;
	s5 =	sld [smem:$0x3FAD]  }
0x2b: {  	s6 =	sld [smem:$0x3FAE]  }
0x2c: {  	s7 =	sld [smem:$0x3FAF]  }
0x2d: {  	s3 =	simm.s32 $0x108;
	s8 =	sld [smem:$0x3FB0]  }
0x2e: {  	s3 =	simm.s32 @!p0 $0x1082;
	s9 =	sld [smem:$0x3FB1]  }
0x2f: {  	lr =	sadd.s32 s0, s3;
	s0 =	sld [smem:$0x3FA8]  }
0x30: {  	s3 =	sld [smem:$0x3FAB]  }
0x31: {  	[smem:$0x3FB4] =	sst s10  }
0x32: {  	s10 =	sld [smem:$0x3FB2];
	_ =	sdelay $0x3  }
0x33: {  	p0 =	seq.s32 s10, $0x1;
	s10 =	sld [smem:$0x3FB4];
	_ =	sdelay $0x3  }
0x34: {  	[smem:$0x3FB4] =	sst s10  }
0x35: {  	s10 =	sld [smem:$0x3FB3];
	_ =	sdelay $0x3  }
0x36: {  	p1 =	seq.s32 s10, $0x1;
	s10 =	sld [smem:$0x3FB4];
	_ =	sdelay $0x3  }
0x37: {  	[smem:$0x3FB4] =	sst s10  }
0x38: {  	s10 =	sld [smem:$0x3FB5]  }
0x39: {  	_ = 	snop;
	(pc) =	sbr.ind lr, $3  }
0x3a: {  	_ = 	snop  }
0x3b: {  	_ = 	snop  }
0x3c: {  	p2 =	seq.s32 s10, $0x1;
	s10 =	sld [smem:$0x3FB4]  }
0x3d: {  	_ =	shalt  }
0x3e: {  	_ =	shalt  }
0x3f: {  	_ =	shalt  }
0x40: {  	_ =	shalt  }
0x41: {  	_ =	shalt  }
0x42: {  	_ =	shalt  }
0x43: {  	_ =	shalt  }
0x44: {  	_ =	shalt  }
0x45: {  	_ =	shalt  }
0x46: {  	_ =	shalt  }
0x47: {  	_ =	shalt  }
0x48: {  	_ =	shalt  }
0x49: {  	_ =	shalt  }
0x4a: {  	_ =	shalt  }
0x4b: {  	_ =	shalt  }
0x4c: {  	_ =	shalt  }
0x4d: {  	_ =	shalt  }
0x4e: {  	_ =	shalt  }
0x4f: {  	_ =	shalt  }
0x50: {  	_ =	shalt  }
0x51: {  	_ =	shalt  }
0x52: {  	_ =	shalt  }
0x53: {  	_ =	shalt  }
0x54: {  	_ =	shalt  }
0x55: {  	_ =	shalt  }
0x56: {  	_ =	shalt  }
0x57: {  	_ =	shalt  }
0x58: {  	_ =	shalt  }
0x59: {  	_ =	shalt  }
0x5a: {  	_ =	shalt  }
0x5b: {  	_ =	shalt  }
0x5c: {  	_ =	shalt  }
0x5d: {  	_ =	shalt  }
0x5e: {  	_ =	shalt  }
0x5f: {  	_ =	shalt  }
0x60: {  	_ =	shalt  }
0x61: {  	_ =	shalt  }
0x62: {  	_ =	shalt  }
0x63: {  	_ =	shalt  }
0x64: {  	_ =	shalt  }
0x65: {  	_ =	shalt  }
0x66: {  	_ =	shalt  }
0x67: {  	_ =	shalt  }
0x68: {  	_ =	shalt  }
0x69: {  	_ =	shalt  }
0x6a: {  	_ =	shalt  }
0x6b: {  	_ =	shalt  }
0x6c: {  	_ =	shalt  }
0x6d: {  	_ =	shalt  }
0x6e: {  	_ =	shalt  }
0x6f: {  	_ =	shalt  }
0x70: {  	_ =	shalt  }
0x71: {  	_ =	shalt  }
0x72: {  	_ =	shalt  }
0x73: {  	_ =	shalt  }
0x74: {  	_ =	shalt  }
0x75: {  	_ =	shalt  }
0x76: {  	_ =	shalt  }
0x77: {  	_ =	shalt  }
0x78: {  	_ =	shalt  }
0x79: {  	_ =	shalt  }
0x7a: {  	_ =	shalt  }
0x7b: {  	_ =	shalt  }
0x7c: {  	_ =	shalt  }
0x7d: {  	_ =	shalt  }
0x7e: {  	_ =	shalt  }
0x7f: {  	_ =	shalt  }
0x80: {  	_ =	shalt  }
0x81: {  	_ =	shalt  }
0x82: {  	_ =	shalt  }
0x83: {  	_ =	shalt  }
0x84: {  	_ =	shalt  }
0x85: {  	_ =	shalt  }
0x86: {  	_ =	shalt  }
0x87: {  	_ =	shalt  }
.Lfunc_end0:
.L_simem_size_0:
called_computation.1_lowered:
.L_overlay_start_0:
0x88: {  	s2 =	sld [smem:$0x3FD9]  }
0x89: {  	s3 =	sld [smem:$0x3FFE];
	_ =	sdelay $0x1  }
0x8a: {  	s1 =	srdreg.scid  }
0x8b: {  	s0 =	sand.u32 $0x1, s1  }
0x8c: {  	s17 =	sshll.u32 s0, $0xA;
	s2 =	sadd.s32 s3, s2  }
0x8d: {  	s2 =	sadd.s32 s2, s17  }
0x8e: {  	[smem:$0x3FC0] =	sst s2  }
0x8f: {  	_ = 	snop  }
0x90: {  	s2 =	sld [smem:$0x3FD0];
	(tm) =	ssettm $0x1  }
0x91: {  	s18 =	sld [smem:$0x3FFB];
	_ =	sdelay $0x3  }
0x92: {  	_ =	strace s18  }
0x93: {  	s3 =	sld [smem:$0x3FFC];
	_ =	sdelay $0x3  }
0x94: {  	_ =	strace s3  }
0x95: {  	s3 =	sld [smem:$0x3FFD];
	_ =	sdelay $0x3  }
0x96: {  	_ =	strace s3  }
0x97: {  	_ =	strace $0x8FFFFFFF  }
0x98: {  	s19 =	sld [smem:$0x3FDB];
	_ =	sdelay $0x1  }
0x99: {  	s4 =	simm.s32 $_scs_section_size  }
0x9a: {  	s5 =	simm.s32 $_size__tile_overlayer_lowered;
	s6 =	simm.s32 $_tile_overlayer_lowered  }
0x9b: {  	s22 =	simm.s32 $0x1BFF;
	s21 =	sshll.u32 s6, $0x1;
	s3 =	sadd.s32 s4, s19  }
0x9c: {  	s7 =	simm.s32 $0x0;
	s20 =	sshll.u32 s5, $0x1;
	s5 =	sadd.s32 s21, s3  }
0x9d: {  	[timem:s7], [sflag:s22] =	dma.local [hbm:s5], s20  }
0x9e: {  	_ =	swait.ge [sflag:s22], s20  }
0x9f: {  	s4 =	ssub.s32 $0x0, s20;
	[sflag:s22] =	ssyncset.done $0x0  }
0xa0: {  	[sflag:s22] =	ssyncadd.s32 s4;
	_ =	sdelay $0x1  }
0xa1: {  	s23 =	simm.s32 $0x1B8B  }
0xa2: {  	_ =	swait.ge [sflag:s23], $0x1  }
0xa3: {  	[sflag:s23] =	ssyncset.done $0x0  }
0xa4: {  	s25 =	simm.s32 $0x1B8E;
	s24 =	sld [smem:$0x3FFE];
	[sflag:s23] =	ssyncadd.s32 $0xFFFFFFFF  }
0xa5: {  	s26 =	simm.s32 $execute0_lowered;
	[smem:$0x3FD2] =	sst s25  }
0xa6: {  	s5 =	sshll.u32 s26, $0x1;
	_ =	strace $0x80000046;
	[dreg:$0x1] =	wrdreg $0xFFFFFFFF  }
0xa7: {  	s28 =	simm.s32 $_size_execute0_lowered;
	s3 =	sadd.s32 s3, s5;
	[dreg:$0x0] =	wrdreg $0x0  }
0xa8: {  	s5 =	sshll.u32 s28, $0x1;
	[dreg:$0x2] =	wrdreg s3  }
0xa9: {  	[dreg:$0x3] =	wrdreg s5  }
0xaa: {  	[dreg:$0x4] =	wrdreg $0xC0  }
0xab: {  	_ =	task [dreg:s7], $0x5FFFF  }
0xac: {  	[dreg:$0x1] =	wrdreg $0xFFFFFFFF  }
0xad: {  	[dreg:$0x0] =	wrdreg $0x60  }
0xae: {  	[dreg:$0x2] =	wrdreg s2  }
0xaf: {  	[dreg:$0x3] =	wrdreg s24  }
0xb0: {  	[dreg:$0x4] =	wrdreg $0x50000  }
0xb1: {  	[dreg:$0x5] =	wrdreg $0xA  }
0xb2: {  	_ =	task.clear_ibuf [dreg:s7], $0x6FFFF;
	_ =	strace $0x90000046  }
0xb3: {  	s29 =	simm.s32 $0xA;
	_ =	strace $0x80000048  }
0xb4: {  	_ =	swait.ge [sflag:s29], $0x1  }
0xb5: {  	[sflag:s29] =	ssyncadd.s32 $0xFFFFFFFF  }
0xb6: {  	_ =	strace $0x90000048  }
0xb7: {  	_ =	sfence  }
0xb8: {  	s30 =	sld [smem:$0x0];
	_ =	sdelay $0x2  }
0xb9: {  	s31 =	sshll.u32 s1, $0xD;
	s1 =	sshrl.u32 s1, $0x2  }
0xba: {  	s3 =	sand.u32 $0x4000, s31;
	s1 =	sadd.s32 s1, s30  }
0xbb: {  	s0 =	sor.u32 s3, s0;
	s1 =	sshll.u32 s1, $0x11  }
0xbc: {  	s0 =	sor.u32 s1, s0  }
0xbd: {  	s0 =	sadd.s32 $0x8F2B, s0  }
0xbe: {  	[sflag:s0] =	ssyncadd.remote.s32 $0x1  }
0xbf: {  	_ =	sfence.sel $0xFFFF  }
0xc0: {  	[dreg:$0x0] =	wrdreg $0xFFFFFFFF;
	(pc) =	sbr.abs _section_cstart, $3  }
0xc1: {  	[dreg:$0x1] =	wrdreg $0xFFFFFFFF  }
0xc2: {  	_ =	task.clear_ibuf [dreg:s7], $0x2FFFF;
	_ =	strace $0x9FFFFFFF  }
0xc3: {  	(tm) =	ssettm $0x7FFFFFFF  }
tec
execute0_lowered:
.L_overlay_start_1:
0x0: {  	(tag) =	ssettag $0x1  }
0x1: {  	s0 =	rddreg [dreg:$0x0]  }
0x2: {  	s5 =	rddreg [dreg:$0x1]  }
0x3: {  	s1 =	srdreg.scid;
	s3 =	rddreg [dreg:$0x2]  }
0x4: {  	s2 =	stileid.u32;
	s4 =	simm.s32 $0x0;
	s23 =	simm.s32 $0x2  }
0x5: {  	s24 =	simm.s32 $0x800;
	s6 =	sand.u32 $0x1, s1;
	s1 =	rddreg [dreg:$0x3]  }
0x6: {  	s25 =	simm.s32 $0x80;
	s8 =	smul.u32 $0x14000, s2;
	[smem:$0x7FF] =	sst s4  }
0x7: {  	s18 =	sadd.s32 $0x2800, s5;
	s26 =	smul.u32 $0x50000, s2;
	s19 =	sadd.s32 $0xC800, s5  }
0x8: {  	s28 =	sshll.u32 s2, $0x1;
	s7 =	smul.u32 $0x140000, s6;
	_ =	strace $0x80000047  }
0x9: {  	s29 =	ssub.s32 $0x2, s6;
	s6 =	sor.u32 s6, s28;
	s30 =	sshrl.u32 s26, $0x2  }
0xa: {  	s31 =	sshrl.u32 s29, $0x1;
	s10 =	smul.u32 $0x2800, s6;
	s7 =	sadd.s32 s8, s7  }
0xb: {  	s26 =	simm.s32 $0x1;
	s21 =	ssub.s32 s29, s31;
	s7 =	sshrl.u32 s7, $0x3  }
0xc: {  	s22 =	sshrl.u32 s10, $0x3;
	s21 =	smax.u32 s21, $0x1;
	s20 =	sadd.s32 s7, s5  }
0xd: {  	s5 =	sadd.s32 s30, s3;
	s10 =	sadd.s32 s18, s22;
	s11 =	sadd.s32 s19, s22  }
0xe: {  	s13 =	sadd.s32 $0x100, s22;
	s15 =	sadd.s32 $0x200, s22;
	s17 =	sadd.s32 $0x300, s22  }
0xf: {  	s22 =	sadd.s32 $0x400, s22;
	s6 =	sadd.s32 $0x4000, s5;
	s7 =	sadd.s32 $0x8000, s5  }
0x10: {  	s8 =	sadd.s32 $0xC000, s5;
	s9 =	sadd.s32 $0x10000, s5;
	s12 =	sadd.s32 s18, s13  }
0x11: {  	s13 =	sadd.s32 s19, s13;
	s14 =	sadd.s32 s18, s15;
	s15 =	sadd.s32 s19, s15  }
0x12: {  	s16 =	sadd.s32 s18, s17;
	s17 =	sadd.s32 s19, s17;
	s18 =	sadd.s32 s18, s22  }
0x13: {  	v0 =	vimm.f32 $0.0e+00;
	s19 =	sadd.s32 s19, s22;
	s20 =	sadd.s32 $0x16800, s20;
	s22 =	simm.s32 $0x1000  }
.LBB2_1:
0x14: {  	s28 =	simm.s32 $0x0;
	s29 =	simm.s32 $0x200  }
.LBB2_2:
0x15: {  	p0 =	sne.s32 s29, $0xFE00;
	[tilespmem:s28+$0x1070] =	vst v0  }
0x16: {  	[tilespmem:s28+$0x1000] =	vst v0  }
0x17: {  	[tilespmem:s28+$0x1010] =	vst v0  }
.Ltmp0:
0x18: {  	[tilespmem:s28+$0x1020] =	vst v0;
	(pc) =	sbr.rel @p0 .LBB2_2-.Ltmp0, $4  }
0x19: {  	[tilespmem:s28+$0x1030] =	vst v0  }
0x1a: {  	[tilespmem:s28+$0x1040] =	vst v0  }
0x1b: {  	[tilespmem:s28+$0x1050] =	vst v0  }
0x1c: {  	[tilespmem:s28+$0x1060] =	vst v0;
	s28 =	sshra.s32 s29, $0x2;
	s29 =	sadd.s32 $0x200, s29  }
0x1d: {  	[tilespmem:s28+$0x1070] =	vst v0  }
0x1e: {  	[tilespmem:s28+$0x1000] =	vst v0  }
0x1f: {  	[tilespmem:s28+$0x1010] =	vst v0  }
0x20: {  	[tilespmem:s28+$0x1020] =	vst v0  }
0x21: {  	[tilespmem:s28+$0x1030] =	vst v0  }
0x22: {  	[tilespmem:s28+$0x1040] =	vst v0  }
0x23: {  	[tilespmem:s28+$0x1050] =	vst v0  }
0x24: {  	[tilespmem:s28+$0x1060] =	vst v0  }
0x25: {  	[spmem:s5] =	stream.linear.scatter [tilespmem:s22], [sflag:$0x2], $0x4000, $0x38;
	[tilespmem:$0x19000] =	vst v63  }
0x26: {  	_ =	swait.ge [sflag:s23], $0x4000  }
0x27: {  	[sflag:s23] =	ssyncset.done $0x0  }
0x28: {  	[sflag:s23] =	ssyncadd.s32 $0xFFFFC000  }
0x29: {  	[spmem:s6] =	stream.linear.scatter [tilespmem:s22], [sflag:$0x2], $0x4000, $0x38;
	[tilespmem:$0x19000] =	vst v63  }
0x2a: {  	_ =	swait.ge [sflag:s23], $0x4000  }
0x2b: {  	[sflag:s23] =	ssyncset.done $0x0  }
0x2c: {  	[sflag:s23] =	ssyncadd.s32 $0xFFFFC000  }
0x2d: {  	[spmem:s7] =	stream.linear.scatter [tilespmem:s22], [sflag:$0x2], $0x4000, $0x38;
	[tilespmem:$0x19000] =	vst v63  }
0x2e: {  	_ =	swait.ge [sflag:s23], $0x4000  }
0x2f: {  	[sflag:s23] =	ssyncset.done $0x0  }
0x30: {  	[sflag:s23] =	ssyncadd.s32 $0xFFFFC000  }
0x31: {  	[spmem:s8] =	stream.linear.scatter [tilespmem:s22], [sflag:$0x2], $0x4000, $0x38;
	[tilespmem:$0x19000] =	vst v63  }
0x32: {  	_ =	swait.ge [sflag:s23], $0x4000  }
0x33: {  	[sflag:s23] =	ssyncset.done $0x0  }
0x34: {  	[sflag:s23] =	ssyncadd.s32 $0xFFFFC000  }
0x35: {  	[spmem:s9] =	stream.linear.scatter [tilespmem:s22], [sflag:$0x2], $0x4000, $0x38;
	[tilespmem:$0x19000] =	vst v63  }
0x36: {  	_ =	swait.ge [sflag:s23], $0x4000  }
0x37: {  	[sflag:s23] =	ssyncset.done $0x0  }
0x38: {  	[sflag:s23] =	ssyncadd.s32 $0xFFFFC000  }
0x39: {  	s28 =	simm.s32 $0x0;
	[bflag:$0x0] =	sbarrier.arrive $0xFFFF  }
0x3a: {  	[tilespmem:s28], [sflag:$0x2] =	stream.linear.gather [hbm4b:s10+s28], $0x800, $0x38;
	[tilespmem:$0x19000] =	vst v63  }
0x3b: {  	_ =	swait.ge [sflag:s23], $0x800  }
0x3c: {  	[sflag:s23] =	ssyncset.done $0x0  }
0x3d: {  	[sflag:s23] =	ssyncadd.s32 $0xFFFFF800  }
0x3e: {  	[tilespmem:s24], [sflag:$0x2] =	stream.linear.gather [hbm4b:s11+s28], $0x800, $0x38;
	[tilespmem:$0x19000] =	vst v63  }
0x3f: {  	_ =	swait.ge [sflag:s23], $0x800  }
0x40: {  	[sflag:s23] =	ssyncset.done $0x0  }
0x41: {  	s28 =	simm.s32 $0x0;
	[sflag:s23] =	ssyncadd.s32 $0xFFFFF800  }
0x42: {  	[tilespmem:s22], [sflag:$0x1] =	stream.indirect.gather [hbm4b:s0+s25], $0x80, s28, s25, $0xb8;
	[tilespmem:$0x19000] =	vst v63  }
0x43: {  	_ =	swait.ge [sflag:s26], $0x4000  }
0x44: {  	[sflag:s26] =	ssyncset.done $0x0  }
0x45: {  	s28 =	simm.s32 $0x800;
	[sflag:s26] =	ssyncadd.s32 $0xFFFFC000  }
0x46: {  	[spmem:s3] =	stream.indirect.scatter.add.f32 [tilespmem:s22], [sflag:$0x2], $0x80, s28, s25, $0xb8;
	[tilespmem:$0x19000] =	vst v63  }
0x47: {  	_ =	swait.ge [sflag:s23], $0x4000  }
0x48: {  	s29 =	simm.s32 $0x400;
	s28 =	simm.s32 $0x200;
	[sflag:s23] =	ssyncset.done $0x0  }
.LBB2_4:
0x49: {  	s30 =	sshra.s32 s28, $0x2  }
0x4a: {  	[sflag:s23] =	ssyncadd.s32 $0xFFFFC000;
	s28 =	smov.u32 s29;
	s31 =	sadd.s32 $0x200, s29  }
0x4b: {  	[tilespmem:s22], [sflag:$0x1] =	stream.indirect.gather [hbm4b:s0+s25], $0x80, s30, s25, $0xb8;
	[tilespmem:$0x19000] =	vst v63  }
0x4c: {  	p0 =	sne.s32 s29, $0x1E00;
	_ =	swait.ge [sflag:s26], $0x4000  }
.Ltmp1:
0x4d: {  	[sflag:s26] =	ssyncset.done $0x0;
	(pc) =	sbr.rel @p0 .LBB2_4-.Ltmp1, $4  }
0x4e: {  	s29 =	sadd.s32 $0x800, s30;
	[sflag:s26] =	ssyncadd.s32 $0xFFFFC000  }
0x4f: {  	[spmem:s3] =	stream.indirect.scatter.add.f32 [tilespmem:s22], [sflag:$0x2], $0x80, s29, s25, $0xb8;
	[tilespmem:$0x19000] =	vst v63  }
0x50: {  	_ =	swait.ge [sflag:s23], $0x4000  }
0x51: {  	s29 =	smov.u32 s31;
	[sflag:s23] =	ssyncset.done $0x0  }
0x52: {  	s28 =	sshra.s32 s28, $0x2;
	[sflag:s23] =	ssyncadd.s32 $0xFFFFC000  }
0x53: {  	[tilespmem:s22], [sflag:$0x1] =	stream.indirect.gather [hbm4b:s0+s25], $0x80, s28, s25, $0xb8;
	[tilespmem:$0x19000] =	vst v63  }
0x54: {  	_ =	swait.ge [sflag:s26], $0x4000  }
0x55: {  	[sflag:s26] =	ssyncset.done $0x0  }
0x56: {  	s28 =	sadd.s32 $0x800, s28;
	[sflag:s26] =	ssyncadd.s32 $0xFFFFC000  }
0x57: {  	[spmem:s3] =	stream.indirect.scatter.add.f32 [tilespmem:s22], [sflag:$0x2], $0x80, s28, s25, $0xb8;
	[tilespmem:$0x19000] =	vst v63  }
0x58: {  	_ =	swait.ge [sflag:s23], $0x4000  }
0x59: {  	[sflag:s23] =	ssyncset.done $0x0  }
0x5a: {  	s28 =	simm.s32 $0x0;
	[sflag:s23] =	ssyncadd.s32 $0xFFFFC000  }
0x5b: {  	[tilespmem:s28], [sflag:$0x2] =	stream.linear.gather [hbm4b:s12+s28], $0x800, $0x38;
	[tilespmem:$0x19000] =	vst v63  }
0x5c: {  	_ =	swait.ge [sflag:s23], $0x800  }
0x5d: {  	[sflag:s23] =	ssyncset.done $0x0  }
0x5e: {  	[sflag:s23] =	ssyncadd.s32 $0xFFFFF800  }
0x5f: {  	[tilespmem:s24], [sflag:$0x2] =	stream.linear.gather [hbm4b:s13+s28], $0x800, $0x38;
	[tilespmem:$0x19000] =	vst v63  }
0x60: {  	_ =	swait.ge [sflag:s23], $0x800  }
0x61: {  	[sflag:s23] =	ssyncset.done $0x0  }
0x62: {  	s28 =	simm.s32 $0x0;
	[sflag:s23] =	ssyncadd.s32 $0xFFFFF800  }
0x63: {  	[tilespmem:s22], [sflag:$0x1] =	stream.indirect.gather [hbm4b:s0+s25], $0x80, s28, s25, $0xb8;
	[tilespmem:$0x19000] =	vst v63  }
0x64: {  	_ =	swait.ge [sflag:s26], $0x4000  }
0x65: {  	[sflag:s26] =	ssyncset.done $0x0  }
0x66: {  	s28 =	simm.s32 $0x800;
	[sflag:s26] =	ssyncadd.s32 $0xFFFFC000  }
0x67: {  	[spmem:s3] =	stream.indirect.scatter.add.f32 [tilespmem:s22], [sflag:$0x2], $0x80, s28, s25, $0xb8;
	[tilespmem:$0x19000] =	vst v63  }
0x68: {  	_ =	swait.ge [sflag:s23], $0x4000  }
0x69: {  	s29 =	simm.s32 $0x400;
	s28 =	simm.s32 $0x200;
	[sflag:s23] =	ssyncset.done $0x0  }
.LBB2_6:
0x6a: {  	s30 =	sshra.s32 s28, $0x2  }
0x6b: {  	[sflag:s23] =	ssyncadd.s32 $0xFFFFC000;
	s28 =	smov.u32 s29;
	s31 =	sadd.s32 $0x200, s29  }
0x6c: {  	[tilespmem:s22], [sflag:$0x1] =	stream.indirect.gather [hbm4b:s0+s25], $0x80, s30, s25, $0xb8;
	[tilespmem:$0x19000] =	vst v63  }
0x6d: {  	p0 =	sne.s32 s29, $0x1E00;
	_ =	swait.ge [sflag:s26], $0x4000  }
.Ltmp2:
0x6e: {  	[sflag:s26] =	ssyncset.done $0x0;
	(pc) =	sbr.rel @p0 .LBB2_6-.Ltmp2, $4  }
0x6f: {  	s29 =	sadd.s32 $0x800, s30;
	[sflag:s26] =	ssyncadd.s32 $0xFFFFC000  }
0x70: {  	[spmem:s3] =	stream.indirect.scatter.add.f32 [tilespmem:s22], [sflag:$0x2], $0x80, s29, s25, $0xb8;
	[tilespmem:$0x19000] =	vst v63  }
0x71: {  	_ =	swait.ge [sflag:s23], $0x4000  }
0x72: {  	s29 =	smov.u32 s31;
	[sflag:s23] =	ssyncset.done $0x0  }
0x73: {  	s28 =	sshra.s32 s28, $0x2;
	[sflag:s23] =	ssyncadd.s32 $0xFFFFC000  }
0x74: {  	[tilespmem:s22], [sflag:$0x1] =	stream.indirect.gather [hbm4b:s0+s25], $0x80, s28, s25, $0xb8;
	[tilespmem:$0x19000] =	vst v63  }
0x75: {  	_ =	swait.ge [sflag:s26], $0x4000  }
0x76: {  	[sflag:s26] =	ssyncset.done $0x0  }
0x77: {  	s28 =	sadd.s32 $0x800, s28;
	[sflag:s26] =	ssyncadd.s32 $0xFFFFC000  }
0x78: {  	[spmem:s3] =	stream.indirect.scatter.add.f32 [tilespmem:s22], [sflag:$0x2], $0x80, s28, s25, $0xb8;
	[tilespmem:$0x19000] =	vst v63  }
0x79: {  	_ =	swait.ge [sflag:s23], $0x4000  }
0x7a: {  	[sflag:s23] =	ssyncset.done $0x0  }
0x7b: {  	s28 =	simm.s32 $0x0;
	[sflag:s23] =	ssyncadd.s32 $0xFFFFC000  }
0x7c: {  	[tilespmem:s28], [sflag:$0x2] =	stream.linear.gather [hbm4b:s14+s28], $0x800, $0x38;
	[tilespmem:$0x19000] =	vst v63  }
0x7d: {  	_ =	swait.ge [sflag:s23], $0x800  }
0x7e: {  	[sflag:s23] =	ssyncset.done $0x0  }
0x7f: {  	[sflag:s23] =	ssyncadd.s32 $0xFFFFF800  }
0x80: {  	[tilespmem:s24], [sflag:$0x2] =	stream.linear.gather [hbm4b:s15+s28], $0x800, $0x38;
	[tilespmem:$0x19000] =	vst v63  }
0x81: {  	_ =	swait.ge [sflag:s23], $0x800  }
0x82: {  	[sflag:s23] =	ssyncset.done $0x0  }
0x83: {  	s28 =	simm.s32 $0x0;
	[sflag:s23] =	ssyncadd.s32 $0xFFFFF800  }
0x84: {  	[tilespmem:s22], [sflag:$0x1] =	stream.indirect.gather [hbm4b:s0+s25], $0x80, s28, s25, $0xb8;
	[tilespmem:$0x19000] =	vst v63  }
0x85: {  	_ =	swait.ge [sflag:s26], $0x4000  }
0x86: {  	[sflag:s26] =	ssyncset.done $0x0  }
0x87: {  	s28 =	simm.s32 $0x800;
	[sflag:s26] =	ssyncadd.s32 $0xFFFFC000  }
0x88: {  	[spmem:s3] =	stream.indirect.scatter.add.f32 [tilespmem:s22], [sflag:$0x2], $0x80, s28, s25, $0xb8;
	[tilespmem:$0x19000] =	vst v63  }
0x89: {  	_ =	swait.ge [sflag:s23], $0x4000  }
0x8a: {  	s29 =	simm.s32 $0x400;
	s28 =	simm.s32 $0x200;
	[sflag:s23] =	ssyncset.done $0x0  }
.LBB2_8:
0x8b: {  	s30 =	sshra.s32 s28, $0x2  }
0x8c: {  	[sflag:s23] =	ssyncadd.s32 $0xFFFFC000;
	s28 =	smov.u32 s29;
	s31 =	sadd.s32 $0x200, s29  }
0x8d: {  	[tilespmem:s22], [sflag:$0x1] =	stream.indirect.gather [hbm4b:s0+s25], $0x80, s30, s25, $0xb8;
	[tilespmem:$0x19000] =	vst v63  }
0x8e: {  	p0 =	sne.s32 s29, $0x1E00;
	_ =	swait.ge [sflag:s26], $0x4000  }
.Ltmp3:
0x8f: {  	[sflag:s26] =	ssyncset.done $0x0;
	(pc) =	sbr.rel @p0 .LBB2_8-.Ltmp3, $4  }
0x90: {  	s29 =	sadd.s32 $0x800, s30;
	[sflag:s26] =	ssyncadd.s32 $0xFFFFC000  }
0x91: {  	[spmem:s3] =	stream.indirect.scatter.add.f32 [tilespmem:s22], [sflag:$0x2], $0x80, s29, s25, $0xb8;
	[tilespmem:$0x19000] =	vst v63  }
0x92: {  	_ =	swait.ge [sflag:s23], $0x4000  }
0x93: {  	s29 =	smov.u32 s31;
	[sflag:s23] =	ssyncset.done $0x0  }
0x94: {  	s28 =	sshra.s32 s28, $0x2;
	[sflag:s23] =	ssyncadd.s32 $0xFFFFC000  }
0x95: {  	[tilespmem:s22], [sflag:$0x1] =	stream.indirect.gather [hbm4b:s0+s25], $0x80, s28, s25, $0xb8;
	[tilespmem:$0x19000] =	vst v63  }
0x96: {  	_ =	swait.ge [sflag:s26], $0x4000  }
0x97: {  	[sflag:s26] =	ssyncset.done $0x0  }
0x98: {  	s28 =	sadd.s32 $0x800, s28;
	[sflag:s26] =	ssyncadd.s32 $0xFFFFC000  }
0x99: {  	[spmem:s3] =	stream.indirect.scatter.add.f32 [tilespmem:s22], [sflag:$0x2], $0x80, s28, s25, $0xb8;
	[tilespmem:$0x19000] =	vst v63  }
0x9a: {  	_ =	swait.ge [sflag:s23], $0x4000  }
0x9b: {  	[sflag:s23] =	ssyncset.done $0x0  }
0x9c: {  	s28 =	simm.s32 $0x0;
	[sflag:s23] =	ssyncadd.s32 $0xFFFFC000  }
0x9d: {  	[tilespmem:s28], [sflag:$0x2] =	stream.linear.gather [hbm4b:s16+s28], $0x800, $0x38;
	[tilespmem:$0x19000] =	vst v63  }
0x9e: {  	_ =	swait.ge [sflag:s23], $0x800  }
0x9f: {  	[sflag:s23] =	ssyncset.done $0x0  }
0xa0: {  	[sflag:s23] =	ssyncadd.s32 $0xFFFFF800  }
0xa1: {  	[tilespmem:s24], [sflag:$0x2] =	stream.linear.gather [hbm4b:s17+s28], $0x800, $0x38;
	[tilespmem:$0x19000] =	vst v63  }
0xa2: {  	_ =	swait.ge [sflag:s23], $0x800  }
0xa3: {  	[sflag:s23] =	ssyncset.done $0x0  }
0xa4: {  	s28 =	simm.s32 $0x0;
	[sflag:s23] =	ssyncadd.s32 $0xFFFFF800  }
0xa5: {  	[tilespmem:s22], [sflag:$0x1] =	stream.indirect.gather [hbm4b:s0+s25], $0x80, s28, s25, $0xb8;
	[tilespmem:$0x19000] =	vst v63  }
0xa6: {  	_ =	swait.ge [sflag:s26], $0x4000  }
0xa7: {  	[sflag:s26] =	ssyncset.done $0x0  }
0xa8: {  	s28 =	simm.s32 $0x800;
	[sflag:s26] =	ssyncadd.s32 $0xFFFFC000  }
0xa9: {  	[spmem:s3] =	stream.indirect.scatter.add.f32 [tilespmem:s22], [sflag:$0x2], $0x80, s28, s25, $0xb8;
	[tilespmem:$0x19000] =	vst v63  }
0xaa: {  	_ =	swait.ge [sflag:s23], $0x4000  }
0xab: {  	s29 =	simm.s32 $0x400;
	s28 =	simm.s32 $0x200;
	[sflag:s23] =	ssyncset.done $0x0  }
.LBB2_10:
0xac: {  	s30 =	sshra.s32 s28, $0x2  }
0xad: {  	[sflag:s23] =	ssyncadd.s32 $0xFFFFC000;
	s28 =	smov.u32 s29;
	s31 =	sadd.s32 $0x200, s29  }
0xae: {  	[tilespmem:s22], [sflag:$0x1] =	stream.indirect.gather [hbm4b:s0+s25], $0x80, s30, s25, $0xb8;
	[tilespmem:$0x19000] =	vst v63  }
0xaf: {  	p0 =	sne.s32 s29, $0x1E00;
	_ =	swait.ge [sflag:s26], $0x4000  }
.Ltmp4:
0xb0: {  	[sflag:s26] =	ssyncset.done $0x0;
	(pc) =	sbr.rel @p0 .LBB2_10-.Ltmp4, $4  }
0xb1: {  	s29 =	sadd.s32 $0x800, s30;
	[sflag:s26] =	ssyncadd.s32 $0xFFFFC000  }
0xb2: {  	[spmem:s3] =	stream.indirect.scatter.add.f32 [tilespmem:s22], [sflag:$0x2], $0x80, s29, s25, $0xb8;
	[tilespmem:$0x19000] =	vst v63  }
0xb3: {  	_ =	swait.ge [sflag:s23], $0x4000  }
0xb4: {  	s29 =	smov.u32 s31;
	[sflag:s23] =	ssyncset.done $0x0  }
0xb5: {  	s28 =	sshra.s32 s28, $0x2;
	[sflag:s23] =	ssyncadd.s32 $0xFFFFC000  }
0xb6: {  	[tilespmem:s22], [sflag:$0x1] =	stream.indirect.gather [hbm4b:s0+s25], $0x80, s28, s25, $0xb8;
	[tilespmem:$0x19000] =	vst v63  }
0xb7: {  	_ =	swait.ge [sflag:s26], $0x4000  }
0xb8: {  	[sflag:s26] =	ssyncset.done $0x0  }
0xb9: {  	s28 =	sadd.s32 $0x800, s28;
	[sflag:s26] =	ssyncadd.s32 $0xFFFFC000  }
0xba: {  	[spmem:s3] =	stream.indirect.scatter.add.f32 [tilespmem:s22], [sflag:$0x2], $0x80, s28, s25, $0xb8;
	[tilespmem:$0x19000] =	vst v63  }
0xbb: {  	_ =	swait.ge [sflag:s23], $0x4000  }
0xbc: {  	[sflag:s23] =	ssyncset.done $0x0  }
0xbd: {  	s28 =	simm.s32 $0x0;
	[sflag:s23] =	ssyncadd.s32 $0xFFFFC000  }
0xbe: {  	[tilespmem:s28], [sflag:$0x2] =	stream.linear.gather [hbm4b:s18+s28], $0x800, $0x38;
	[tilespmem:$0x19000] =	vst v63  }
0xbf: {  	_ =	swait.ge [sflag:s23], $0x800  }
0xc0: {  	[sflag:s23] =	ssyncset.done $0x0  }
0xc1: {  	[sflag:s23] =	ssyncadd.s32 $0xFFFFF800  }
0xc2: {  	[tilespmem:s24], [sflag:$0x2] =	stream.linear.gather [hbm4b:s19+s28], $0x800, $0x38;
	[tilespmem:$0x19000] =	vst v63  }
0xc3: {  	_ =	swait.ge [sflag:s23], $0x800  }
0xc4: {  	[sflag:s23] =	ssyncset.done $0x0  }
0xc5: {  	s28 =	simm.s32 $0x0;
	[sflag:s23] =	ssyncadd.s32 $0xFFFFF800  }
0xc6: {  	[tilespmem:s22], [sflag:$0x1] =	stream.indirect.gather [hbm4b:s0+s25], $0x80, s28, s25, $0xb8;
	[tilespmem:$0x19000] =	vst v63  }
0xc7: {  	_ =	swait.ge [sflag:s26], $0x4000  }
0xc8: {  	[sflag:s26] =	ssyncset.done $0x0  }
0xc9: {  	s28 =	simm.s32 $0x800;
	[sflag:s26] =	ssyncadd.s32 $0xFFFFC000  }
0xca: {  	[spmem:s3] =	stream.indirect.scatter.add.f32 [tilespmem:s22], [sflag:$0x2], $0x80, s28, s25, $0xb8;
	[tilespmem:$0x19000] =	vst v63  }
0xcb: {  	_ =	swait.ge [sflag:s23], $0x4000  }
0xcc: {  	s29 =	simm.s32 $0x400;
	s28 =	simm.s32 $0x200;
	[sflag:s23] =	ssyncset.done $0x0  }
.LBB2_12:
0xcd: {  	s30 =	sshra.s32 s28, $0x2  }
0xce: {  	[sflag:s23] =	ssyncadd.s32 $0xFFFFC000;
	s28 =	smov.u32 s29;
	s31 =	sadd.s32 $0x200, s29  }
0xcf: {  	[tilespmem:s22], [sflag:$0x1] =	stream.indirect.gather [hbm4b:s0+s25], $0x80, s30, s25, $0xb8;
	[tilespmem:$0x19000] =	vst v63  }
0xd0: {  	p0 =	sne.s32 s29, $0x1E00;
	_ =	swait.ge [sflag:s26], $0x4000  }
.Ltmp5:
0xd1: {  	[sflag:s26] =	ssyncset.done $0x0;
	(pc) =	sbr.rel @p0 .LBB2_12-.Ltmp5, $4  }
0xd2: {  	s29 =	sadd.s32 $0x800, s30;
	[sflag:s26] =	ssyncadd.s32 $0xFFFFC000  }
0xd3: {  	[spmem:s3] =	stream.indirect.scatter.add.f32 [tilespmem:s22], [sflag:$0x2], $0x80, s29, s25, $0xb8;
	[tilespmem:$0x19000] =	vst v63  }
0xd4: {  	_ =	swait.ge [sflag:s23], $0x4000  }
0xd5: {  	s29 =	smov.u32 s31;
	[sflag:s23] =	ssyncset.done $0x0  }
0xd6: {  	s28 =	sshra.s32 s28, $0x2;
	[sflag:s23] =	ssyncadd.s32 $0xFFFFC000  }
0xd7: {  	[tilespmem:s22], [sflag:$0x1] =	stream.indirect.gather [hbm4b:s0+s25], $0x80, s28, s25, $0xb8;
	[tilespmem:$0x19000] =	vst v63  }
0xd8: {  	_ =	swait.ge [sflag:s26], $0x4000  }
0xd9: {  	[sflag:s26] =	ssyncset.done $0x0  }
0xda: {  	s28 =	sadd.s32 $0x800, s28;
	[sflag:s26] =	ssyncadd.s32 $0xFFFFC000  }
0xdb: {  	[spmem:s3] =	stream.indirect.scatter.add.f32 [tilespmem:s22], [sflag:$0x2], $0x80, s28, s25, $0xb8;
	[tilespmem:$0x19000] =	vst v63  }
0xdc: {  	_ =	swait.ge [sflag:s23], $0x4000  }
0xdd: {  	s31 =	sshll.u32 s2, $0x6;
	s4 =	sadd.s32 $0x1, s4;
	[sflag:s23] =	ssyncset.done $0x0  }
0xde: {  	s29 =	sshrl.u32 s5, $0x3;
	p0 =	sne.s32 s4, s21;
	[sflag:s23] =	ssyncadd.s32 $0xFFFFC000  }
.Ltmp6:
0xdf: {  	s28 =	sor.u32 $0x1C02, s31;
	[bflag:$0x0] =	sbarrier.arrive $0xFFFF;
	(pc) =	sbr.rel @p0 .LBB2_1-.Ltmp6, $4  }
0xe0: {  	[hbm:s20], [sflag:s28] =	dma.local [spmem:s29], $0x2800  }
0xe1: {  	_ =	swait.ge [sflag:s23], $0x2800  }
0xe2: {  	[sflag:s23] =	ssyncset.done $0x0  }
0xe3: {  	[sflag:s23] =	ssyncadd.s32 $0xFFFFD800  }
0xe4: {  	_ =	sfence.sel $0x180000  }
0xe5: {  	[bflag:$0x0] =	sbarrier.arrive $0xFFFF  }
0xe6: {  	p0 =	sne.s32 s2, $0x0;
	_ =	strace $0x90000047  }
0xe7: {  	s0 =	sadd.s32 @!p0 $0x100000, s1;
	[bflag:$0x2] =	sbarrier.arrive $0xFFFF  }
0xe8: {  	[sflag:s0] =	ssyncadd.tile.s32 @!p0 $0x1;
	_ =	shalt  }
.Lfunc_end2:
_tile_overlayer_lowered:
.L_overlay_start_2:
0xe9: {  	(tag) =	ssettag $0x2  }
0xea: {  	s0 =	rddreg [dreg:$0x0];
	s2 =	stileid.u32  }
0xeb: {  	s1 =	rddreg [dreg:$0x1];
	p0 =	sne.s32 s2, $0x0  }
0xec: {  	s3 =	rddreg [dreg:$0x2];
	[bflag:$0x3] =	sbarrier.arrive $0xFFFF;
	s2 =	simm.s32 @!p0 $0x1C02  }
0xed: {  	[timem:s3], [sflag:s2] =	dma.local @!p0 [hbm:s0], s1  }
0xee: {  	s0 =	simm.s32 @!p0 $0x2  }
0xef: {  	_ =	swait.ge @!p0 [sflag:s0], s1  }
0xf0: {  	s1 =	ssub.s32 @!p0 $0x0, s1;
	[sflag:s0] =	ssyncset.done @!p0 $0x0  }
0xf1: {  	[sflag:s0] =	ssyncadd.s32 @!p0 s1  }
0xf2: {  	[bflag:$0x3] =	sbarrier.arrive $0xFFFF  }
0xf3: {  	_ =	shalt  }

// kernel: kernel.14.cloned.1.call-start
scs
__scs_entry_jumppad:
0x0: {  	(pc) =	sbr.rel $0x88, $3  }
0x1: {  	(tag) =	ssettag $0x0;
	lr =	simm.s32 $0x1  }
0x2: {  	[smem:$0x3F99] =	sst lr;
	_ =	strace $0xD0000000  }
0x3: {  	_ = 	snop  }
0x4: {  	_ = 	snop  }
0x5: {  	_ = 	snop  }
0x6: {  	_ = 	snop  }
0x7: {  	_ = 	snop  }
__scs_overlays_trampoline_lowered:
0x8: {  	[smem:$0x3FA8] =	sst s0  }
0x9: {  	[smem:$0x3FA9] =	sst s1  }
0xa: {  	[smem:$0x3FAA] =	sst s2  }
0xb: {  	[smem:$0x3FAB] =	sst s3  }
0xc: {  	[smem:$0x3FAC] =	sst s4  }
0xd: {  	[smem:$0x3FAD] =	sst s5  }
0xe: {  	[smem:$0x3FAE] =	sst s6  }
0xf: {  	[smem:$0x3FAF] =	sst s7  }
0x10: {  	[smem:$0x3FB0] =	sst s8  }
0x11: {  	[smem:$0x3FB1] =	sst s9;
	s0 =	simm.s32 @!p0 $0x0  }
0x12: {  	s1 =	sld [smem:$0x3F97];
	s0 =	simm.s32 @p0 $0x1  }
0x13: {  	[smem:$0x3FB2] =	sst s0;
	s0 =	simm.s32 @!p1 $0x0  }
0x14: {  	s2 =	sld [smem:$0x3F96];
	s0 =	simm.s32 @p1 $0x1  }
0x15: {  	[smem:$0x3FB3] =	sst s0;
	s0 =	simm.s32 @!p2 $0x0  }
0x16: {  	s3 =	sld [smem:$0x3FDB];
	s0 =	simm.s32 @p2 $0x1  }
0x17: {  	s4 =	simm.s32 $0x1BF5;
	[smem:$0x3FB5] =	sst s0  }
0x18: {  	s0 =	sld [smem:$0x3F98];
	_ =	swait.ge [sflag:s4], $0x0  }
0x19: {  	s7 =	sld [smem:$0x3F99]  }
0x1a: {  	s8 =	sadd.s32 $0xFFFFE003, lr  }
0x1b: {  	s9 =	sadd.s32 $0xFFFFFEF7, lr;
	s5 =	simm.s32 $0xFFFFFFFF;
	p2 =	slt.u32 s8, $0xFFFFF086  }
0x1c: {  	p1 =	slt.u32 s9, $0xF7A;
	s5 =	simm.s32 @!p2 $0x0  }
0x1d: {  	s5 =	simm.s32 @p1 $0x1;
	p0 =	seq.s32 s7, s2  }
0x1e: {  	s7 =	smul.u32 @!p0 $0xF7A, s2;
	p2 =	seq.s32 @!p0 s5, $0x0  }
0x1f: {  	s9 =	smul.u32 $0xF7A, s1;
	s8 =	simm.s32 @!p0 $0x1BF5;
	p2 =	por !p2, p0  }
0x20: {  	[sflag:s8] =	ssyncset.s32 @!p0 $0xFFFFF086;
	s6 =	sadd.s32 @!p0 s3, s7;
	s7 =	simm.s32 @!p0 $0x108  }
0x21: {  	s3 =	sadd.s32 s3, s9;
	s6 =	sadd.s32 @!p0 $0x88, s6;
	s7 =	simm.s32 @p2 $0x1082  }
0x22: {  	[simem:s7], [sflag:s8] =	dma.local @!p0 [hbm:s6], $0xF7A  }
0x23: {  	s9 =	sor.u32 $0xD0000000, s2;
	s6 =	simm.s32 $0x108;
	_ =	swait.ge @!p0 [sflag:s8], $0x0  }
0x24: {  	s3 =	sadd.s32 $0x88, s3;
	s6 =	simm.s32 @!p1 $0x1082;
	[sflag:s4] =	ssyncset.s32 $0xFFFFF086  }
0x25: {  	[simem:s6], [sflag:s4] =	dma.local [hbm:s3], $0xF7A  }
0x26: {  	[smem:$0x3F99] =	sst s1;
	(tag) =	ssettag s2;
	_ =	strace s9  }
0x27: {  	s1 =	sld [smem:$0x3FA9]  }
0x28: {  	s2 =	sld [smem:$0x3FAA]  }
0x29: {  	s4 =	sld [smem:$0x3FAC]  }
0x2a: {  	p0 =	seq.s32 s5, $0x0;
	s5 =	sld [smem:$0x3FAD]  }
0x2b: {  	s6 =	sld [smem:$0x3FAE]  }
0x2c: {  	s7 =	sld [smem:$0x3FAF]  }
0x2d: {  	s3 =	simm.s32 $0x108;
	s8 =	sld [smem:$0x3FB0]  }
0x2e: {  	s3 =	simm.s32 @!p0 $0x1082;
	s9 =	sld [smem:$0x3FB1]  }
0x2f: {  	lr =	sadd.s32 s0, s3;
	s0 =	sld [smem:$0x3FA8]  }
0x30: {  	s3 =	sld [smem:$0x3FAB]  }
0x31: {  	[smem:$0x3FB4] =	sst s10  }
0x32: {  	s10 =	sld [smem:$0x3FB2];
	_ =	sdelay $0x3  }
0x33: {  	p0 =	seq.s32 s10, $0x1;
	s10 =	sld [smem:$0x3FB4];
	_ =	sdelay $0x3  }
0x34: {  	[smem:$0x3FB4] =	sst s10  }
0x35: {  	s10 =	sld [smem:$0x3FB3];
	_ =	sdelay $0x3  }
0x36: {  	p1 =	seq.s32 s10, $0x1;
	s10 =	sld [smem:$0x3FB4];
	_ =	sdelay $0x3  }
0x37: {  	[smem:$0x3FB4] =	sst s10  }
0x38: {  	s10 =	sld [smem:$0x3FB5]  }
0x39: {  	_ = 	snop;
	(pc) =	sbr.ind lr, $3  }
0x3a: {  	_ = 	snop  }
0x3b: {  	_ = 	snop  }
0x3c: {  	p2 =	seq.s32 s10, $0x1;
	s10 =	sld [smem:$0x3FB4]  }
0x3d: {  	_ =	shalt  }
0x3e: {  	_ =	shalt  }
0x3f: {  	_ =	shalt  }
0x40: {  	_ =	shalt  }
0x41: {  	_ =	shalt  }
0x42: {  	_ =	shalt  }
0x43: {  	_ =	shalt  }
0x44: {  	_ =	shalt  }
0x45: {  	_ =	shalt  }
0x46: {  	_ =	shalt  }
0x47: {  	_ =	shalt  }
0x48: {  	_ =	shalt  }
0x49: {  	_ =	shalt  }
0x4a: {  	_ =	shalt  }
0x4b: {  	_ =	shalt  }
0x4c: {  	_ =	shalt  }
0x4d: {  	_ =	shalt  }
0x4e: {  	_ =	shalt  }
0x4f: {  	_ =	shalt  }
0x50: {  	_ =	shalt  }
0x51: {  	_ =	shalt  }
0x52: {  	_ =	shalt  }
0x53: {  	_ =	shalt  }
0x54: {  	_ =	shalt  }
0x55: {  	_ =	shalt  }
0x56: {  	_ =	shalt  }
0x57: {  	_ =	shalt  }
0x58: {  	_ =	shalt  }
0x59: {  	_ =	shalt  }
0x5a: {  	_ =	shalt  }
0x5b: {  	_ =	shalt  }
0x5c: {  	_ =	shalt  }
0x5d: {  	_ =	shalt  }
0x5e: {  	_ =	shalt  }
0x5f: {  	_ =	shalt  }
0x60: {  	_ =	shalt  }
0x61: {  	_ =	shalt  }
0x62: {  	_ =	shalt  }
0x63: {  	_ =	shalt  }
0x64: {  	_ =	shalt  }
0x65: {  	_ =	shalt  }
0x66: {  	_ =	shalt  }
0x67: {  	_ =	shalt  }
0x68: {  	_ =	shalt  }
0x69: {  	_ =	shalt  }
0x6a: {  	_ =	shalt  }
0x6b: {  	_ =	shalt  }
0x6c: {  	_ =	shalt  }
0x6d: {  	_ =	shalt  }
0x6e: {  	_ =	shalt  }
0x6f: {  	_ =	shalt  }
0x70: {  	_ =	shalt  }
0x71: {  	_ =	shalt  }
0x72: {  	_ =	shalt  }
0x73: {  	_ =	shalt  }
0x74: {  	_ =	shalt  }
0x75: {  	_ =	shalt  }
0x76: {  	_ =	shalt  }
0x77: {  	_ =	shalt  }
0x78: {  	_ =	shalt  }
0x79: {  	_ =	shalt  }
0x7a: {  	_ =	shalt  }
0x7b: {  	_ =	shalt  }
0x7c: {  	_ =	shalt  }
0x7d: {  	_ =	shalt  }
0x7e: {  	_ =	shalt  }
0x7f: {  	_ =	shalt  }
0x80: {  	_ =	shalt  }
0x81: {  	_ =	shalt  }
0x82: {  	_ =	shalt  }
0x83: {  	_ =	shalt  }
0x84: {  	_ =	shalt  }
0x85: {  	_ =	shalt  }
0x86: {  	_ =	shalt  }
0x87: {  	_ =	shalt  }
.Lfunc_end0:
.L_simem_size_0:
called_computation.2_lowered:
.L_overlay_start_0:
0x88: {  	s2 =	sld [smem:$0x3FD9]  }
0x89: {  	s3 =	sld [smem:$0x3FFE];
	_ =	sdelay $0x1  }
0x8a: {  	s1 =	srdreg.scid  }
0x8b: {  	s0 =	sand.u32 $0x1, s1  }
0x8c: {  	s17 =	sshll.u32 s0, $0xA;
	s2 =	sadd.s32 s3, s2  }
0x8d: {  	s2 =	sadd.s32 s2, s17  }
0x8e: {  	[smem:$0x3FC0] =	sst s2  }
0x8f: {  	_ = 	snop  }
0x90: {  	s2 =	sld [smem:$0x3FD0];
	(tm) =	ssettm $0x1  }
0x91: {  	s18 =	sld [smem:$0x3FFB];
	_ =	sdelay $0x3  }
0x92: {  	_ =	strace s18  }
0x93: {  	s3 =	sld [smem:$0x3FFC];
	_ =	sdelay $0x3  }
0x94: {  	_ =	strace s3  }
0x95: {  	s3 =	sld [smem:$0x3FFD];
	_ =	sdelay $0x3  }
0x96: {  	_ =	strace s3  }
0x97: {  	_ =	strace $0x8FFFFFFF  }
0x98: {  	s19 =	sld [smem:$0x3FDB];
	_ =	sdelay $0x1  }
0x99: {  	s4 =	simm.s32 $_scs_section_size  }
0x9a: {  	s5 =	simm.s32 $_size__tile_overlayer_lowered;
	s6 =	simm.s32 $_tile_overlayer_lowered  }
0x9b: {  	s22 =	simm.s32 $0x1BFF;
	s21 =	sshll.u32 s6, $0x1;
	s3 =	sadd.s32 s4, s19  }
0x9c: {  	s7 =	simm.s32 $0x0;
	s20 =	sshll.u32 s5, $0x1;
	s5 =	sadd.s32 s21, s3  }
0x9d: {  	[timem:s7], [sflag:s22] =	dma.local [hbm:s5], s20  }
0x9e: {  	_ =	swait.ge [sflag:s22], s20  }
0x9f: {  	s4 =	ssub.s32 $0x0, s20;
	[sflag:s22] =	ssyncset.done $0x0  }
0xa0: {  	[sflag:s22] =	ssyncadd.s32 s4;
	_ =	sdelay $0x1  }
0xa1: {  	s23 =	simm.s32 $0x1B8B  }
0xa2: {  	_ =	swait.ge [sflag:s23], $0x1  }
0xa3: {  	[sflag:s23] =	ssyncset.done $0x0  }
0xa4: {  	s25 =	simm.s32 $0x1B8E;
	s24 =	sld [smem:$0x3FFE];
	[sflag:s23] =	ssyncadd.s32 $0xFFFFFFFF  }
0xa5: {  	s26 =	simm.s32 $execute0_lowered;
	[smem:$0x3FD2] =	sst s25  }
0xa6: {  	s5 =	sshll.u32 s26, $0x1;
	_ =	strace $0x8000004C;
	[dreg:$0x1] =	wrdreg $0xFFFFFFFF  }
0xa7: {  	s28 =	simm.s32 $_size_execute0_lowered;
	s3 =	sadd.s32 s3, s5;
	[dreg:$0x0] =	wrdreg $0x0  }
0xa8: {  	s5 =	sshll.u32 s28, $0x1;
	[dreg:$0x2] =	wrdreg s3  }
0xa9: {  	[dreg:$0x3] =	wrdreg s5  }
0xaa: {  	[dreg:$0x4] =	wrdreg $0xC0  }
0xab: {  	_ =	task [dreg:s7], $0x5FFFF  }
0xac: {  	[dreg:$0x1] =	wrdreg $0xFFFFFFFF  }
0xad: {  	[dreg:$0x0] =	wrdreg $0x60  }
0xae: {  	[dreg:$0x2] =	wrdreg s2  }
0xaf: {  	[dreg:$0x3] =	wrdreg s24  }
0xb0: {  	[dreg:$0x4] =	wrdreg $0x50000  }
0xb1: {  	[dreg:$0x5] =	wrdreg $0x9  }
0xb2: {  	_ =	task.clear_ibuf [dreg:s7], $0x6FFFF;
	_ =	strace $0x9000004C  }
0xb3: {  	s29 =	simm.s32 $0x9;
	_ =	strace $0x8000004E  }
0xb4: {  	_ =	swait.ge [sflag:s29], $0x1  }
0xb5: {  	[sflag:s29] =	ssyncadd.s32 $0xFFFFFFFF  }
0xb6: {  	_ =	strace $0x9000004E  }
0xb7: {  	_ =	sfence  }
0xb8: {  	s30 =	sld [smem:$0x0];
	_ =	sdelay $0x2  }
0xb9: {  	s31 =	sshll.u32 s1, $0xD;
	s1 =	sshrl.u32 s1, $0x2  }
0xba: {  	s3 =	sand.u32 $0x4000, s31;
	s1 =	sadd.s32 s1, s30  }
0xbb: {  	s0 =	sor.u32 s3, s0;
	s1 =	sshll.u32 s1, $0x11  }
0xbc: {  	s0 =	sor.u32 s1, s0  }
0xbd: {  	s0 =	sadd.s32 $0x8F2B, s0  }
0xbe: {  	[sflag:s0] =	ssyncadd.remote.s32 $0x1  }
0xbf: {  	_ =	sfence.sel $0xFFFF  }
0xc0: {  	[dreg:$0x0] =	wrdreg $0xFFFFFFFF;
	(pc) =	sbr.abs _section_cstart, $3  }
0xc1: {  	[dreg:$0x1] =	wrdreg $0xFFFFFFFF  }
0xc2: {  	_ =	task.clear_ibuf [dreg:s7], $0x2FFFF;
	_ =	strace $0x9FFFFFFF  }
0xc3: {  	(tm) =	ssettm $0x7FFFFFFF  }
tec
execute0_lowered:
.L_overlay_start_1:
0x0: {  	(tag) =	ssettag $0x1  }
0x1: {  	s0 =	rddreg [dreg:$0x0]  }
0x2: {  	s5 =	rddreg [dreg:$0x1]  }
0x3: {  	s1 =	srdreg.scid;
	s3 =	rddreg [dreg:$0x2]  }
0x4: {  	s2 =	stileid.u32;
	s4 =	simm.s32 $0x0;
	s23 =	simm.s32 $0x2  }
0x5: {  	s24 =	simm.s32 $0x800;
	s6 =	sand.u32 $0x1, s1;
	s1 =	rddreg [dreg:$0x3]  }
0x6: {  	s25 =	simm.s32 $0x80;
	s8 =	smul.u32 $0x14000, s2;
	[smem:$0x7FF] =	sst s4  }
0x7: {  	s18 =	sadd.s32 $0x2800, s5;
	s26 =	smul.u32 $0x50000, s2;
	s19 =	sadd.s32 $0xC800, s5  }
0x8: {  	s28 =	sshll.u32 s2, $0x1;
	s7 =	smul.u32 $0x140000, s6;
	_ =	strace $0x8000004D  }
0x9: {  	s29 =	ssub.s32 $0x2, s6;
	s6 =	sor.u32 s6, s28;
	s30 =	sshrl.u32 s26, $0x2  }
0xa: {  	s31 =	sshrl.u32 s29, $0x1;
	s10 =	smul.u32 $0x2800, s6;
	s7 =	sadd.s32 s8, s7  }
0xb: {  	s26 =	simm.s32 $0x1;
	s21 =	ssub.s32 s29, s31;
	s7 =	sshrl.u32 s7, $0x3  }
0xc: {  	s22 =	sshrl.u32 s10, $0x3;
	s21 =	smax.u32 s21, $0x1;
	s20 =	sadd.s32 s7, s5  }
0xd: {  	s5 =	sadd.s32 s30, s3;
	s10 =	sadd.s32 s18, s22;
	s11 =	sadd.s32 s19, s22  }
0xe: {  	s13 =	sadd.s32 $0x100, s22;
	s15 =	sadd.s32 $0x200, s22;
	s17 =	sadd.s32 $0x300, s22  }
0xf: {  	s22 =	sadd.s32 $0x400, s22;
	s6 =	sadd.s32 $0x4000, s5;
	s7 =	sadd.s32 $0x8000, s5  }
0x10: {  	s8 =	sadd.s32 $0xC000, s5;
	s9 =	sadd.s32 $0x10000, s5;
	s12 =	sadd.s32 s18, s13  }
0x11: {  	s13 =	sadd.s32 s19, s13;
	s14 =	sadd.s32 s18, s15;
	s15 =	sadd.s32 s19, s15  }
0x12: {  	s16 =	sadd.s32 s18, s17;
	s17 =	sadd.s32 s19, s17;
	s18 =	sadd.s32 s18, s22  }
0x13: {  	v0 =	vimm.f32 $0.0e+00;
	s19 =	sadd.s32 s19, s22;
	s20 =	sadd.s32 $0x16800, s20;
	s22 =	simm.s32 $0x1000  }
.LBB2_1:
0x14: {  	s28 =	simm.s32 $0x0;
	s29 =	simm.s32 $0x200  }
.LBB2_2:
0x15: {  	p0 =	sne.s32 s29, $0xFE00;
	[tilespmem:s28+$0x1070] =	vst v0  }
0x16: {  	[tilespmem:s28+$0x1000] =	vst v0  }
0x17: {  	[tilespmem:s28+$0x1010] =	vst v0  }
.Ltmp0:
0x18: {  	[tilespmem:s28+$0x1020] =	vst v0;
	(pc) =	sbr.rel @p0 .LBB2_2-.Ltmp0, $4  }
0x19: {  	[tilespmem:s28+$0x1030] =	vst v0  }
0x1a: {  	[tilespmem:s28+$0x1040] =	vst v0  }
0x1b: {  	[tilespmem:s28+$0x1050] =	vst v0  }
0x1c: {  	[tilespmem:s28+$0x1060] =	vst v0;
	s28 =	sshra.s32 s29, $0x2;
	s29 =	sadd.s32 $0x200, s29  }
0x1d: {  	[tilespmem:s28+$0x1070] =	vst v0  }
0x1e: {  	[tilespmem:s28+$0x1000] =	vst v0  }
0x1f: {  	[tilespmem:s28+$0x1010] =	vst v0  }
0x20: {  	[tilespmem:s28+$0x1020] =	vst v0  }
0x21: {  	[tilespmem:s28+$0x1030] =	vst v0  }
0x22: {  	[tilespmem:s28+$0x1040] =	vst v0  }
0x23: {  	[tilespmem:s28+$0x1050] =	vst v0  }
0x24: {  	[tilespmem:s28+$0x1060] =	vst v0  }
0x25: {  	[spmem:s5] =	stream.linear.scatter [tilespmem:s22], [sflag:$0x2], $0x4000, $0x38;
	[tilespmem:$0x19000] =	vst v63  }
0x26: {  	_ =	swait.ge [sflag:s23], $0x4000  }
0x27: {  	[sflag:s23] =	ssyncset.done $0x0  }
0x28: {  	[sflag:s23] =	ssyncadd.s32 $0xFFFFC000  }
0x29: {  	[spmem:s6] =	stream.linear.scatter [tilespmem:s22], [sflag:$0x2], $0x4000, $0x38;
	[tilespmem:$0x19000] =	vst v63  }
0x2a: {  	_ =	swait.ge [sflag:s23], $0x4000  }
0x2b: {  	[sflag:s23] =	ssyncset.done $0x0  }
0x2c: {  	[sflag:s23] =	ssyncadd.s32 $0xFFFFC000  }
0x2d: {  	[spmem:s7] =	stream.linear.scatter [tilespmem:s22], [sflag:$0x2], $0x4000, $0x38;
	[tilespmem:$0x19000] =	vst v63  }
0x2e: {  	_ =	swait.ge [sflag:s23], $0x4000  }
0x2f: {  	[sflag:s23] =	ssyncset.done $0x0  }
0x30: {  	[sflag:s23] =	ssyncadd.s32 $0xFFFFC000  }
0x31: {  	[spmem:s8] =	stream.linear.scatter [tilespmem:s22], [sflag:$0x2], $0x4000, $0x38;
	[tilespmem:$0x19000] =	vst v63  }
0x32: {  	_ =	swait.ge [sflag:s23], $0x4000  }
0x33: {  	[sflag:s23] =	ssyncset.done $0x0  }
0x34: {  	[sflag:s23] =	ssyncadd.s32 $0xFFFFC000  }
0x35: {  	[spmem:s9] =	stream.linear.scatter [tilespmem:s22], [sflag:$0x2], $0x4000, $0x38;
	[tilespmem:$0x19000] =	vst v63  }
0x36: {  	_ =	swait.ge [sflag:s23], $0x4000  }
0x37: {  	[sflag:s23] =	ssyncset.done $0x0  }
0x38: {  	[sflag:s23] =	ssyncadd.s32 $0xFFFFC000  }
0x39: {  	s28 =	simm.s32 $0x0;
	[bflag:$0x0] =	sbarrier.arrive $0xFFFF  }
0x3a: {  	[tilespmem:s28], [sflag:$0x2] =	stream.linear.gather [hbm4b:s10+s28], $0x800, $0x38;
	[tilespmem:$0x19000] =	vst v63  }
0x3b: {  	_ =	swait.ge [sflag:s23], $0x800  }
0x3c: {  	[sflag:s23] =	ssyncset.done $0x0  }
0x3d: {  	[sflag:s23] =	ssyncadd.s32 $0xFFFFF800  }
0x3e: {  	[tilespmem:s24], [sflag:$0x2] =	stream.linear.gather [hbm4b:s11+s28], $0x800, $0x38;
	[tilespmem:$0x19000] =	vst v63  }
0x3f: {  	_ =	swait.ge [sflag:s23], $0x800  }
0x40: {  	[sflag:s23] =	ssyncset.done $0x0  }
0x41: {  	s28 =	simm.s32 $0x0;
	[sflag:s23] =	ssyncadd.s32 $0xFFFFF800  }
0x42: {  	[tilespmem:s22], [sflag:$0x1] =	stream.indirect.gather [hbm4b:s0+s25], $0x80, s28, s25, $0xb8;
	[tilespmem:$0x19000] =	vst v63  }
0x43: {  	_ =	swait.ge [sflag:s26], $0x4000  }
0x44: {  	[sflag:s26] =	ssyncset.done $0x0  }
0x45: {  	s28 =	simm.s32 $0x800;
	[sflag:s26] =	ssyncadd.s32 $0xFFFFC000  }
0x46: {  	[spmem:s3] =	stream.indirect.scatter.add.f32 [tilespmem:s22], [sflag:$0x2], $0x80, s28, s25, $0xb8;
	[tilespmem:$0x19000] =	vst v63  }
0x47: {  	_ =	swait.ge [sflag:s23], $0x4000  }
0x48: {  	s29 =	simm.s32 $0x400;
	s28 =	simm.s32 $0x200;
	[sflag:s23] =	ssyncset.done $0x0  }
.LBB2_4:
0x49: {  	s30 =	sshra.s32 s28, $0x2  }
0x4a: {  	[sflag:s23] =	ssyncadd.s32 $0xFFFFC000;
	s28 =	smov.u32 s29;
	s31 =	sadd.s32 $0x200, s29  }
0x4b: {  	[tilespmem:s22], [sflag:$0x1] =	stream.indirect.gather [hbm4b:s0+s25], $0x80, s30, s25, $0xb8;
	[tilespmem:$0x19000] =	vst v63  }
0x4c: {  	p0 =	sne.s32 s29, $0x1E00;
	_ =	swait.ge [sflag:s26], $0x4000  }
.Ltmp1:
0x4d: {  	[sflag:s26] =	ssyncset.done $0x0;
	(pc) =	sbr.rel @p0 .LBB2_4-.Ltmp1, $4  }
0x4e: {  	s29 =	sadd.s32 $0x800, s30;
	[sflag:s26] =	ssyncadd.s32 $0xFFFFC000  }
0x4f: {  	[spmem:s3] =	stream.indirect.scatter.add.f32 [tilespmem:s22], [sflag:$0x2], $0x80, s29, s25, $0xb8;
	[tilespmem:$0x19000] =	vst v63  }
0x50: {  	_ =	swait.ge [sflag:s23], $0x4000  }
0x51: {  	s29 =	smov.u32 s31;
	[sflag:s23] =	ssyncset.done $0x0  }
0x52: {  	s28 =	sshra.s32 s28, $0x2;
	[sflag:s23] =	ssyncadd.s32 $0xFFFFC000  }
0x53: {  	[tilespmem:s22], [sflag:$0x1] =	stream.indirect.gather [hbm4b:s0+s25], $0x80, s28, s25, $0xb8;
	[tilespmem:$0x19000] =	vst v63  }
0x54: {  	_ =	swait.ge [sflag:s26], $0x4000  }
0x55: {  	[sflag:s26] =	ssyncset.done $0x0  }
0x56: {  	s28 =	sadd.s32 $0x800, s28;
	[sflag:s26] =	ssyncadd.s32 $0xFFFFC000  }
0x57: {  	[spmem:s3] =	stream.indirect.scatter.add.f32 [tilespmem:s22], [sflag:$0x2], $0x80, s28, s25, $0xb8;
	[tilespmem:$0x19000] =	vst v63  }
0x58: {  	_ =	swait.ge [sflag:s23], $0x4000  }
0x59: {  	[sflag:s23] =	ssyncset.done $0x0  }
0x5a: {  	s28 =	simm.s32 $0x0;
	[sflag:s23] =	ssyncadd.s32 $0xFFFFC000  }
0x5b: {  	[tilespmem:s28], [sflag:$0x2] =	stream.linear.gather [hbm4b:s12+s28], $0x800, $0x38;
	[tilespmem:$0x19000] =	vst v63  }
0x5c: {  	_ =	swait.ge [sflag:s23], $0x800  }
0x5d: {  	[sflag:s23] =	ssyncset.done $0x0  }
0x5e: {  	[sflag:s23] =	ssyncadd.s32 $0xFFFFF800  }
0x5f: {  	[tilespmem:s24], [sflag:$0x2] =	stream.linear.gather [hbm4b:s13+s28], $0x800, $0x38;
	[tilespmem:$0x19000] =	vst v63  }
0x60: {  	_ =	swait.ge [sflag:s23], $0x800  }
0x61: {  	[sflag:s23] =	ssyncset.done $0x0  }
0x62: {  	s28 =	simm.s32 $0x0;
	[sflag:s23] =	ssyncadd.s32 $0xFFFFF800  }
0x63: {  	[tilespmem:s22], [sflag:$0x1] =	stream.indirect.gather [hbm4b:s0+s25], $0x80, s28, s25, $0xb8;
	[tilespmem:$0x19000] =	vst v63  }
0x64: {  	_ =	swait.ge [sflag:s26], $0x4000  }
0x65: {  	[sflag:s26] =	ssyncset.done $0x0  }
0x66: {  	s28 =	simm.s32 $0x800;
	[sflag:s26] =	ssyncadd.s32 $0xFFFFC000  }
0x67: {  	[spmem:s3] =	stream.indirect.scatter.add.f32 [tilespmem:s22], [sflag:$0x2], $0x80, s28, s25, $0xb8;
	[tilespmem:$0x19000] =	vst v63  }
0x68: {  	_ =	swait.ge [sflag:s23], $0x4000  }
0x69: {  	s29 =	simm.s32 $0x400;
	s28 =	simm.s32 $0x200;
	[sflag:s23] =	ssyncset.done $0x0  }
.LBB2_6:
0x6a: {  	s30 =	sshra.s32 s28, $0x2  }
0x6b: {  	[sflag:s23] =	ssyncadd.s32 $0xFFFFC000;
	s28 =	smov.u32 s29;
	s31 =	sadd.s32 $0x200, s29  }
0x6c: {  	[tilespmem:s22], [sflag:$0x1] =	stream.indirect.gather [hbm4b:s0+s25], $0x80, s30, s25, $0xb8;
	[tilespmem:$0x19000] =	vst v63  }
0x6d: {  	p0 =	sne.s32 s29, $0x1E00;
	_ =	swait.ge [sflag:s26], $0x4000  }
.Ltmp2:
0x6e: {  	[sflag:s26] =	ssyncset.done $0x0;
	(pc) =	sbr.rel @p0 .LBB2_6-.Ltmp2, $4  }
0x6f: {  	s29 =	sadd.s32 $0x800, s30;
	[sflag:s26] =	ssyncadd.s32 $0xFFFFC000  }
0x70: {  	[spmem:s3] =	stream.indirect.scatter.add.f32 [tilespmem:s22], [sflag:$0x2], $0x80, s29, s25, $0xb8;
	[tilespmem:$0x19000] =	vst v63  }
0x71: {  	_ =	swait.ge [sflag:s23], $0x4000  }
0x72: {  	s29 =	smov.u32 s31;
	[sflag:s23] =	ssyncset.done $0x0  }
0x73: {  	s28 =	sshra.s32 s28, $0x2;
	[sflag:s23] =	ssyncadd.s32 $0xFFFFC000  }
0x74: {  	[tilespmem:s22], [sflag:$0x1] =	stream.indirect.gather [hbm4b:s0+s25], $0x80, s28, s25, $0xb8;
	[tilespmem:$0x19000] =	vst v63  }
0x75: {  	_ =	swait.ge [sflag:s26], $0x4000  }
0x76: {  	[sflag:s26] =	ssyncset.done $0x0  }
0x77: {  	s28 =	sadd.s32 $0x800, s28;
	[sflag:s26] =	ssyncadd.s32 $0xFFFFC000  }
0x78: {  	[spmem:s3] =	stream.indirect.scatter.add.f32 [tilespmem:s22], [sflag:$0x2], $0x80, s28, s25, $0xb8;
	[tilespmem:$0x19000] =	vst v63  }
0x79: {  	_ =	swait.ge [sflag:s23], $0x4000  }
0x7a: {  	[sflag:s23] =	ssyncset.done $0x0  }
0x7b: {  	s28 =	simm.s32 $0x0;
	[sflag:s23] =	ssyncadd.s32 $0xFFFFC000  }
0x7c: {  	[tilespmem:s28], [sflag:$0x2] =	stream.linear.gather [hbm4b:s14+s28], $0x800, $0x38;
	[tilespmem:$0x19000] =	vst v63  }
0x7d: {  	_ =	swait.ge [sflag:s23], $0x800  }
0x7e: {  	[sflag:s23] =	ssyncset.done $0x0  }
0x7f: {  	[sflag:s23] =	ssyncadd.s32 $0xFFFFF800  }
0x80: {  	[tilespmem:s24], [sflag:$0x2] =	stream.linear.gather [hbm4b:s15+s28], $0x800, $0x38;
	[tilespmem:$0x19000] =	vst v63  }
0x81: {  	_ =	swait.ge [sflag:s23], $0x800  }
0x82: {  	[sflag:s23] =	ssyncset.done $0x0  }
0x83: {  	s28 =	simm.s32 $0x0;
	[sflag:s23] =	ssyncadd.s32 $0xFFFFF800  }
0x84: {  	[tilespmem:s22], [sflag:$0x1] =	stream.indirect.gather [hbm4b:s0+s25], $0x80, s28, s25, $0xb8;
	[tilespmem:$0x19000] =	vst v63  }
0x85: {  	_ =	swait.ge [sflag:s26], $0x4000  }
0x86: {  	[sflag:s26] =	ssyncset.done $0x0  }
0x87: {  	s28 =	simm.s32 $0x800;
	[sflag:s26] =	ssyncadd.s32 $0xFFFFC000  }
0x88: {  	[spmem:s3] =	stream.indirect.scatter.add.f32 [tilespmem:s22], [sflag:$0x2], $0x80, s28, s25, $0xb8;
	[tilespmem:$0x19000] =	vst v63  }
0x89: {  	_ =	swait.ge [sflag:s23], $0x4000  }
0x8a: {  	s29 =	simm.s32 $0x400;
	s28 =	simm.s32 $0x200;
	[sflag:s23] =	ssyncset.done $0x0  }
.LBB2_8:
0x8b: {  	s30 =	sshra.s32 s28, $0x2  }
0x8c: {  	[sflag:s23] =	ssyncadd.s32 $0xFFFFC000;
	s28 =	smov.u32 s29;
	s31 =	sadd.s32 $0x200, s29  }
0x8d: {  	[tilespmem:s22], [sflag:$0x1] =	stream.indirect.gather [hbm4b:s0+s25], $0x80, s30, s25, $0xb8;
	[tilespmem:$0x19000] =	vst v63  }
0x8e: {  	p0 =	sne.s32 s29, $0x1E00;
	_ =	swait.ge [sflag:s26], $0x4000  }
.Ltmp3:
0x8f: {  	[sflag:s26] =	ssyncset.done $0x0;
	(pc) =	sbr.rel @p0 .LBB2_8-.Ltmp3, $4  }
0x90: {  	s29 =	sadd.s32 $0x800, s30;
	[sflag:s26] =	ssyncadd.s32 $0xFFFFC000  }
0x91: {  	[spmem:s3] =	stream.indirect.scatter.add.f32 [tilespmem:s22], [sflag:$0x2], $0x80, s29, s25, $0xb8;
	[tilespmem:$0x19000] =	vst v63  }
0x92: {  	_ =	swait.ge [sflag:s23], $0x4000  }
0x93: {  	s29 =	smov.u32 s31;
	[sflag:s23] =	ssyncset.done $0x0  }
0x94: {  	s28 =	sshra.s32 s28, $0x2;
	[sflag:s23] =	ssyncadd.s32 $0xFFFFC000  }
0x95: {  	[tilespmem:s22], [sflag:$0x1] =	stream.indirect.gather [hbm4b:s0+s25], $0x80, s28, s25, $0xb8;
	[tilespmem:$0x19000] =	vst v63  }
0x96: {  	_ =	swait.ge [sflag:s26], $0x4000  }
0x97: {  	[sflag:s26] =	ssyncset.done $0x0  }
0x98: {  	s28 =	sadd.s32 $0x800, s28;
	[sflag:s26] =	ssyncadd.s32 $0xFFFFC000  }
0x99: {  	[spmem:s3] =	stream.indirect.scatter.add.f32 [tilespmem:s22], [sflag:$0x2], $0x80, s28, s25, $0xb8;
	[tilespmem:$0x19000] =	vst v63  }
0x9a: {  	_ =	swait.ge [sflag:s23], $0x4000  }
0x9b: {  	[sflag:s23] =	ssyncset.done $0x0  }
0x9c: {  	s28 =	simm.s32 $0x0;
	[sflag:s23] =	ssyncadd.s32 $0xFFFFC000  }
0x9d: {  	[tilespmem:s28], [sflag:$0x2] =	stream.linear.gather [hbm4b:s16+s28], $0x800, $0x38;
	[tilespmem:$0x19000] =	vst v63  }
0x9e: {  	_ =	swait.ge [sflag:s23], $0x800  }
0x9f: {  	[sflag:s23] =	ssyncset.done $0x0  }
0xa0: {  	[sflag:s23] =	ssyncadd.s32 $0xFFFFF800  }
0xa1: {  	[tilespmem:s24], [sflag:$0x2] =	stream.linear.gather [hbm4b:s17+s28], $0x800, $0x38;
	[tilespmem:$0x19000] =	vst v63  }
0xa2: {  	_ =	swait.ge [sflag:s23], $0x800  }
0xa3: {  	[sflag:s23] =	ssyncset.done $0x0  }
0xa4: {  	s28 =	simm.s32 $0x0;
	[sflag:s23] =	ssyncadd.s32 $0xFFFFF800  }
0xa5: {  	[tilespmem:s22], [sflag:$0x1] =	stream.indirect.gather [hbm4b:s0+s25], $0x80, s28, s25, $0xb8;
	[tilespmem:$0x19000] =	vst v63  }
0xa6: {  	_ =	swait.ge [sflag:s26], $0x4000  }
0xa7: {  	[sflag:s26] =	ssyncset.done $0x0  }
0xa8: {  	s28 =	simm.s32 $0x800;
	[sflag:s26] =	ssyncadd.s32 $0xFFFFC000  }
0xa9: {  	[spmem:s3] =	stream.indirect.scatter.add.f32 [tilespmem:s22], [sflag:$0x2], $0x80, s28, s25, $0xb8;
	[tilespmem:$0x19000] =	vst v63  }
0xaa: {  	_ =	swait.ge [sflag:s23], $0x4000  }
0xab: {  	s29 =	simm.s32 $0x400;
	s28 =	simm.s32 $0x200;
	[sflag:s23] =	ssyncset.done $0x0  }
.LBB2_10:
0xac: {  	s30 =	sshra.s32 s28, $0x2  }
0xad: {  	[sflag:s23] =	ssyncadd.s32 $0xFFFFC000;
	s28 =	smov.u32 s29;
	s31 =	sadd.s32 $0x200, s29  }
0xae: {  	[tilespmem:s22], [sflag:$0x1] =	stream.indirect.gather [hbm4b:s0+s25], $0x80, s30, s25, $0xb8;
	[tilespmem:$0x19000] =	vst v63  }
0xaf: {  	p0 =	sne.s32 s29, $0x1E00;
	_ =	swait.ge [sflag:s26], $0x4000  }
.Ltmp4:
0xb0: {  	[sflag:s26] =	ssyncset.done $0x0;
	(pc) =	sbr.rel @p0 .LBB2_10-.Ltmp4, $4  }
0xb1: {  	s29 =	sadd.s32 $0x800, s30;
	[sflag:s26] =	ssyncadd.s32 $0xFFFFC000  }
0xb2: {  	[spmem:s3] =	stream.indirect.scatter.add.f32 [tilespmem:s22], [sflag:$0x2], $0x80, s29, s25, $0xb8;
	[tilespmem:$0x19000] =	vst v63  }
0xb3: {  	_ =	swait.ge [sflag:s23], $0x4000  }
0xb4: {  	s29 =	smov.u32 s31;
	[sflag:s23] =	ssyncset.done $0x0  }
0xb5: {  	s28 =	sshra.s32 s28, $0x2;
	[sflag:s23] =	ssyncadd.s32 $0xFFFFC000  }
0xb6: {  	[tilespmem:s22], [sflag:$0x1] =	stream.indirect.gather [hbm4b:s0+s25], $0x80, s28, s25, $0xb8;
	[tilespmem:$0x19000] =	vst v63  }
0xb7: {  	_ =	swait.ge [sflag:s26], $0x4000  }
0xb8: {  	[sflag:s26] =	ssyncset.done $0x0  }
0xb9: {  	s28 =	sadd.s32 $0x800, s28;
	[sflag:s26] =	ssyncadd.s32 $0xFFFFC000  }
0xba: {  	[spmem:s3] =	stream.indirect.scatter.add.f32 [tilespmem:s22], [sflag:$0x2], $0x80, s28, s25, $0xb8;
	[tilespmem:$0x19000] =	vst v63  }
0xbb: {  	_ =	swait.ge [sflag:s23], $0x4000  }
0xbc: {  	[sflag:s23] =	ssyncset.done $0x0  }
0xbd: {  	s28 =	simm.s32 $0x0;
	[sflag:s23] =	ssyncadd.s32 $0xFFFFC000  }
0xbe: {  	[tilespmem:s28], [sflag:$0x2] =	stream.linear.gather [hbm4b:s18+s28], $0x800, $0x38;
	[tilespmem:$0x19000] =	vst v63  }
0xbf: {  	_ =	swait.ge [sflag:s23], $0x800  }
0xc0: {  	[sflag:s23] =	ssyncset.done $0x0  }
0xc1: {  	[sflag:s23] =	ssyncadd.s32 $0xFFFFF800  }
0xc2: {  	[tilespmem:s24], [sflag:$0x2] =	stream.linear.gather [hbm4b:s19+s28], $0x800, $0x38;
	[tilespmem:$0x19000] =	vst v63  }
0xc3: {  	_ =	swait.ge [sflag:s23], $0x800  }
0xc4: {  	[sflag:s23] =	ssyncset.done $0x0  }
0xc5: {  	s28 =	simm.s32 $0x0;
	[sflag:s23] =	ssyncadd.s32 $0xFFFFF800  }
0xc6: {  	[tilespmem:s22], [sflag:$0x1] =	stream.indirect.gather [hbm4b:s0+s25], $0x80, s28, s25, $0xb8;
	[tilespmem:$0x19000] =	vst v63  }
0xc7: {  	_ =	swait.ge [sflag:s26], $0x4000  }
0xc8: {  	[sflag:s26] =	ssyncset.done $0x0  }
0xc9: {  	s28 =	simm.s32 $0x800;
	[sflag:s26] =	ssyncadd.s32 $0xFFFFC000  }
0xca: {  	[spmem:s3] =	stream.indirect.scatter.add.f32 [tilespmem:s22], [sflag:$0x2], $0x80, s28, s25, $0xb8;
	[tilespmem:$0x19000] =	vst v63  }
0xcb: {  	_ =	swait.ge [sflag:s23], $0x4000  }
0xcc: {  	s29 =	simm.s32 $0x400;
	s28 =	simm.s32 $0x200;
	[sflag:s23] =	ssyncset.done $0x0  }
.LBB2_12:
0xcd: {  	s30 =	sshra.s32 s28, $0x2  }
0xce: {  	[sflag:s23] =	ssyncadd.s32 $0xFFFFC000;
	s28 =	smov.u32 s29;
	s31 =	sadd.s32 $0x200, s29  }
0xcf: {  	[tilespmem:s22], [sflag:$0x1] =	stream.indirect.gather [hbm4b:s0+s25], $0x80, s30, s25, $0xb8;
	[tilespmem:$0x19000] =	vst v63  }
0xd0: {  	p0 =	sne.s32 s29, $0x1E00;
	_ =	swait.ge [sflag:s26], $0x4000  }
.Ltmp5:
0xd1: {  	[sflag:s26] =	ssyncset.done $0x0;
	(pc) =	sbr.rel @p0 .LBB2_12-.Ltmp5, $4  }
0xd2: {  	s29 =	sadd.s32 $0x800, s30;
	[sflag:s26] =	ssyncadd.s32 $0xFFFFC000  }
0xd3: {  	[spmem:s3] =	stream.indirect.scatter.add.f32 [tilespmem:s22], [sflag:$0x2], $0x80, s29, s25, $0xb8;
	[tilespmem:$0x19000] =	vst v63  }
0xd4: {  	_ =	swait.ge [sflag:s23], $0x4000  }
0xd5: {  	s29 =	smov.u32 s31;
	[sflag:s23] =	ssyncset.done $0x0  }
0xd6: {  	s28 =	sshra.s32 s28, $0x2;
	[sflag:s23] =	ssyncadd.s32 $0xFFFFC000  }
0xd7: {  	[tilespmem:s22], [sflag:$0x1] =	stream.indirect.gather [hbm4b:s0+s25], $0x80, s28, s25, $0xb8;
	[tilespmem:$0x19000] =	vst v63  }
0xd8: {  	_ =	swait.ge [sflag:s26], $0x4000  }
0xd9: {  	[sflag:s26] =	ssyncset.done $0x0  }
0xda: {  	s28 =	sadd.s32 $0x800, s28;
	[sflag:s26] =	ssyncadd.s32 $0xFFFFC000  }
0xdb: {  	[spmem:s3] =	stream.indirect.scatter.add.f32 [tilespmem:s22], [sflag:$0x2], $0x80, s28, s25, $0xb8;
	[tilespmem:$0x19000] =	vst v63  }
0xdc: {  	_ =	swait.ge [sflag:s23], $0x4000  }
0xdd: {  	s31 =	sshll.u32 s2, $0x6;
	s4 =	sadd.s32 $0x1, s4;
	[sflag:s23] =	ssyncset.done $0x0  }
0xde: {  	s29 =	sshrl.u32 s5, $0x3;
	p0 =	sne.s32 s4, s21;
	[sflag:s23] =	ssyncadd.s32 $0xFFFFC000  }
.Ltmp6:
0xdf: {  	s28 =	sor.u32 $0x1C02, s31;
	[bflag:$0x0] =	sbarrier.arrive $0xFFFF;
	(pc) =	sbr.rel @p0 .LBB2_1-.Ltmp6, $4  }
0xe0: {  	[hbm:s20], [sflag:s28] =	dma.local [spmem:s29], $0x2800  }
0xe1: {  	_ =	swait.ge [sflag:s23], $0x2800  }
0xe2: {  	[sflag:s23] =	ssyncset.done $0x0  }
0xe3: {  	[sflag:s23] =	ssyncadd.s32 $0xFFFFD800  }
0xe4: {  	_ =	sfence.sel $0x180000  }
0xe5: {  	[bflag:$0x0] =	sbarrier.arrive $0xFFFF  }
0xe6: {  	p0 =	sne.s32 s2, $0x0;
	_ =	strace $0x9000004D  }
0xe7: {  	s0 =	sadd.s32 @!p0 $0x100000, s1;
	[bflag:$0x2] =	sbarrier.arrive $0xFFFF  }
0xe8: {  	[sflag:s0] =	ssyncadd.tile.s32 @!p0 $0x1;
	_ =	shalt  }
.Lfunc_end2:
_tile_overlayer_lowered:
.L_overlay_start_2:
0xe9: {  	(tag) =	ssettag $0x2  }
0xea: {  	s0 =	rddreg [dreg:$0x0];
	s2 =	stileid.u32  }
0xeb: {  	s1 =	rddreg [dreg:$0x1];
	p0 =	sne.s32 s2, $0x0  }
0xec: {  	s3 =	rddreg [dreg:$0x2];
	[bflag:$0x3] =	sbarrier.arrive $0xFFFF;
	s2 =	simm.s32 @!p0 $0x1C02  }
0xed: {  	[timem:s3], [sflag:s2] =	dma.local @!p0 [hbm:s0], s1  }
0xee: {  	s0 =	simm.s32 @!p0 $0x2  }
0xef: {  	_ =	swait.ge @!p0 [sflag:s0], s1  }
0xf0: {  	s1 =	ssub.s32 @!p0 $0x0, s1;
	[sflag:s0] =	ssyncset.done @!p0 $0x0  }
0xf1: {  	[sflag:s0] =	ssyncadd.s32 @!p0 s1  }
0xf2: {  	[bflag:$0x3] =	sbarrier.arrive $0xFFFF  }
0xf3: {  	_ =	shalt  }

// kernel: kernel.8.cloned.1.call-start
scs
__scs_entry_jumppad:
0x0: {  	(pc) =	sbr.rel $0x88, $3  }
0x1: {  	(tag) =	ssettag $0x0;
	lr =	simm.s32 $0x1  }
0x2: {  	[smem:$0x3F99] =	sst lr;
	_ =	strace $0xD0000000  }
0x3: {  	_ = 	snop  }
0x4: {  	_ = 	snop  }
0x5: {  	_ = 	snop  }
0x6: {  	_ = 	snop  }
0x7: {  	_ = 	snop  }
__scs_overlays_trampoline_lowered:
0x8: {  	[smem:$0x3FA8] =	sst s0  }
0x9: {  	[smem:$0x3FA9] =	sst s1  }
0xa: {  	[smem:$0x3FAA] =	sst s2  }
0xb: {  	[smem:$0x3FAB] =	sst s3  }
0xc: {  	[smem:$0x3FAC] =	sst s4  }
0xd: {  	[smem:$0x3FAD] =	sst s5  }
0xe: {  	[smem:$0x3FAE] =	sst s6  }
0xf: {  	[smem:$0x3FAF] =	sst s7  }
0x10: {  	[smem:$0x3FB0] =	sst s8  }
0x11: {  	[smem:$0x3FB1] =	sst s9;
	s0 =	simm.s32 @!p0 $0x0  }
0x12: {  	s1 =	sld [smem:$0x3F97];
	s0 =	simm.s32 @p0 $0x1  }
0x13: {  	[smem:$0x3FB2] =	sst s0;
	s0 =	simm.s32 @!p1 $0x0  }
0x14: {  	s2 =	sld [smem:$0x3F96];
	s0 =	simm.s32 @p1 $0x1  }
0x15: {  	[smem:$0x3FB3] =	sst s0;
	s0 =	simm.s32 @!p2 $0x0  }
0x16: {  	s3 =	sld [smem:$0x3FDB];
	s0 =	simm.s32 @p2 $0x1  }
0x17: {  	s4 =	simm.s32 $0x1BF5;
	[smem:$0x3FB5] =	sst s0  }
0x18: {  	s0 =	sld [smem:$0x3F98];
	_ =	swait.ge [sflag:s4], $0x0  }
0x19: {  	s7 =	sld [smem:$0x3F99]  }
0x1a: {  	s8 =	sadd.s32 $0xFFFFE003, lr  }
0x1b: {  	s9 =	sadd.s32 $0xFFFFFEF7, lr;
	s5 =	simm.s32 $0xFFFFFFFF;
	p2 =	slt.u32 s8, $0xFFFFF086  }
0x1c: {  	p1 =	slt.u32 s9, $0xF7A;
	s5 =	simm.s32 @!p2 $0x0  }
0x1d: {  	s5 =	simm.s32 @p1 $0x1;
	p0 =	seq.s32 s7, s2  }
0x1e: {  	s7 =	smul.u32 @!p0 $0xF7A, s2;
	p2 =	seq.s32 @!p0 s5, $0x0  }
0x1f: {  	s9 =	smul.u32 $0xF7A, s1;
	s8 =	simm.s32 @!p0 $0x1BF5;
	p2 =	por !p2, p0  }
0x20: {  	[sflag:s8] =	ssyncset.s32 @!p0 $0xFFFFF086;
	s6 =	sadd.s32 @!p0 s3, s7;
	s7 =	simm.s32 @!p0 $0x108  }
0x21: {  	s3 =	sadd.s32 s3, s9;
	s6 =	sadd.s32 @!p0 $0x88, s6;
	s7 =	simm.s32 @p2 $0x1082  }
0x22: {  	[simem:s7], [sflag:s8] =	dma.local @!p0 [hbm:s6], $0xF7A  }
0x23: {  	s9 =	sor.u32 $0xD0000000, s2;
	s6 =	simm.s32 $0x108;
	_ =	swait.ge @!p0 [sflag:s8], $0x0  }
0x24: {  	s3 =	sadd.s32 $0x88, s3;
	s6 =	simm.s32 @!p1 $0x1082;
	[sflag:s4] =	ssyncset.s32 $0xFFFFF086  }
0x25: {  	[simem:s6], [sflag:s4] =	dma.local [hbm:s3], $0xF7A  }
0x26: {  	[smem:$0x3F99] =	sst s1;
	(tag) =	ssettag s2;
	_ =	strace s9  }
0x27: {  	s1 =	sld [smem:$0x3FA9]  }
0x28: {  	s2 =	sld [smem:$0x3FAA]  }
0x29: {  	s4 =	sld [smem:$0x3FAC]  }
0x2a: {  	p0 =	seq.s32 s5, $0x0;
	s5 =	sld [smem:$0x3FAD]  }
0x2b: {  	s6 =	sld [smem:$0x3FAE]  }
0x2c: {  	s7 =	sld [smem:$0x3FAF]  }
0x2d: {  	s3 =	simm.s32 $0x108;
	s8 =	sld [smem:$0x3FB0]  }
0x2e: {  	s3 =	simm.s32 @!p0 $0x1082;
	s9 =	sld [smem:$0x3FB1]  }
0x2f: {  	lr =	sadd.s32 s0, s3;
	s0 =	sld [smem:$0x3FA8]  }
0x30: {  	s3 =	sld [smem:$0x3FAB]  }
0x31: {  	[smem:$0x3FB4] =	sst s10  }
0x32: {  	s10 =	sld [smem:$0x3FB2];
	_ =	sdelay $0x3  }
0x33: {  	p0 =	seq.s32 s10, $0x1;
	s10 =	sld [smem:$0x3FB4];
	_ =	sdelay $0x3  }
0x34: {  	[smem:$0x3FB4] =	sst s10  }
0x35: {  	s10 =	sld [smem:$0x3FB3];
	_ =	sdelay $0x3  }
0x36: {  	p1 =	seq.s32 s10, $0x1;
	s10 =	sld [smem:$0x3FB4];
	_ =	sdelay $0x3  }
0x37: {  	[smem:$0x3FB4] =	sst s10  }
0x38: {  	s10 =	sld [smem:$0x3FB5]  }
0x39: {  	_ = 	snop;
	(pc) =	sbr.ind lr, $3  }
0x3a: {  	_ = 	snop  }
0x3b: {  	_ = 	snop  }
0x3c: {  	p2 =	seq.s32 s10, $0x1;
	s10 =	sld [smem:$0x3FB4]  }
0x3d: {  	_ =	shalt  }
0x3e: {  	_ =	shalt  }
0x3f: {  	_ =	shalt  }
0x40: {  	_ =	shalt  }
0x41: {  	_ =	shalt  }
0x42: {  	_ =	shalt  }
0x43: {  	_ =	shalt  }
0x44: {  	_ =	shalt  }
0x45: {  	_ =	shalt  }
0x46: {  	_ =	shalt  }
0x47: {  	_ =	shalt  }
0x48: {  	_ =	shalt  }
0x49: {  	_ =	shalt  }
0x4a: {  	_ =	shalt  }
0x4b: {  	_ =	shalt  }
0x4c: {  	_ =	shalt  }
0x4d: {  	_ =	shalt  }
0x4e: {  	_ =	shalt  }
0x4f: {  	_ =	shalt  }
0x50: {  	_ =	shalt  }
0x51: {  	_ =	shalt  }
0x52: {  	_ =	shalt  }
0x53: {  	_ =	shalt  }
0x54: {  	_ =	shalt  }
0x55: {  	_ =	shalt  }
0x56: {  	_ =	shalt  }
0x57: {  	_ =	shalt  }
0x58: {  	_ =	shalt  }
0x59: {  	_ =	shalt  }
0x5a: {  	_ =	shalt  }
0x5b: {  	_ =	shalt  }
0x5c: {  	_ =	shalt  }
0x5d: {  	_ =	shalt  }
0x5e: {  	_ =	shalt  }
0x5f: {  	_ =	shalt  }
0x60: {  	_ =	shalt  }
0x61: {  	_ =	shalt  }
0x62: {  	_ =	shalt  }
0x63: {  	_ =	shalt  }
0x64: {  	_ =	shalt  }
0x65: {  	_ =	shalt  }
0x66: {  	_ =	shalt  }
0x67: {  	_ =	shalt  }
0x68: {  	_ =	shalt  }
0x69: {  	_ =	shalt  }
0x6a: {  	_ =	shalt  }
0x6b: {  	_ =	shalt  }
0x6c: {  	_ =	shalt  }
0x6d: {  	_ =	shalt  }
0x6e: {  	_ =	shalt  }
0x6f: {  	_ =	shalt  }
0x70: {  	_ =	shalt  }
0x71: {  	_ =	shalt  }
0x72: {  	_ =	shalt  }
0x73: {  	_ =	shalt  }
0x74: {  	_ =	shalt  }
0x75: {  	_ =	shalt  }
0x76: {  	_ =	shalt  }
0x77: {  	_ =	shalt  }
0x78: {  	_ =	shalt  }
0x79: {  	_ =	shalt  }
0x7a: {  	_ =	shalt  }
0x7b: {  	_ =	shalt  }
0x7c: {  	_ =	shalt  }
0x7d: {  	_ =	shalt  }
0x7e: {  	_ =	shalt  }
0x7f: {  	_ =	shalt  }
0x80: {  	_ =	shalt  }
0x81: {  	_ =	shalt  }
0x82: {  	_ =	shalt  }
0x83: {  	_ =	shalt  }
0x84: {  	_ =	shalt  }
0x85: {  	_ =	shalt  }
0x86: {  	_ =	shalt  }
0x87: {  	_ =	shalt  }
.Lfunc_end0:
.L_simem_size_0:
called_computation_lowered:
.L_overlay_start_0:
0x88: {  	s2 =	sld [smem:$0x3FD9]  }
0x89: {  	s3 =	sld [smem:$0x3FFE];
	_ =	sdelay $0x1  }
0x8a: {  	s1 =	srdreg.scid  }
0x8b: {  	s0 =	sand.u32 $0x1, s1  }
0x8c: {  	s17 =	sshll.u32 s0, $0xA;
	s2 =	sadd.s32 s3, s2  }
0x8d: {  	s2 =	sadd.s32 s2, s17  }
0x8e: {  	[smem:$0x3FC0] =	sst s2  }
0x8f: {  	_ = 	snop  }
0x90: {  	(tm) =	ssettm $0x1  }
0x91: {  	s18 =	sld [smem:$0x3FFB];
	_ =	sdelay $0x3  }
0x92: {  	_ =	strace s18  }
0x93: {  	s2 =	sld [smem:$0x3FFC];
	_ =	sdelay $0x3  }
0x94: {  	_ =	strace s2  }
0x95: {  	s2 =	sld [smem:$0x3FFD];
	_ =	sdelay $0x3  }
0x96: {  	_ =	strace s2  }
0x97: {  	_ =	strace $0x8FFFFFFF  }
0x98: {  	s19 =	sld [smem:$0x3FDB];
	_ =	sdelay $0x1  }
0x99: {  	s20 =	simm.s32 $_scs_section_size  }
0x9a: {  	s4 =	simm.s32 $_size__tile_overlayer_lowered;
	s5 =	simm.s32 $_tile_overlayer_lowered  }
0x9b: {  	s6 =	simm.s32 $0x1BFF;
	s21 =	sshll.u32 s5, $0x1;
	s3 =	sadd.s32 s20, s19  }
0x9c: {  	s22 =	simm.s32 $0x0;
	s4 =	sshll.u32 s4, $0x1;
	s5 =	sadd.s32 s21, s3  }
0x9d: {  	[timem:s22], [sflag:s6] =	dma.local [hbm:s5], s4  }
0x9e: {  	_ =	swait.ge [sflag:s6], s4  }
0x9f: {  	s4 =	ssub.s32 $0x0, s4;
	[sflag:s6] =	ssyncset.done $0x0  }
0xa0: {  	[sflag:s6] =	ssyncadd.s32 s4;
	_ =	sdelay $0x1  }
0xa1: {  	s23 =	simm.s32 $0x1B8B  }
0xa2: {  	_ =	swait.ge [sflag:s23], $0x1  }
0xa3: {  	[sflag:s23] =	ssyncset.done $0x0  }
0xa4: {  	[sflag:s23] =	ssyncadd.s32 $0xFFFFFFFF  }
0xa5: {  	s4 =	sld [smem:$0x0]  }
0xa6: {  	s5 =	sand.u32 $0xFFFFFFFE, s1  }
0xa7: {  	p0 =	sne.s32 s1, s5  }
0xa8: {  	s5 =	sshll.u32 @p0 s5, $0xE  }
0xa9: {  	s5 =	sadd.s32 @p0 $0x11B8D, s5;
	s6 =	sshll.u32 @p0 s4, $0x11  }
0xaa: {  	s5 =	sor.u32 @p0 s6, s5  }
0xab: {  	[sflag:s5] =	ssyncadd.remote.s32 @p0 $0x1;
	_ =	sdelay $0x1  }
0xac: {  	s5 =	simm.s32 @p0 $0x1B8D  }
0xad: {  	_ =	swait.eq @p0 [sflag:s5], $0x1  }
0xae: {  	[sflag:s5] =	ssyncadd.s32 @p0 $0xFFFFFFFF  }
0xaf: {  	s6 =	sshll.u32 @!p0 s1, $0xE  }
0xb0: {  	s6 =	sor.u32 @!p0 $0x4000, s6;
	s5 =	simm.s32 @!p0 $0x1B8D  }
0xb1: {  	s4 =	sshll.u32 @!p0 s4, $0x11;
	s6 =	sadd.s32 @!p0 $0x11B8D, s6;
	_ =	swait.eq @!p0 [sflag:s5], $0x1  }
0xb2: {  	s4 =	sor.u32 @!p0 s4, s6;
	[sflag:s5] =	ssyncadd.s32 @!p0 $0xFFFFFFFF  }
0xb3: {  	s25 =	simm.s32 $0x1B8E;
	s24 =	sld [smem:$0x3FFE];
	[sflag:s4] =	ssyncadd.remote.s32 @!p0 $0x1  }
0xb4: {  	s26 =	simm.s32 $execute0_lowered;
	[smem:$0x3FD2] =	sst s25  }
0xb5: {  	s5 =	sshll.u32 s26, $0x1;
	_ =	strace $0x80000049;
	[dreg:$0x1] =	wrdreg $0xFFFFFFFF  }
0xb6: {  	s28 =	simm.s32 $_size_execute0_lowered;
	s3 =	sadd.s32 s3, s5;
	[dreg:$0x0] =	wrdreg $0x0  }
0xb7: {  	s5 =	sshll.u32 s28, $0x1;
	[dreg:$0x2] =	wrdreg s3  }
0xb8: {  	[dreg:$0x3] =	wrdreg s5  }
0xb9: {  	[dreg:$0x4] =	wrdreg $0xC0  }
0xba: {  	_ =	task [dreg:s22], $0x5FFFF  }
0xbb: {  	[dreg:$0x1] =	wrdreg $0xFFFFFFFF  }
0xbc: {  	[dreg:$0x0] =	wrdreg $0x60  }
0xbd: {  	[dreg:$0x2] =	wrdreg s24  }
0xbe: {  	[dreg:$0x3] =	wrdreg $0x48000  }
0xbf: {  	[dreg:$0x4] =	wrdreg $0x9  }
0xc0: {  	_ =	task.clear_ibuf [dreg:s22], $0x5FFFF;
	_ =	strace $0x90000049  }
0xc1: {  	s29 =	simm.s32 $0x9;
	_ =	strace $0x8000004B  }
0xc2: {  	_ =	swait.ge [sflag:s29], $0x1  }
0xc3: {  	[sflag:s29] =	ssyncadd.s32 $0xFFFFFFFF  }
0xc4: {  	_ =	strace $0x9000004B  }
0xc5: {  	_ =	sfence  }
0xc6: {  	s30 =	sld [smem:$0x0];
	_ =	sdelay $0x2  }
0xc7: {  	s31 =	sshll.u32 s1, $0xD;
	s1 =	sshrl.u32 s1, $0x2  }
0xc8: {  	s4 =	sand.u32 $0x4000, s31;
	s1 =	sadd.s32 s1, s30  }
0xc9: {  	s0 =	sor.u32 s4, s0;
	s1 =	sshll.u32 s1, $0x11  }
0xca: {  	s0 =	sor.u32 s1, s0  }
0xcb: {  	s0 =	sadd.s32 $0x8F2B, s0  }
0xcc: {  	[sflag:s0] =	ssyncadd.remote.s32 $0x1  }
0xcd: {  	_ =	sfence.sel $0xFFFF  }
0xce: {  	[dreg:$0x0] =	wrdreg $0xFFFFFFFF;
	(pc) =	sbr.abs _section_cstart, $3  }
0xcf: {  	[dreg:$0x1] =	wrdreg $0xFFFFFFFF  }
0xd0: {  	_ =	task.clear_ibuf [dreg:s22], $0x2FFFF;
	_ =	strace $0x9FFFFFFF  }
0xd1: {  	(tm) =	ssettm $0x7FFFFFFF  }
tec
execute0_lowered:
.L_overlay_start_1:
0x0: {  	(tag) =	ssettag $0x1  }
0x1: {  	s0 =	srdreg.scid;
	s4 =	rddreg [dreg:$0x0]  }
0x2: {  	s7 =	stileid.u32;
	s2 =	rddreg [dreg:$0x1];
	s3 =	simm.s32 $0x0  }
0x3: {  	s16 =	simm.s32 $0x800;
	s17 =	simm.s32 $0x1;
	s18 =	simm.s32 $0x80  }
0x4: {  	s19 =	simm.s32 $0x100;
	s20 =	simm.s32 $0x180;
	s21 =	simm.s32 $0x200  }
0x5: {  	s22 =	simm.s32 $0x280;
	s28 =	simm.s32 $0x500;
	s29 =	simm.s32 $0x580  }
0x6: {  	s30 =	simm.s32 $0x600;
	s31 =	simm.s32 $0x680;
	s6 =	smul.u32 $0x14000, s7  }
0x7: {  	s0 =	sand.u32 $0x1, s0;
	s1 =	sshll.u32 s7, $0x1;
	s7 =	smul.u32 $0x50000, s7  }
0x8: {  	[smem:$0x7FF] =	sst s3;
	s1 =	sor.u32 s0, s1;
	s5 =	smul.u32 $0x140000, s0  }
0x9: {  	_ =	strace $0x8000004A;
	s0 =	ssub.s32 $0x2, s0;
	s1 =	smul.u32 $0x2800, s1  }
0xa: {  	s23 =	sshrl.u32 s7, $0x2;
	s24 =	sshrl.u32 s0, $0x1;
	s5 =	sadd.s32 s6, s5  }
0xb: {  	s0 =	ssub.s32 s0, s24;
	s24 =	simm.s32 $0x380;
	s1 =	sshrl.u32 s1, $0x3  }
0xc: {  	s5 =	sshrl.u32 s5, $0x3;
	s15 =	smax.u32 s0, $0x1;
	s0 =	simm.s32 $0x780  }
0xd: {  	s1 =	sadd.s32 s1, s4;
	s5 =	sadd.s32 s5, s4;
	s4 =	sadd.s32 s23, s2  }
0xe: {  	s23 =	simm.s32 $0x300;
	s6 =	sadd.s32 $0x4000, s4;
	s25 =	sadd.s32 $0x8000, s4  }
0xf: {  	s26 =	sadd.s32 $0xC000, s4;
	s8 =	sadd.s32 $0x10000, s4;
	s9 =	sadd.s32 $0xC800, s1  }
0x10: {  	s10 =	sadd.s32 $0xC900, s1;
	s11 =	sadd.s32 $0xCA00, s1;
	s12 =	sadd.s32 $0xCB00, s1  }
0x11: {  	s13 =	sadd.s32 $0xCC00, s1;
	s14 =	sadd.s32 $0x66800, s5;
	[dreg:$0x3] =	wrdreg s6  }
0x12: {  	s1 =	simm.s32 $0x700;
	s5 =	simm.s32 $0x0;
	[dreg:$0x4] =	wrdreg s25  }
0x13: {  	v0 =	vimm.f32 $0.0e+00;
	v1 =	vimm.f32 $1.000000000e+00;
	[dreg:$0x5] =	wrdreg s26;
	s25 =	simm.s32 $0x400;
	s26 =	simm.s32 $0x480  }
.LBB2_1:
0x14: {  	s6 =	simm.s32 $0x0;
	s7 =	simm.s32 $0x200  }
.LBB2_2:
0x15: {  	p0 =	sne.s32 s7, $0xFE00;
	[tilespmem:s6+$0x870] =	vst v0  }
0x16: {  	[tilespmem:s6+$0x800] =	vst v0  }
0x17: {  	[tilespmem:s6+$0x810] =	vst v0  }
.Ltmp0:
0x18: {  	[tilespmem:s6+$0x820] =	vst v0;
	(pc) =	sbr.rel @p0 .LBB2_2-.Ltmp0, $4  }
0x19: {  	[tilespmem:s6+$0x830] =	vst v0  }
0x1a: {  	[tilespmem:s6+$0x840] =	vst v0  }
0x1b: {  	[tilespmem:s6+$0x850] =	vst v0  }
0x1c: {  	[tilespmem:s6+$0x860] =	vst v0;
	s6 =	sshra.s32 s7, $0x2;
	s7 =	sadd.s32 $0x200, s7  }
0x1d: {  	[tilespmem:s6+$0x870] =	vst v0  }
0x1e: {  	[tilespmem:s6+$0x800] =	vst v0  }
0x1f: {  	[tilespmem:s6+$0x810] =	vst v0  }
0x20: {  	[tilespmem:s6+$0x820] =	vst v0  }
0x21: {  	[tilespmem:s6+$0x830] =	vst v0  }
0x22: {  	[tilespmem:s6+$0x840] =	vst v0  }
0x23: {  	[tilespmem:s6+$0x850] =	vst v0  }
0x24: {  	[tilespmem:s6+$0x860] =	vst v0  }
0x25: {  	[spmem:s4] =	stream.linear.scatter [tilespmem:s16], [sflag:$0x1], $0x4000, $0x38;
	[tilespmem:$0x18800] =	vst v63  }
0x26: {  	_ =	swait.ge [sflag:s17], $0x4000  }
0x27: {  	[sflag:s17] =	ssyncset.done $0x0  }
0x28: {  	s7 =	rddreg [dreg:$0x3];
	[sflag:s17] =	ssyncadd.s32 $0xFFFFC000  }
0x29: {  	[spmem:s7] =	stream.linear.scatter [tilespmem:s16], [sflag:$0x1], $0x4000, $0x38;
	[tilespmem:$0x18800] =	vst v63  }
0x2a: {  	_ =	swait.ge [sflag:s17], $0x4000  }
0x2b: {  	[sflag:s17] =	ssyncset.done $0x0  }
0x2c: {  	s7 =	rddreg [dreg:$0x4];
	[sflag:s17] =	ssyncadd.s32 $0xFFFFC000  }
0x2d: {  	[spmem:s7] =	stream.linear.scatter [tilespmem:s16], [sflag:$0x1], $0x4000, $0x38;
	[tilespmem:$0x18800] =	vst v63  }
0x2e: {  	_ =	swait.ge [sflag:s17], $0x4000  }
0x2f: {  	[sflag:s17] =	ssyncset.done $0x0  }
0x30: {  	s7 =	rddreg [dreg:$0x5];
	[sflag:s17] =	ssyncadd.s32 $0xFFFFC000  }
0x31: {  	[spmem:s7] =	stream.linear.scatter [tilespmem:s16], [sflag:$0x1], $0x4000, $0x38;
	[tilespmem:$0x18800] =	vst v63  }
0x32: {  	_ =	swait.ge [sflag:s17], $0x4000  }
0x33: {  	[sflag:s17] =	ssyncset.done $0x0  }
0x34: {  	[sflag:s17] =	ssyncadd.s32 $0xFFFFC000  }
0x35: {  	[spmem:s8] =	stream.linear.scatter [tilespmem:s16], [sflag:$0x1], $0x4000, $0x38;
	[tilespmem:$0x18800] =	vst v63  }
0x36: {  	_ =	swait.ge [sflag:s17], $0x4000  }
0x37: {  	[sflag:s17] =	ssyncset.done $0x0  }
0x38: {  	s6 =	simm.s32 $0x0;
	s7 =	simm.s32 $0x200;
	[sflag:s17] =	ssyncadd.s32 $0xFFFFC000  }
.LBB2_4:
0x39: {  	p0 =	sne.s32 s7, $0xFE00;
	[tilespmem:s6+$0x870] =	vst v1  }
0x3a: {  	[tilespmem:s6+$0x800] =	vst v1  }
0x3b: {  	[tilespmem:s6+$0x810] =	vst v1  }
.Ltmp1:
0x3c: {  	[tilespmem:s6+$0x820] =	vst v1;
	(pc) =	sbr.rel @p0 .LBB2_4-.Ltmp1, $4  }
0x3d: {  	[tilespmem:s6+$0x830] =	vst v1  }
0x3e: {  	[tilespmem:s6+$0x840] =	vst v1  }
0x3f: {  	[tilespmem:s6+$0x850] =	vst v1  }
0x40: {  	[tilespmem:s6+$0x860] =	vst v1;
	s6 =	sshra.s32 s7, $0x2;
	s7 =	sadd.s32 $0x200, s7  }
0x41: {  	[tilespmem:s6+$0x870] =	vst v1  }
0x42: {  	[tilespmem:s6+$0x800] =	vst v1  }
0x43: {  	[tilespmem:s6+$0x810] =	vst v1  }
0x44: {  	[tilespmem:s6+$0x820] =	vst v1  }
0x45: {  	[tilespmem:s6+$0x830] =	vst v1  }
0x46: {  	[tilespmem:s6+$0x840] =	vst v1  }
0x47: {  	[tilespmem:s6+$0x850] =	vst v1  }
0x48: {  	[tilespmem:s6+$0x860] =	vst v1  }
0x49: {  	[bflag:$0x0] =	sbarrier.arrive $0xFFFF  }
0x4a: {  	[tilespmem:s3], [sflag:$0x1] =	stream.linear.gather [hbm4b:s9+s3], $0x800, $0x38;
	[tilespmem:$0x18800] =	vst v63  }
0x4b: {  	_ =	swait.ge [sflag:s17], $0x800  }
0x4c: {  	[sflag:s17] =	ssyncset.done $0x0  }
0x4d: {  	[sflag:s17] =	ssyncadd.s32 $0xFFFFF800  }
0x4e: {  	[spmem:s2] =	stream.indirect.scatter.add.f32 [tilespmem:s16], [sflag:$0x1], $0x80, s3, s18, $0xb8;
	[tilespmem:$0x18800] =	vst v63  }
0x4f: {  	_ =	swait.ge [sflag:s17], $0x4000  }
0x50: {  	[sflag:s17] =	ssyncset.done $0x0  }
0x51: {  	[sflag:s17] =	ssyncadd.s32 $0xFFFFC000  }
0x52: {  	[spmem:s2] =	stream.indirect.scatter.add.f32 [tilespmem:s16], [sflag:$0x1], $0x80, s18, s18, $0xb8;
	[tilespmem:$0x18800] =	vst v63  }
0x53: {  	_ =	swait.ge [sflag:s17], $0x4000  }
0x54: {  	[sflag:s17] =	ssyncset.done $0x0  }
0x55: {  	[sflag:s17] =	ssyncadd.s32 $0xFFFFC000  }
0x56: {  	[spmem:s2] =	stream.indirect.scatter.add.f32 [tilespmem:s16], [sflag:$0x1], $0x80, s19, s18, $0xb8;
	[tilespmem:$0x18800] =	vst v63  }
0x57: {  	_ =	swait.ge [sflag:s17], $0x4000  }
0x58: {  	[sflag:s17] =	ssyncset.done $0x0  }
0x59: {  	[sflag:s17] =	ssyncadd.s32 $0xFFFFC000  }
0x5a: {  	[spmem:s2] =	stream.indirect.scatter.add.f32 [tilespmem:s16], [sflag:$0x1], $0x80, s20, s18, $0xb8;
	[tilespmem:$0x18800] =	vst v63  }
0x5b: {  	_ =	swait.ge [sflag:s17], $0x4000  }
0x5c: {  	[sflag:s17] =	ssyncset.done $0x0  }
0x5d: {  	[sflag:s17] =	ssyncadd.s32 $0xFFFFC000  }
0x5e: {  	[spmem:s2] =	stream.indirect.scatter.add.f32 [tilespmem:s16], [sflag:$0x1], $0x80, s21, s18, $0xb8;
	[tilespmem:$0x18800] =	vst v63  }
0x5f: {  	_ =	swait.ge [sflag:s17], $0x4000  }
0x60: {  	[sflag:s17] =	ssyncset.done $0x0  }
0x61: {  	[sflag:s17] =	ssyncadd.s32 $0xFFFFC000  }
0x62: {  	[spmem:s2] =	stream.indirect.scatter.add.f32 [tilespmem:s16], [sflag:$0x1], $0x80, s22, s18, $0xb8;
	[tilespmem:$0x18800] =	vst v63  }
0x63: {  	_ =	swait.ge [sflag:s17], $0x4000  }
0x64: {  	[sflag:s17] =	ssyncset.done $0x0  }
0x65: {  	[sflag:s17] =	ssyncadd.s32 $0xFFFFC000  }
0x66: {  	[spmem:s2] =	stream.indirect.scatter.add.f32 [tilespmem:s16], [sflag:$0x1], $0x80, s23, s18, $0xb8;
	[tilespmem:$0x18800] =	vst v63  }
0x67: {  	_ =	swait.ge [sflag:s17], $0x4000  }
0x68: {  	[sflag:s17] =	ssyncset.done $0x0  }
0x69: {  	[sflag:s17] =	ssyncadd.s32 $0xFFFFC000  }
0x6a: {  	[spmem:s2] =	stream.indirect.scatter.add.f32 [tilespmem:s16], [sflag:$0x1], $0x80, s24, s18, $0xb8;
	[tilespmem:$0x18800] =	vst v63  }
0x6b: {  	_ =	swait.ge [sflag:s17], $0x4000  }
0x6c: {  	[sflag:s17] =	ssyncset.done $0x0  }
0x6d: {  	[sflag:s17] =	ssyncadd.s32 $0xFFFFC000  }
0x6e: {  	[spmem:s2] =	stream.indirect.scatter.add.f32 [tilespmem:s16], [sflag:$0x1], $0x80, s25, s18, $0xb8;
	[tilespmem:$0x18800] =	vst v63  }
0x6f: {  	_ =	swait.ge [sflag:s17], $0x4000  }
0x70: {  	[sflag:s17] =	ssyncset.done $0x0  }
0x71: {  	[sflag:s17] =	ssyncadd.s32 $0xFFFFC000  }
0x72: {  	[spmem:s2] =	stream.indirect.scatter.add.f32 [tilespmem:s16], [sflag:$0x1], $0x80, s26, s18, $0xb8;
	[tilespmem:$0x18800] =	vst v63  }
0x73: {  	_ =	swait.ge [sflag:s17], $0x4000  }
0x74: {  	[sflag:s17] =	ssyncset.done $0x0  }
0x75: {  	[sflag:s17] =	ssyncadd.s32 $0xFFFFC000  }
0x76: {  	[spmem:s2] =	stream.indirect.scatter.add.f32 [tilespmem:s16], [sflag:$0x1], $0x80, s28, s18, $0xb8;
	[tilespmem:$0x18800] =	vst v63  }
0x77: {  	_ =	swait.ge [sflag:s17], $0x4000  }
0x78: {  	[sflag:s17] =	ssyncset.done $0x0  }
0x79: {  	[sflag:s17] =	ssyncadd.s32 $0xFFFFC000  }
0x7a: {  	[spmem:s2] =	stream.indirect.scatter.add.f32 [tilespmem:s16], [sflag:$0x1], $0x80, s29, s18, $0xb8;
	[tilespmem:$0x18800] =	vst v63  }
0x7b: {  	_ =	swait.ge [sflag:s17], $0x4000  }
0x7c: {  	[sflag:s17] =	ssyncset.done $0x0  }
0x7d: {  	[sflag:s17] =	ssyncadd.s32 $0xFFFFC000  }
0x7e: {  	[spmem:s2] =	stream.indirect.scatter.add.f32 [tilespmem:s16], [sflag:$0x1], $0x80, s30, s18, $0xb8;
	[tilespmem:$0x18800] =	vst v63  }
0x7f: {  	_ =	swait.ge [sflag:s17], $0x4000  }
0x80: {  	[sflag:s17] =	ssyncset.done $0x0  }
0x81: {  	[sflag:s17] =	ssyncadd.s32 $0xFFFFC000  }
0x82: {  	[spmem:s2] =	stream.indirect.scatter.add.f32 [tilespmem:s16], [sflag:$0x1], $0x80, s31, s18, $0xb8;
	[tilespmem:$0x18800] =	vst v63  }
0x83: {  	_ =	swait.ge [sflag:s17], $0x4000  }
0x84: {  	[sflag:s17] =	ssyncset.done $0x0  }
0x85: {  	[sflag:s17] =	ssyncadd.s32 $0xFFFFC000  }
0x86: {  	[spmem:s2] =	stream.indirect.scatter.add.f32 [tilespmem:s16], [sflag:$0x1], $0x80, s1, s18, $0xb8;
	[tilespmem:$0x18800] =	vst v63  }
0x87: {  	_ =	swait.ge [sflag:s17], $0x4000  }
0x88: {  	[sflag:s17] =	ssyncset.done $0x0  }
0x89: {  	[sflag:s17] =	ssyncadd.s32 $0xFFFFC000  }
0x8a: {  	[spmem:s2] =	stream.indirect.scatter.add.f32 [tilespmem:s16], [sflag:$0x1], $0x80, s0, s18, $0xb8;
	[tilespmem:$0x18800] =	vst v63  }
0x8b: {  	_ =	swait.ge [sflag:s17], $0x4000  }
0x8c: {  	[sflag:s17] =	ssyncset.done $0x0  }
0x8d: {  	[sflag:s17] =	ssyncadd.s32 $0xFFFFC000  }
0x8e: {  	[tilespmem:s3], [sflag:$0x1] =	stream.linear.gather [hbm4b:s10+s3], $0x800, $0x38;
	[tilespmem:$0x18800] =	vst v63  }
0x8f: {  	_ =	swait.ge [sflag:s17], $0x800  }
0x90: {  	[sflag:s17] =	ssyncset.done $0x0  }
0x91: {  	[sflag:s17] =	ssyncadd.s32 $0xFFFFF800  }
0x92: {  	[spmem:s2] =	stream.indirect.scatter.add.f32 [tilespmem:s16], [sflag:$0x1], $0x80, s3, s18, $0xb8;
	[tilespmem:$0x18800] =	vst v63  }
0x93: {  	_ =	swait.ge [sflag:s17], $0x4000  }
0x94: {  	[sflag:s17] =	ssyncset.done $0x0  }
0x95: {  	[sflag:s17] =	ssyncadd.s32 $0xFFFFC000  }
0x96: {  	[spmem:s2] =	stream.indirect.scatter.add.f32 [tilespmem:s16], [sflag:$0x1], $0x80, s18, s18, $0xb8;
	[tilespmem:$0x18800] =	vst v63  }
0x97: {  	_ =	swait.ge [sflag:s17], $0x4000  }
0x98: {  	[sflag:s17] =	ssyncset.done $0x0  }
0x99: {  	[sflag:s17] =	ssyncadd.s32 $0xFFFFC000  }
0x9a: {  	[spmem:s2] =	stream.indirect.scatter.add.f32 [tilespmem:s16], [sflag:$0x1], $0x80, s19, s18, $0xb8;
	[tilespmem:$0x18800] =	vst v63  }
0x9b: {  	_ =	swait.ge [sflag:s17], $0x4000  }
0x9c: {  	[sflag:s17] =	ssyncset.done $0x0  }
0x9d: {  	[sflag:s17] =	ssyncadd.s32 $0xFFFFC000  }
0x9e: {  	[spmem:s2] =	stream.indirect.scatter.add.f32 [tilespmem:s16], [sflag:$0x1], $0x80, s20, s18, $0xb8;
	[tilespmem:$0x18800] =	vst v63  }
0x9f: {  	_ =	swait.ge [sflag:s17], $0x4000  }
0xa0: {  	[sflag:s17] =	ssyncset.done $0x0  }
0xa1: {  	[sflag:s17] =	ssyncadd.s32 $0xFFFFC000  }
0xa2: {  	[spmem:s2] =	stream.indirect.scatter.add.f32 [tilespmem:s16], [sflag:$0x1], $0x80, s21, s18, $0xb8;
	[tilespmem:$0x18800] =	vst v63  }
0xa3: {  	_ =	swait.ge [sflag:s17], $0x4000  }
0xa4: {  	[sflag:s17] =	ssyncset.done $0x0  }
0xa5: {  	[sflag:s17] =	ssyncadd.s32 $0xFFFFC000  }
0xa6: {  	[spmem:s2] =	stream.indirect.scatter.add.f32 [tilespmem:s16], [sflag:$0x1], $0x80, s22, s18, $0xb8;
	[tilespmem:$0x18800] =	vst v63  }
0xa7: {  	_ =	swait.ge [sflag:s17], $0x4000  }
0xa8: {  	[sflag:s17] =	ssyncset.done $0x0  }
0xa9: {  	[sflag:s17] =	ssyncadd.s32 $0xFFFFC000  }
0xaa: {  	[spmem:s2] =	stream.indirect.scatter.add.f32 [tilespmem:s16], [sflag:$0x1], $0x80, s23, s18, $0xb8;
	[tilespmem:$0x18800] =	vst v63  }
0xab: {  	_ =	swait.ge [sflag:s17], $0x4000  }
0xac: {  	[sflag:s17] =	ssyncset.done $0x0  }
0xad: {  	[sflag:s17] =	ssyncadd.s32 $0xFFFFC000  }
0xae: {  	[spmem:s2] =	stream.indirect.scatter.add.f32 [tilespmem:s16], [sflag:$0x1], $0x80, s24, s18, $0xb8;
	[tilespmem:$0x18800] =	vst v63  }
0xaf: {  	_ =	swait.ge [sflag:s17], $0x4000  }
0xb0: {  	[sflag:s17] =	ssyncset.done $0x0  }
0xb1: {  	[sflag:s17] =	ssyncadd.s32 $0xFFFFC000  }
0xb2: {  	[spmem:s2] =	stream.indirect.scatter.add.f32 [tilespmem:s16], [sflag:$0x1], $0x80, s25, s18, $0xb8;
	[tilespmem:$0x18800] =	vst v63  }
0xb3: {  	_ =	swait.ge [sflag:s17], $0x4000  }
0xb4: {  	[sflag:s17] =	ssyncset.done $0x0  }
0xb5: {  	[sflag:s17] =	ssyncadd.s32 $0xFFFFC000  }
0xb6: {  	[spmem:s2] =	stream.indirect.scatter.add.f32 [tilespmem:s16], [sflag:$0x1], $0x80, s26, s18, $0xb8;
	[tilespmem:$0x18800] =	vst v63  }
0xb7: {  	_ =	swait.ge [sflag:s17], $0x4000  }
0xb8: {  	[sflag:s17] =	ssyncset.done $0x0  }
0xb9: {  	[sflag:s17] =	ssyncadd.s32 $0xFFFFC000  }
0xba: {  	[spmem:s2] =	stream.indirect.scatter.add.f32 [tilespmem:s16], [sflag:$0x1], $0x80, s28, s18, $0xb8;
	[tilespmem:$0x18800] =	vst v63  }
0xbb: {  	_ =	swait.ge [sflag:s17], $0x4000  }
0xbc: {  	[sflag:s17] =	ssyncset.done $0x0  }
0xbd: {  	[sflag:s17] =	ssyncadd.s32 $0xFFFFC000  }
0xbe: {  	[spmem:s2] =	stream.indirect.scatter.add.f32 [tilespmem:s16], [sflag:$0x1], $0x80, s29, s18, $0xb8;
	[tilespmem:$0x18800] =	vst v63  }
0xbf: {  	_ =	swait.ge [sflag:s17], $0x4000  }
0xc0: {  	[sflag:s17] =	ssyncset.done $0x0  }
0xc1: {  	[sflag:s17] =	ssyncadd.s32 $0xFFFFC000  }
0xc2: {  	[spmem:s2] =	stream.indirect.scatter.add.f32 [tilespmem:s16], [sflag:$0x1], $0x80, s30, s18, $0xb8;
	[tilespmem:$0x18800] =	vst v63  }
0xc3: {  	_ =	swait.ge [sflag:s17], $0x4000  }
0xc4: {  	[sflag:s17] =	ssyncset.done $0x0  }
0xc5: {  	[sflag:s17] =	ssyncadd.s32 $0xFFFFC000  }
0xc6: {  	[spmem:s2] =	stream.indirect.scatter.add.f32 [tilespmem:s16], [sflag:$0x1], $0x80, s31, s18, $0xb8;
	[tilespmem:$0x18800] =	vst v63  }
0xc7: {  	_ =	swait.ge [sflag:s17], $0x4000  }
0xc8: {  	[sflag:s17] =	ssyncset.done $0x0  }
0xc9: {  	[sflag:s17] =	ssyncadd.s32 $0xFFFFC000  }
0xca: {  	[spmem:s2] =	stream.indirect.scatter.add.f32 [tilespmem:s16], [sflag:$0x1], $0x80, s1, s18, $0xb8;
	[tilespmem:$0x18800] =	vst v63  }
0xcb: {  	_ =	swait.ge [sflag:s17], $0x4000  }
0xcc: {  	[sflag:s17] =	ssyncset.done $0x0  }
0xcd: {  	[sflag:s17] =	ssyncadd.s32 $0xFFFFC000  }
0xce: {  	[spmem:s2] =	stream.indirect.scatter.add.f32 [tilespmem:s16], [sflag:$0x1], $0x80, s0, s18, $0xb8;
	[tilespmem:$0x18800] =	vst v63  }
0xcf: {  	_ =	swait.ge [sflag:s17], $0x4000  }
0xd0: {  	[sflag:s17] =	ssyncset.done $0x0  }
0xd1: {  	[sflag:s17] =	ssyncadd.s32 $0xFFFFC000  }
0xd2: {  	[tilespmem:s3], [sflag:$0x1] =	stream.linear.gather [hbm4b:s11+s3], $0x800, $0x38;
	[tilespmem:$0x18800] =	vst v63  }
0xd3: {  	_ =	swait.ge [sflag:s17], $0x800  }
0xd4: {  	[sflag:s17] =	ssyncset.done $0x0  }
0xd5: {  	[sflag:s17] =	ssyncadd.s32 $0xFFFFF800  }
0xd6: {  	[spmem:s2] =	stream.indirect.scatter.add.f32 [tilespmem:s16], [sflag:$0x1], $0x80, s3, s18, $0xb8;
	[tilespmem:$0x18800] =	vst v63  }
0xd7: {  	_ =	swait.ge [sflag:s17], $0x4000  }
0xd8: {  	[sflag:s17] =	ssyncset.done $0x0  }
0xd9: {  	[sflag:s17] =	ssyncadd.s32 $0xFFFFC000  }
0xda: {  	[spmem:s2] =	stream.indirect.scatter.add.f32 [tilespmem:s16], [sflag:$0x1], $0x80, s18, s18, $0xb8;
	[tilespmem:$0x18800] =	vst v63  }
0xdb: {  	_ =	swait.ge [sflag:s17], $0x4000  }
0xdc: {  	[sflag:s17] =	ssyncset.done $0x0  }
0xdd: {  	[sflag:s17] =	ssyncadd.s32 $0xFFFFC000  }
0xde: {  	[spmem:s2] =	stream.indirect.scatter.add.f32 [tilespmem:s16], [sflag:$0x1], $0x80, s19, s18, $0xb8;
	[tilespmem:$0x18800] =	vst v63  }
0xdf: {  	_ =	swait.ge [sflag:s17], $0x4000  }
0xe0: {  	[sflag:s17] =	ssyncset.done $0x0  }
0xe1: {  	[sflag:s17] =	ssyncadd.s32 $0xFFFFC000  }
0xe2: {  	[spmem:s2] =	stream.indirect.scatter.add.f32 [tilespmem:s16], [sflag:$0x1], $0x80, s20, s18, $0xb8;
	[tilespmem:$0x18800] =	vst v63  }
0xe3: {  	_ =	swait.ge [sflag:s17], $0x4000  }
0xe4: {  	[sflag:s17] =	ssyncset.done $0x0  }
0xe5: {  	[sflag:s17] =	ssyncadd.s32 $0xFFFFC000  }
0xe6: {  	[spmem:s2] =	stream.indirect.scatter.add.f32 [tilespmem:s16], [sflag:$0x1], $0x80, s21, s18, $0xb8;
	[tilespmem:$0x18800] =	vst v63  }
0xe7: {  	_ =	swait.ge [sflag:s17], $0x4000  }
0xe8: {  	[sflag:s17] =	ssyncset.done $0x0  }
0xe9: {  	[sflag:s17] =	ssyncadd.s32 $0xFFFFC000  }
0xea: {  	[spmem:s2] =	stream.indirect.scatter.add.f32 [tilespmem:s16], [sflag:$0x1], $0x80, s22, s18, $0xb8;
	[tilespmem:$0x18800] =	vst v63  }
0xeb: {  	_ =	swait.ge [sflag:s17], $0x4000  }
0xec: {  	[sflag:s17] =	ssyncset.done $0x0  }
0xed: {  	[sflag:s17] =	ssyncadd.s32 $0xFFFFC000  }
0xee: {  	[spmem:s2] =	stream.indirect.scatter.add.f32 [tilespmem:s16], [sflag:$0x1], $0x80, s23, s18, $0xb8;
	[tilespmem:$0x18800] =	vst v63  }
0xef: {  	_ =	swait.ge [sflag:s17], $0x4000  }
0xf0: {  	[sflag:s17] =	ssyncset.done $0x0  }
0xf1: {  	[sflag:s17] =	ssyncadd.s32 $0xFFFFC000  }
0xf2: {  	[spmem:s2] =	stream.indirect.scatter.add.f32 [tilespmem:s16], [sflag:$0x1], $0x80, s24, s18, $0xb8;
	[tilespmem:$0x18800] =	vst v63  }
0xf3: {  	_ =	swait.ge [sflag:s17], $0x4000  }
0xf4: {  	[sflag:s17] =	ssyncset.done $0x0  }
0xf5: {  	[sflag:s17] =	ssyncadd.s32 $0xFFFFC000  }
0xf6: {  	[spmem:s2] =	stream.indirect.scatter.add.f32 [tilespmem:s16], [sflag:$0x1], $0x80, s25, s18, $0xb8;
	[tilespmem:$0x18800] =	vst v63  }
0xf7: {  	_ =	swait.ge [sflag:s17], $0x4000  }
0xf8: {  	[sflag:s17] =	ssyncset.done $0x0  }
0xf9: {  	[sflag:s17] =	ssyncadd.s32 $0xFFFFC000  }
0xfa: {  	[spmem:s2] =	stream.indirect.scatter.add.f32 [tilespmem:s16], [sflag:$0x1], $0x80, s26, s18, $0xb8;
	[tilespmem:$0x18800] =	vst v63  }
0xfb: {  	_ =	swait.ge [sflag:s17], $0x4000  }
0xfc: {  	[sflag:s17] =	ssyncset.done $0x0  }
0xfd: {  	[sflag:s17] =	ssyncadd.s32 $0xFFFFC000  }
0xfe: {  	[spmem:s2] =	stream.indirect.scatter.add.f32 [tilespmem:s16], [sflag:$0x1], $0x80, s28, s18, $0xb8;
	[tilespmem:$0x18800] =	vst v63  }
0xff: {  	_ =	swait.ge [sflag:s17], $0x4000  }
0x100: {  	[sflag:s17] =	ssyncset.done $0x0  }
0x101: {  	[sflag:s17] =	ssyncadd.s32 $0xFFFFC000  }
0x102: {  	[spmem:s2] =	stream.indirect.scatter.add.f32 [tilespmem:s16], [sflag:$0x1], $0x80, s29, s18, $0xb8;
	[tilespmem:$0x18800] =	vst v63  }
0x103: {  	_ =	swait.ge [sflag:s17], $0x4000  }
0x104: {  	[sflag:s17] =	ssyncset.done $0x0  }
0x105: {  	[sflag:s17] =	ssyncadd.s32 $0xFFFFC000  }
0x106: {  	[spmem:s2] =	stream.indirect.scatter.add.f32 [tilespmem:s16], [sflag:$0x1], $0x80, s30, s18, $0xb8;
	[tilespmem:$0x18800] =	vst v63  }
0x107: {  	_ =	swait.ge [sflag:s17], $0x4000  }
0x108: {  	[sflag:s17] =	ssyncset.done $0x0  }
0x109: {  	[sflag:s17] =	ssyncadd.s32 $0xFFFFC000  }
0x10a: {  	[spmem:s2] =	stream.indirect.scatter.add.f32 [tilespmem:s16], [sflag:$0x1], $0x80, s31, s18, $0xb8;
	[tilespmem:$0x18800] =	vst v63  }
0x10b: {  	_ =	swait.ge [sflag:s17], $0x4000  }
0x10c: {  	[sflag:s17] =	ssyncset.done $0x0  }
0x10d: {  	[sflag:s17] =	ssyncadd.s32 $0xFFFFC000  }
0x10e: {  	[spmem:s2] =	stream.indirect.scatter.add.f32 [tilespmem:s16], [sflag:$0x1], $0x80, s1, s18, $0xb8;
	[tilespmem:$0x18800] =	vst v63  }
0x10f: {  	_ =	swait.ge [sflag:s17], $0x4000  }
0x110: {  	[sflag:s17] =	ssyncset.done $0x0  }
0x111: {  	[sflag:s17] =	ssyncadd.s32 $0xFFFFC000  }
0x112: {  	[spmem:s2] =	stream.indirect.scatter.add.f32 [tilespmem:s16], [sflag:$0x1], $0x80, s0, s18, $0xb8;
	[tilespmem:$0x18800] =	vst v63  }
0x113: {  	_ =	swait.ge [sflag:s17], $0x4000  }
0x114: {  	[sflag:s17] =	ssyncset.done $0x0  }
0x115: {  	[sflag:s17] =	ssyncadd.s32 $0xFFFFC000  }
0x116: {  	[tilespmem:s3], [sflag:$0x1] =	stream.linear.gather [hbm4b:s12+s3], $0x800, $0x38;
	[tilespmem:$0x18800] =	vst v63  }
0x117: {  	_ =	swait.ge [sflag:s17], $0x800  }
0x118: {  	[sflag:s17] =	ssyncset.done $0x0  }
0x119: {  	[sflag:s17] =	ssyncadd.s32 $0xFFFFF800  }
0x11a: {  	[spmem:s2] =	stream.indirect.scatter.add.f32 [tilespmem:s16], [sflag:$0x1], $0x80, s3, s18, $0xb8;
	[tilespmem:$0x18800] =	vst v63  }
0x11b: {  	_ =	swait.ge [sflag:s17], $0x4000  }
0x11c: {  	[sflag:s17] =	ssyncset.done $0x0  }
0x11d: {  	[sflag:s17] =	ssyncadd.s32 $0xFFFFC000  }
0x11e: {  	[spmem:s2] =	stream.indirect.scatter.add.f32 [tilespmem:s16], [sflag:$0x1], $0x80, s18, s18, $0xb8;
	[tilespmem:$0x18800] =	vst v63  }
0x11f: {  	_ =	swait.ge [sflag:s17], $0x4000  }
0x120: {  	[sflag:s17] =	ssyncset.done $0x0  }
0x121: {  	[sflag:s17] =	ssyncadd.s32 $0xFFFFC000  }
0x122: {  	[spmem:s2] =	stream.indirect.scatter.add.f32 [tilespmem:s16], [sflag:$0x1], $0x80, s19, s18, $0xb8;
	[tilespmem:$0x18800] =	vst v63  }
0x123: {  	_ =	swait.ge [sflag:s17], $0x4000  }
0x124: {  	[sflag:s17] =	ssyncset.done $0x0  }
0x125: {  	[sflag:s17] =	ssyncadd.s32 $0xFFFFC000  }
0x126: {  	[spmem:s2] =	stream.indirect.scatter.add.f32 [tilespmem:s16], [sflag:$0x1], $0x80, s20, s18, $0xb8;
	[tilespmem:$0x18800] =	vst v63  }
0x127: {  	_ =	swait.ge [sflag:s17], $0x4000  }
0x128: {  	[sflag:s17] =	ssyncset.done $0x0  }
0x129: {  	[sflag:s17] =	ssyncadd.s32 $0xFFFFC000  }
0x12a: {  	[spmem:s2] =	stream.indirect.scatter.add.f32 [tilespmem:s16], [sflag:$0x1], $0x80, s21, s18, $0xb8;
	[tilespmem:$0x18800] =	vst v63  }
0x12b: {  	_ =	swait.ge [sflag:s17], $0x4000  }
0x12c: {  	[sflag:s17] =	ssyncset.done $0x0  }
0x12d: {  	[sflag:s17] =	ssyncadd.s32 $0xFFFFC000  }
0x12e: {  	[spmem:s2] =	stream.indirect.scatter.add.f32 [tilespmem:s16], [sflag:$0x1], $0x80, s22, s18, $0xb8;
	[tilespmem:$0x18800] =	vst v63  }
0x12f: {  	_ =	swait.ge [sflag:s17], $0x4000  }
0x130: {  	[sflag:s17] =	ssyncset.done $0x0  }
0x131: {  	[sflag:s17] =	ssyncadd.s32 $0xFFFFC000  }
0x132: {  	[spmem:s2] =	stream.indirect.scatter.add.f32 [tilespmem:s16], [sflag:$0x1], $0x80, s23, s18, $0xb8;
	[tilespmem:$0x18800] =	vst v63  }
0x133: {  	_ =	swait.ge [sflag:s17], $0x4000  }
0x134: {  	[sflag:s17] =	ssyncset.done $0x0  }
0x135: {  	[sflag:s17] =	ssyncadd.s32 $0xFFFFC000  }
0x136: {  	[spmem:s2] =	stream.indirect.scatter.add.f32 [tilespmem:s16], [sflag:$0x1], $0x80, s24, s18, $0xb8;
	[tilespmem:$0x18800] =	vst v63  }
0x137: {  	_ =	swait.ge [sflag:s17], $0x4000  }
0x138: {  	[sflag:s17] =	ssyncset.done $0x0  }
0x139: {  	[sflag:s17] =	ssyncadd.s32 $0xFFFFC000  }
0x13a: {  	[spmem:s2] =	stream.indirect.scatter.add.f32 [tilespmem:s16], [sflag:$0x1], $0x80, s25, s18, $0xb8;
	[tilespmem:$0x18800] =	vst v63  }
0x13b: {  	_ =	swait.ge [sflag:s17], $0x4000  }
0x13c: {  	[sflag:s17] =	ssyncset.done $0x0  }
0x13d: {  	[sflag:s17] =	ssyncadd.s32 $0xFFFFC000  }
0x13e: {  	[spmem:s2] =	stream.indirect.scatter.add.f32 [tilespmem:s16], [sflag:$0x1], $0x80, s26, s18, $0xb8;
	[tilespmem:$0x18800] =	vst v63  }
0x13f: {  	_ =	swait.ge [sflag:s17], $0x4000  }
0x140: {  	[sflag:s17] =	ssyncset.done $0x0  }
0x141: {  	[sflag:s17] =	ssyncadd.s32 $0xFFFFC000  }
0x142: {  	[spmem:s2] =	stream.indirect.scatter.add.f32 [tilespmem:s16], [sflag:$0x1], $0x80, s28, s18, $0xb8;
	[tilespmem:$0x18800] =	vst v63  }
0x143: {  	_ =	swait.ge [sflag:s17], $0x4000  }
0x144: {  	[sflag:s17] =	ssyncset.done $0x0  }
0x145: {  	[sflag:s17] =	ssyncadd.s32 $0xFFFFC000  }
0x146: {  	[spmem:s2] =	stream.indirect.scatter.add.f32 [tilespmem:s16], [sflag:$0x1], $0x80, s29, s18, $0xb8;
	[tilespmem:$0x18800] =	vst v63  }
0x147: {  	_ =	swait.ge [sflag:s17], $0x4000  }
0x148: {  	[sflag:s17] =	ssyncset.done $0x0  }
0x149: {  	[sflag:s17] =	ssyncadd.s32 $0xFFFFC000  }
0x14a: {  	[spmem:s2] =	stream.indirect.scatter.add.f32 [tilespmem:s16], [sflag:$0x1], $0x80, s30, s18, $0xb8;
	[tilespmem:$0x18800] =	vst v63  }
0x14b: {  	_ =	swait.ge [sflag:s17], $0x4000  }
0x14c: {  	[sflag:s17] =	ssyncset.done $0x0  }
0x14d: {  	[sflag:s17] =	ssyncadd.s32 $0xFFFFC000  }
0x14e: {  	[spmem:s2] =	stream.indirect.scatter.add.f32 [tilespmem:s16], [sflag:$0x1], $0x80, s31, s18, $0xb8;
	[tilespmem:$0x18800] =	vst v63  }
0x14f: {  	_ =	swait.ge [sflag:s17], $0x4000  }
0x150: {  	[sflag:s17] =	ssyncset.done $0x0  }
0x151: {  	[sflag:s17] =	ssyncadd.s32 $0xFFFFC000  }
0x152: {  	[spmem:s2] =	stream.indirect.scatter.add.f32 [tilespmem:s16], [sflag:$0x1], $0x80, s1, s18, $0xb8;
	[tilespmem:$0x18800] =	vst v63  }
0x153: {  	_ =	swait.ge [sflag:s17], $0x4000  }
0x154: {  	[sflag:s17] =	ssyncset.done $0x0  }
0x155: {  	[sflag:s17] =	ssyncadd.s32 $0xFFFFC000  }
0x156: {  	[spmem:s2] =	stream.indirect.scatter.add.f32 [tilespmem:s16], [sflag:$0x1], $0x80, s0, s18, $0xb8;
	[tilespmem:$0x18800] =	vst v63  }
0x157: {  	_ =	swait.ge [sflag:s17], $0x4000  }
0x158: {  	[sflag:s17] =	ssyncset.done $0x0  }
0x159: {  	[sflag:s17] =	ssyncadd.s32 $0xFFFFC000  }
0x15a: {  	[tilespmem:s3], [sflag:$0x1] =	stream.linear.gather [hbm4b:s13+s3], $0x800, $0x38;
	[tilespmem:$0x18800] =	vst v63  }
0x15b: {  	_ =	swait.ge [sflag:s17], $0x800  }
0x15c: {  	[sflag:s17] =	ssyncset.done $0x0  }
0x15d: {  	[sflag:s17] =	ssyncadd.s32 $0xFFFFF800  }
0x15e: {  	[spmem:s2] =	stream.indirect.scatter.add.f32 [tilespmem:s16], [sflag:$0x1], $0x80, s3, s18, $0xb8;
	[tilespmem:$0x18800] =	vst v63  }
0x15f: {  	_ =	swait.ge [sflag:s17], $0x4000  }
0x160: {  	[sflag:s17] =	ssyncset.done $0x0  }
0x161: {  	[sflag:s17] =	ssyncadd.s32 $0xFFFFC000  }
0x162: {  	[spmem:s2] =	stream.indirect.scatter.add.f32 [tilespmem:s16], [sflag:$0x1], $0x80, s18, s18, $0xb8;
	[tilespmem:$0x18800] =	vst v63  }
0x163: {  	_ =	swait.ge [sflag:s17], $0x4000  }
0x164: {  	[sflag:s17] =	ssyncset.done $0x0  }
0x165: {  	[sflag:s17] =	ssyncadd.s32 $0xFFFFC000  }
0x166: {  	[spmem:s2] =	stream.indirect.scatter.add.f32 [tilespmem:s16], [sflag:$0x1], $0x80, s19, s18, $0xb8;
	[tilespmem:$0x18800] =	vst v63  }
0x167: {  	_ =	swait.ge [sflag:s17], $0x4000  }
0x168: {  	[sflag:s17] =	ssyncset.done $0x0  }
0x169: {  	[sflag:s17] =	ssyncadd.s32 $0xFFFFC000  }
0x16a: {  	[spmem:s2] =	stream.indirect.scatter.add.f32 [tilespmem:s16], [sflag:$0x1], $0x80, s20, s18, $0xb8;
	[tilespmem:$0x18800] =	vst v63  }
0x16b: {  	_ =	swait.ge [sflag:s17], $0x4000  }
0x16c: {  	[sflag:s17] =	ssyncset.done $0x0  }
0x16d: {  	[sflag:s17] =	ssyncadd.s32 $0xFFFFC000  }
0x16e: {  	[spmem:s2] =	stream.indirect.scatter.add.f32 [tilespmem:s16], [sflag:$0x1], $0x80, s21, s18, $0xb8;
	[tilespmem:$0x18800] =	vst v63  }
0x16f: {  	_ =	swait.ge [sflag:s17], $0x4000  }
0x170: {  	[sflag:s17] =	ssyncset.done $0x0  }
0x171: {  	[sflag:s17] =	ssyncadd.s32 $0xFFFFC000  }
0x172: {  	[spmem:s2] =	stream.indirect.scatter.add.f32 [tilespmem:s16], [sflag:$0x1], $0x80, s22, s18, $0xb8;
	[tilespmem:$0x18800] =	vst v63  }
0x173: {  	_ =	swait.ge [sflag:s17], $0x4000  }
0x174: {  	[sflag:s17] =	ssyncset.done $0x0  }
0x175: {  	[sflag:s17] =	ssyncadd.s32 $0xFFFFC000  }
0x176: {  	[spmem:s2] =	stream.indirect.scatter.add.f32 [tilespmem:s16], [sflag:$0x1], $0x80, s23, s18, $0xb8;
	[tilespmem:$0x18800] =	vst v63  }
0x177: {  	_ =	swait.ge [sflag:s17], $0x4000  }
0x178: {  	[sflag:s17] =	ssyncset.done $0x0  }
0x179: {  	[sflag:s17] =	ssyncadd.s32 $0xFFFFC000  }
0x17a: {  	[spmem:s2] =	stream.indirect.scatter.add.f32 [tilespmem:s16], [sflag:$0x1], $0x80, s24, s18, $0xb8;
	[tilespmem:$0x18800] =	vst v63  }
0x17b: {  	_ =	swait.ge [sflag:s17], $0x4000  }
0x17c: {  	[sflag:s17] =	ssyncset.done $0x0  }
0x17d: {  	[sflag:s17] =	ssyncadd.s32 $0xFFFFC000  }
0x17e: {  	[spmem:s2] =	stream.indirect.scatter.add.f32 [tilespmem:s16], [sflag:$0x1], $0x80, s25, s18, $0xb8;
	[tilespmem:$0x18800] =	vst v63  }
0x17f: {  	_ =	swait.ge [sflag:s17], $0x4000  }
0x180: {  	[sflag:s17] =	ssyncset.done $0x0  }
0x181: {  	[sflag:s17] =	ssyncadd.s32 $0xFFFFC000  }
0x182: {  	[spmem:s2] =	stream.indirect.scatter.add.f32 [tilespmem:s16], [sflag:$0x1], $0x80, s26, s18, $0xb8;
	[tilespmem:$0x18800] =	vst v63  }
0x183: {  	_ =	swait.ge [sflag:s17], $0x4000  }
0x184: {  	[sflag:s17] =	ssyncset.done $0x0  }
0x185: {  	[sflag:s17] =	ssyncadd.s32 $0xFFFFC000  }
0x186: {  	[spmem:s2] =	stream.indirect.scatter.add.f32 [tilespmem:s16], [sflag:$0x1], $0x80, s28, s18, $0xb8;
	[tilespmem:$0x18800] =	vst v63  }
0x187: {  	_ =	swait.ge [sflag:s17], $0x4000  }
0x188: {  	[sflag:s17] =	ssyncset.done $0x0  }
0x189: {  	[sflag:s17] =	ssyncadd.s32 $0xFFFFC000  }
0x18a: {  	[spmem:s2] =	stream.indirect.scatter.add.f32 [tilespmem:s16], [sflag:$0x1], $0x80, s29, s18, $0xb8;
	[tilespmem:$0x18800] =	vst v63  }
0x18b: {  	_ =	swait.ge [sflag:s17], $0x4000  }
0x18c: {  	[sflag:s17] =	ssyncset.done $0x0  }
0x18d: {  	[sflag:s17] =	ssyncadd.s32 $0xFFFFC000  }
0x18e: {  	[spmem:s2] =	stream.indirect.scatter.add.f32 [tilespmem:s16], [sflag:$0x1], $0x80, s30, s18, $0xb8;
	[tilespmem:$0x18800] =	vst v63  }
0x18f: {  	_ =	swait.ge [sflag:s17], $0x4000  }
0x190: {  	[sflag:s17] =	ssyncset.done $0x0  }
0x191: {  	[sflag:s17] =	ssyncadd.s32 $0xFFFFC000  }
0x192: {  	[spmem:s2] =	stream.indirect.scatter.add.f32 [tilespmem:s16], [sflag:$0x1], $0x80, s31, s18, $0xb8;
	[tilespmem:$0x18800] =	vst v63  }
0x193: {  	_ =	swait.ge [sflag:s17], $0x4000  }
0x194: {  	[sflag:s17] =	ssyncset.done $0x0  }
0x195: {  	[sflag:s17] =	ssyncadd.s32 $0xFFFFC000  }
0x196: {  	[spmem:s2] =	stream.indirect.scatter.add.f32 [tilespmem:s16], [sflag:$0x1], $0x80, s1, s18, $0xb8;
	[tilespmem:$0x18800] =	vst v63  }
0x197: {  	_ =	swait.ge [sflag:s17], $0x4000  }
0x198: {  	[sflag:s17] =	ssyncset.done $0x0  }
0x199: {  	[sflag:s17] =	ssyncadd.s32 $0xFFFFC000  }
0x19a: {  	[spmem:s2] =	stream.indirect.scatter.add.f32 [tilespmem:s16], [sflag:$0x1], $0x80, s0, s18, $0xb8;
	[tilespmem:$0x18800] =	vst v63  }
0x19b: {  	s7 =	stileid.u32;
	_ =	swait.ge [sflag:s17], $0x4000  }
0x19c: {  	s5 =	sadd.s32 $0x1, s5;
	s6 =	sshll.u32 s7, $0x6;
	[sflag:s17] =	ssyncset.done $0x0  }
0x19d: {  	s7 =	sshrl.u32 s4, $0x3;
	p0 =	sne.s32 s5, s15;
	[sflag:s17] =	ssyncadd.s32 $0xFFFFC000  }
.Ltmp2:
0x19e: {  	s6 =	sor.u32 $0x1C01, s6;
	[bflag:$0x0] =	sbarrier.arrive $0xFFFF;
	(pc) =	sbr.rel @p0 .LBB2_1-.Ltmp2, $4  }
0x19f: {  	[hbm:s14], [sflag:s6] =	dma.local [spmem:s7], $0x2800  }
0x1a0: {  	_ =	swait.ge [sflag:s17], $0x2800  }
0x1a1: {  	[sflag:s17] =	ssyncset.done $0x0  }
0x1a2: {  	[sflag:s17] =	ssyncadd.s32 $0xFFFFD800  }
0x1a3: {  	_ =	sfence.sel $0x180000  }
0x1a4: {  	[bflag:$0x0] =	sbarrier.arrive $0xFFFF  }
0x1a5: {  	_ =	strace $0x9000004A  }
0x1a6: {  	s0 =	stileid.u32;
	[bflag:$0x2] =	sbarrier.arrive $0xFFFF  }
0x1a7: {  	p0 =	sne.s32 s0, $0x0;
	s0 =	rddreg [dreg:$0x2]  }
0x1a8: {  	s0 =	sadd.s32 @!p0 $0x100000, s0  }
0x1a9: {  	[sflag:s0] =	ssyncadd.tile.s32 @!p0 $0x1;
	_ =	shalt  }
.Lfunc_end2:
_tile_overlayer_lowered:
.L_overlay_start_2:
0x1aa: {  	(tag) =	ssettag $0x2  }
0x1ab: {  	s0 =	rddreg [dreg:$0x0];
	s2 =	stileid.u32  }
0x1ac: {  	s1 =	rddreg [dreg:$0x1];
	p0 =	sne.s32 s2, $0x0  }
0x1ad: {  	s3 =	rddreg [dreg:$0x2];
	[bflag:$0x3] =	sbarrier.arrive $0xFFFF;
	s2 =	simm.s32 @!p0 $0x1C01  }
0x1ae: {  	[timem:s3], [sflag:s2] =	dma.local @!p0 [hbm:s0], s1  }
0x1af: {  	s0 =	simm.s32 @!p0 $0x1  }
0x1b0: {  	_ =	swait.ge @!p0 [sflag:s0], s1  }
0x1b1: {  	s1 =	ssub.s32 @!p0 $0x0, s1;
	[sflag:s0] =	ssyncset.done @!p0 $0x0  }
0x1b2: {  	[sflag:s0] =	ssyncadd.s32 @!p0 s1  }
0x1b3: {  	[bflag:$0x3] =	sbarrier.arrive $0xFFFF  }
0x1b4: {  	_ =	shalt  }

</sc_bundles>
